<compile_context>
chip_gen: v7x
topology: tpu7x:2x2x1
jax: 0.10.2.dev20260603
libtpu: 0.0.44.dev20260713+nightly
codegen_flags: <defaults>
</compile_context>

<pallas_src>
import jax
import jax.numpy as jnp
from jax import lax
from jax.experimental import pallas as pl
from jax.experimental.pallas import tpu as pltpu
from jax.experimental.pallas import tpu_sc as plsc

_BATCH = 16384
_ITEM_NUM = 100000
_USER_HALF = 50000
_LAT = 32
_PP = 16
_NC = 2
_NS = 16
_NW = _NC * _NS
_BPW = _BATCH // _NW
_CH = 128
_NCH = _BPW // _CH
_LANES = 16
_CN = 8192
_TSEC = 26624
_G1 = 13


def _repack_body(pb_t, pa_t, pc_t, b0_t, b1_t, a0_t, a1_t, c0_t, c1_t,
                 th_q0, th_q1, th_q2, th_q3,
                 gp_ref, th_ref):
    def pk(lo_ref, hi_ref):
        ul = lax.bitcast_convert_type(lo_ref[...], jnp.uint32)
        uh = lax.bitcast_convert_type(hi_ref[...], jnp.uint32)
        return jnp.bitwise_or(
            lax.shift_right_logical(ul, jnp.uint32(16)),
            jnp.bitwise_and(uh, jnp.uint32(0xFFFF0000)))

    pa_only = lax.shift_right_logical(
        lax.bitcast_convert_type(pa_t[...], jnp.uint32), jnp.uint32(16))
    packed = jnp.concatenate(
        [pk(b0_t, b1_t), pk(a0_t, a1_t), pk(c0_t, c1_t), pk(pb_t, pc_t),
         pa_only], axis=0)
    gp_ref[...] = jnp.swapaxes(
        lax.bitcast_convert_type(packed, jnp.int32), 0, 1)
    m_t = jnp.concatenate(
        [th_q0[...], th_q1[...], th_q2[...], th_q3[...]], axis=0)
    th_ref[...] = jnp.swapaxes(m_t, 0, 1)


def _repack(prompt_b, prompt_a, prompt_c, b0, b1, a0, a1, c0, c1, theta):
    f32 = jnp.float32
    grid = (_G1,)
    nmax = _ITEM_NUM // _CN
    col = lambda i: (0, jnp.minimum(i, nmax))
    row = lambda i: (i, 0)
    s16 = pl.BlockSpec((_PP, _CN), col)
    s32 = pl.BlockSpec((_LAT, _CN), col)
    tb = _CN // 4
    tsec = _TSEC // tb
    tmax = _ITEM_NUM // tb
    th_specs = [
        pl.BlockSpec((_LAT, tb),
                     lambda i, q=q: (0, jnp.minimum(q * tsec + i, tmax)))
        for q in range(4)
    ]
    return pl.pallas_call(
        _repack_body,
        grid=grid,
        in_specs=[s16, s16, s16, s32, s32, s32, s32, s32, s32] + th_specs,
        out_specs=[pl.BlockSpec((_CN, 128), row),
                   pl.BlockSpec((tb, 128), row)],
        out_shape=[jax.ShapeDtypeStruct((_G1 * _CN, 128), jnp.int32),
                   jax.ShapeDtypeStruct((_TSEC, 128), f32)],
    )(prompt_b.T, prompt_a.T, prompt_c.T, b0.T, b1.T, a0.T, a1.T,
      c0.T, c1.T, theta.T, theta.T, theta.T, theta.T)


def _sc_gather_body(item2_hbm, user_hbm, gp_hbm, th_hbm,
                    op, ot,
                    idx_v, usr_v, mod_v, u4_v,
                    gp_v, th_v,
                    gsem, wsem):
    wid = lax.axis_index("s") * _NC + lax.axis_index("c")
    base = pl.multiple_of(wid * _BPW, _BPW)
    pltpu.sync_copy(item2_hbm.at[pl.ds(base, _BPW)], idx_v)
    pltpu.sync_copy(user_hbm.at[pl.ds(base, _BPW)], usr_v)
    for t in range(_BPW // _LANES):
        sl = pl.ds(t * _LANES, _LANES)
        j = (t * _LANES) // _CH
        csl = pl.ds((t * _LANES) % _CH, _LANES)
        v = idx_v[sl]
        mod_v.at[j][csl] = jnp.where(v >= _ITEM_NUM, v - _ITEM_NUM, v)
        u = usr_v[sl]
        zero = jnp.zeros((_LANES,), jnp.int32)
        tsec = jnp.full((_LANES,), _TSEC, jnp.int32)
        off = (jnp.where(u >= _TSEC, tsec, zero)
               + jnp.where(u >= 2 * _TSEC, tsec, zero)
               + jnp.where(u >= 3 * _TSEC, tsec, zero))
        u4_v.at[j][csl] = u - off
    for j in range(_NCH):
        gathers = [
            pltpu.async_copy(gp_hbm.at[mod_v.at[j]], gp_v, gsem),
            pltpu.async_copy(th_hbm.at[u4_v.at[j]], th_v, gsem),
        ]
        for c in gathers:
            c.wait()
        row = pl.ds(base + j * _CH, _CH)
        writes = [
            pltpu.async_copy(gp_v, op.at[row], wsem),
            pltpu.async_copy(th_v, ot.at[row], wsem),
        ]
        for c in writes:
            c.wait()


def _sc_gather(item2, user, g_packed, th):
    f32 = jnp.float32
    out_type = (jax.ShapeDtypeStruct((_BATCH, 128), jnp.int32),
                jax.ShapeDtypeStruct((_BATCH, 128), f32))
    scratch = [
        pltpu.VMEM((_BPW,), jnp.int32),
        pltpu.VMEM((_BPW,), jnp.int32),
        pltpu.VMEM((_NCH, _CH), jnp.int32),
        pltpu.VMEM((_NCH, _CH), jnp.int32),
        pltpu.VMEM((_CH, 128), jnp.int32),
        pltpu.VMEM((_CH, 128), f32),
        pltpu.SemaphoreType.DMA,
        pltpu.SemaphoreType.DMA,
    ]
    mesh = plsc.VectorSubcoreMesh(core_axis_name="c", subcore_axis_name="s")
    return pl.kernel(
        _sc_gather_body, out_type=out_type, mesh=mesh,
        scratch_types=scratch,
    )(item2, user, g_packed, th)


_RB = 2048


def _combine_body(i2_ref, u_ref, op_ref, ot_ref,
                  sv0, sv1, W1r, fb1r, W2r, fb2r, W3r, fb3r, W4r, fb4r,
                  out_ref):
    f32 = jnp.float32
    w = op_ref[...]
    oe = lax.bitcast_convert_type(lax.shift_left(w, 16), f32)
    oo = lax.bitcast_convert_type(
        jnp.bitwise_and(w, jnp.int32(-65536)), f32)
    ot = ot_ref[...]
    sel = i2_ref[...] >= _ITEM_NUM
    latb = jnp.where(sel, oo[:, 0:32], oe[:, 0:32])
    lata = jnp.where(sel, oo[:, 32:64], oe[:, 32:64])
    latc = jnp.where(sel, oo[:, 64:96], oe[:, 64:96])
    pb = oe[:, 96:112]
    pa = oe[:, 112:128]
    pc = oo[:, 96:112]

    def lin(p, x, W, fb):
        return (jnp.dot(p, W[:_PP], preferred_element_type=f32)
                + jnp.dot(x, W[_PP:], preferred_element_type=f32) + fb)

    zb = lin(pb, latb, W1r[...], fb1r[...])
    za = lin(pa, lata, W2r[...], fb2r[...])
    zc = lin(pc, latc, W3r[...], fb3r[...])

    u = u_ref[...]
    th = jnp.where(u < _TSEC, ot[:, 0:32],
                   jnp.where(u < 2 * _TSEC, ot[:, 32:64],
                             jnp.where(u < 3 * _TSEC, ot[:, 64:96],
                                       ot[:, 96:128])))
    W4 = W4r[...]
    sv = jnp.where(u < _USER_HALF,
                   jnp.dot(sv0[...], W4[:_PP], preferred_element_type=f32),
                   jnp.dot(sv1[...], W4[:_PP], preferred_element_type=f32))
    zt = sv + jnp.dot(th, W4[_PP:], preferred_element_type=f32) + fb4r[...]

    nc = jax.nn.sigmoid(zc)
    nb = 8.0 * (jax.nn.sigmoid(zb) - 0.5)
    na = jax.nn.sigmoid(za)
    nt = 8.0 * (jax.nn.sigmoid(zt) - 0.5)
    out_ref[...] = nc + (1.0 - nc) / (1.0 + jnp.exp(-1.702 * na * (nt - nb)))


def _combine(i2, usr, op, ot, sv0, sv1, W1, fb1, W2, fb2, W3, fb3,
             W4, fb4):
    grid = (_BATCH // _RB,)
    row = lambda i: (i, 0)
    rep = lambda i: (0, 0)
    idx_spec = pl.BlockSpec((_RB, 1), row)
    g_spec = pl.BlockSpec((_RB, 128), row)
    sv_spec = pl.BlockSpec((1, _PP), rep)
    w_spec = pl.BlockSpec((_PP + _LAT, _LAT), rep)
    fb_spec = pl.BlockSpec((1, _LAT), rep)
    return pl.pallas_call(
        _combine_body,
        grid=grid,
        in_specs=[idx_spec, idx_spec, g_spec, g_spec,
                  sv_spec, sv_spec,
                  w_spec, fb_spec, w_spec, fb_spec,
                  w_spec, fb_spec, w_spec, fb_spec],
        out_specs=pl.BlockSpec((_RB, _LAT), row),
        out_shape=jax.ShapeDtypeStruct((_BATCH, _LAT), jnp.float32),
    )(i2, usr, op, ot, sv0, sv1, W1, fb1, W2, fb2, W3, fb3, W4, fb4)


def kernel(user, item, item2, theta, s_vec0, s_vec1, b0, b1, prompt_b,
           a0, a1, prompt_a, c0, c1, prompt_c,
           W1, fb1, W2, fb2, W3, fb3, W4, fb4):
    del item
    i2 = item2.astype(jnp.int32)
    usr = user.astype(jnp.int32)
    g_packed, th = _repack(prompt_b, prompt_a, prompt_c,
                           b0, b1, a0, a1, c0, c1, theta)
    op, ot = _sc_gather(i2, usr, g_packed, th)
    return _combine(
        i2.reshape(_BATCH, 1), usr.reshape(_BATCH, 1), op, ot,
        s_vec0.reshape(1, _PP), s_vec1.reshape(1, _PP),
        W1, fb1.reshape(1, _LAT), W2, fb2.reshape(1, _LAT),
        W3, fb3.reshape(1, _LAT), W4, fb4.reshape(1, _LAT))

# --- scband reference (transcript-rebuilt; emitter-appended) ---
"""Pipeline reference for scband-source-mirtnet-80582176408095 (READ-ONLY COPY).

The authoritative reference and input builder live on the scoring server;
editing this copy changes nothing except your own understanding.
"""

import jax, jax.numpy as jnp
import numpy as np

USER_NUM = 100000
ITEM_NUM = 100000
LAT = 32
PP = 16
NR = 2
BATCH = 16384
RANGE_SIZES = (50000, 50000)


def _xavier(key, shape):
    fan_in = shape[-1] if len(shape) > 1 else shape[0]
    fan_out = shape[0] if len(shape) > 1 else shape[0]
    limit = (6.0 / (fan_in + fan_out)) ** 0.5
    return jax.random.uniform(key, shape, minval=-limit, maxval=limit, dtype=jnp.float32)


def setup_inputs(seed: int = 0):
    key = jax.random.key(seed)
    ks = jax.random.split(key, 32)
    inp = {}
    inp['user'] = jax.random.randint(ks[0], (BATCH,), 0, USER_NUM)
    inp['item'] = jax.random.randint(ks[1], (BATCH,), 0, ITEM_NUM)
    inp['item2'] = jax.random.randint(ks[2], (BATCH,), 0, ITEM_NUM * NR)
    inp['theta'] = _xavier(ks[3], (USER_NUM, LAT))
    inp['s_vec0'] = jax.random.uniform(ks[4], (PP,), dtype=jnp.float32)
    inp['s_vec1'] = jax.random.uniform(ks[5], (PP,), dtype=jnp.float32)
    inp['b0'] = _xavier(ks[6], (ITEM_NUM, LAT))
    inp['b1'] = _xavier(ks[7], (ITEM_NUM, LAT))
    inp['prompt_b'] = _xavier(ks[8], (ITEM_NUM, PP))
    inp['a0'] = _xavier(ks[9], (ITEM_NUM, LAT))
    inp['a1'] = _xavier(ks[10], (ITEM_NUM, LAT))
    inp['prompt_a'] = _xavier(ks[11], (ITEM_NUM, PP))
    inp['c0'] = _xavier(ks[12], (ITEM_NUM, LAT))
    inp['c1'] = _xavier(ks[13], (ITEM_NUM, LAT))
    inp['prompt_c'] = _xavier(ks[14], (ITEM_NUM, PP))
    inp['W1'] = _xavier(ks[15], (PP + LAT, LAT))
    inp['fb1'] = jnp.zeros((LAT,), dtype=jnp.float32)
    inp['W2'] = _xavier(ks[16], (PP + LAT, LAT))
    inp['fb2'] = jnp.zeros((LAT,), dtype=jnp.float32)
    inp['W3'] = _xavier(ks[17], (PP + LAT, LAT))
    inp['fb3'] = jnp.zeros((LAT,), dtype=jnp.float32)
    inp['W4'] = _xavier(ks[18], (PP + LAT, LAT))
    inp['fb4'] = jnp.zeros((LAT,), dtype=jnp.float32)
    return inp


def reference(user, item, item2, theta, s_vec0, s_vec1, b0, b1, prompt_b, a0, a1, prompt_a, c0, c1, prompt_c, W1, fb1, W2, fb2, W3, fb3, W4, fb4):
    def lin(x, W, b):
        return x @ W + b

    prompt_b_rep = jnp.concatenate([prompt_b, prompt_b], axis=0)
    b_cat = jnp.concatenate([b0, b1], axis=0)
    new_b = jnp.concatenate([prompt_b_rep, b_cat], axis=1)[item2]
    new_b = lin(new_b, W1, fb1)

    prompt_a_rep = jnp.concatenate([prompt_a, prompt_a], axis=0)
    a_cat = jnp.concatenate([a0, a1], axis=0)
    new_a = jnp.concatenate([prompt_a_rep, a_cat], axis=1)[item2]
    new_a = lin(new_a, W2, fb2)

    prompt_c_rep = jnp.concatenate([prompt_c, prompt_c], axis=0)
    c_cat = jnp.concatenate([c0, c1], axis=0)
    new_c = jnp.concatenate([prompt_c_rep, c_cat], axis=1)[item2]
    new_c = lin(new_c, W3, fb3)
    new_c = jax.nn.sigmoid(new_c)

    temp_vectors = jnp.concatenate([
        jnp.tile(s_vec0[None, :], (RANGE_SIZES[0], 1)),
        jnp.tile(s_vec1[None, :], (RANGE_SIZES[1], 1)),
    ], axis=0)
    all_theta = jnp.concatenate([temp_vectors, theta], axis=1)
    new_theta = all_theta[user]
    new_theta = lin(new_theta, W4, fb4)

    value_range = 8.0
    new_theta = value_range * (jax.nn.sigmoid(new_theta) - 0.5)
    new_b = value_range * (jax.nn.sigmoid(new_b) - 0.5)
    new_a = 1.0 * jax.nn.sigmoid(new_a)

    D = 1.702
    return new_c + (1.0 - new_c) / (1.0 + jnp.exp(-D * new_a * (new_theta - new_b)))

if __name__ == "__main__":
    import jax
    _d = setup_inputs()
    print(jax.jit(kernel)(*tuple(_d.values())))

</pallas_src>

<mosaic_0001>
#map = affine_map<(d0, d1) -> (0)>
#map1 = affine_map<(d0, d1) -> (0, 0)>
module attributes {stable_mosaic.version = 14 : i64} {
  func.func @_sc_gather_body(%arg0: i32, %arg1: i32, %arg2: memref<16384xi32, #tpu.memory_space<hbm>>, %arg3: memref<16384xi32, #tpu.memory_space<hbm>>, %arg4: memref<106496x128xi32, #tpu.memory_space<hbm>>, %arg5: memref<26624x128xf32, #tpu.memory_space<hbm>>, %arg6: memref<16384x128xi32, #tpu.memory_space<hbm>>, %arg7: memref<16384x128xf32, #tpu.memory_space<hbm>>, %arg8: memref<512xi32, #tpu.memory_space<vmem>>, %arg9: memref<512xi32, #tpu.memory_space<vmem>>, %arg10: memref<4x128xi32, #tpu.memory_space<vmem>>, %arg11: memref<4x128xi32, #tpu.memory_space<vmem>>, %arg12: memref<128x128xi32, #tpu.memory_space<vmem>>, %arg13: memref<128x128xf32, #tpu.memory_space<vmem>>, %arg14: memref<!tpu.dma_semaphore, #tpu.memory_space<semaphore_mem>>, %arg15: memref<!tpu.dma_semaphore, #tpu.memory_space<semaphore_mem>>) attributes {dimension_semantics = [#tpu.dimension_semantics<core_parallel>, #tpu.dimension_semantics<subcore_parallel>], iteration_bounds = array<i64: 2, 16>, scalar_prefetch = 0 : i64, scratch_operands = 8 : i64, tpu.core_type = #tpu.core_type<sc_vector_subcore>, window_params = [{transform_indices = #map}, {transform_indices = #map}, {transform_indices = #map1}, {transform_indices = #map1}, {transform_indices = #map1}, {transform_indices = #map1}]} {
    %mul3A = arith.constant 2 : i32
    %mul3A_0 = arith.muli %arg1, %mul3A : i32
    %add3A = arith.addi %mul3A_0, %arg0 : i32
    %mul3A_1 = arith.constant 512 : i32
    %mul3A_2 = arith.muli %add3A, %mul3A_1 : i32
    %multiple_of3A = tpu.assume_multiple %mul3A_2, 512 : i32
    "tpu.region"() ({
      %run_scoped3A = tpu.sem_alloc : memref<!tpu.dma_semaphore, #tpu.memory_space<semaphore_mem>>
      %dma_start3A_1715 = tpu.memref_slice %arg2[%multiple_of3A] : memref<16384xi32, #tpu.memory_space<hbm>> -> memref<512xi32, #tpu.memory_space<hbm>>
      %dma_start3A_1716 = tpu.memref_slice %arg2[%multiple_of3A] : memref<16384xi32, #tpu.memory_space<hbm>> -> memref<512xi32, #tpu.memory_space<hbm>>
      tpu.enqueue_dma source(%dma_start3A_1716 : memref<512xi32, #tpu.memory_space<hbm>>) target(%arg8 : memref<512xi32, #tpu.memory_space<vmem>>) target_semaphore(%run_scoped3A : memref<!tpu.dma_semaphore, #tpu.memory_space<semaphore_mem>>)
      %dma_wait3A_1717 = tpu.memref_slice %arg2[%multiple_of3A] : memref<16384xi32, #tpu.memory_space<hbm>> -> memref<512xi32, #tpu.memory_space<hbm>>
      %dma_wait3A_1718 = tpu.memref_slice %arg2[%multiple_of3A] : memref<16384xi32, #tpu.memory_space<hbm>> -> memref<512xi32, #tpu.memory_space<hbm>>
      tpu.wait_dma2 semaphore(%run_scoped3A : memref<!tpu.dma_semaphore, #tpu.memory_space<semaphore_mem>>) src(%dma_wait3A_1718 : memref<512xi32, #tpu.memory_space<hbm>>) dst(%arg8 : memref<512xi32, #tpu.memory_space<vmem>>)
      tpu.yield
    }) : () -> ()
    "tpu.region"() ({
      %run_scoped3A = tpu.sem_alloc : memref<!tpu.dma_semaphore, #tpu.memory_space<semaphore_mem>>
      %dma_start3A_1715 = tpu.memref_slice %arg3[%multiple_of3A] : memref<16384xi32, #tpu.memory_space<hbm>> -> memref<512xi32, #tpu.memory_space<hbm>>
      %dma_start3A_1716 = tpu.memref_slice %arg3[%multiple_of3A] : memref<16384xi32, #tpu.memory_space<hbm>> -> memref<512xi32, #tpu.memory_space<hbm>>
      tpu.enqueue_dma source(%dma_start3A_1716 : memref<512xi32, #tpu.memory_space<hbm>>) target(%arg9 : memref<512xi32, #tpu.memory_space<vmem>>) target_semaphore(%run_scoped3A : memref<!tpu.dma_semaphore, #tpu.memory_space<semaphore_mem>>)
      %dma_wait3A_1717 = tpu.memref_slice %arg3[%multiple_of3A] : memref<16384xi32, #tpu.memory_space<hbm>> -> memref<512xi32, #tpu.memory_space<hbm>>
      %dma_wait3A_1718 = tpu.memref_slice %arg3[%multiple_of3A] : memref<16384xi32, #tpu.memory_space<hbm>> -> memref<512xi32, #tpu.memory_space<hbm>>
      tpu.wait_dma2 semaphore(%run_scoped3A : memref<!tpu.dma_semaphore, #tpu.memory_space<semaphore_mem>>) src(%dma_wait3A_1718 : memref<512xi32, #tpu.memory_space<hbm>>) dst(%arg9 : memref<512xi32, #tpu.memory_space<vmem>>)
      tpu.yield
    }) : () -> ()
    %get3A = arith.constant 0 : index
    %get3A_3 = tpu.vector_load %arg8[%get3A] {strides = array<i32>} : memref<512xi32, #tpu.memory_space<vmem>>, vector<16xi32>,
    %get3A_4 = vector.shape_cast %get3A_3 : vector<16xi32> to vector<16xi32>
    %ge3A = arith.constant 100000 : i32
    %ge3A_5 = vector.broadcast %ge3A : i32 to vector<16xi32>
    %ge3A_6 = arith.cmpi sge, %get3A_4, %ge3A_5 : vector<16xi32>
    %sub3A = arith.constant 100000 : i32
    %sub3A_7 = vector.broadcast %sub3A : i32 to vector<16xi32>
    %sub3A_8 = arith.subi %get3A_4, %sub3A_7 : vector<16xi32>
    %select_n3A = arith.select %ge3A_6, %sub3A_8, %get3A_4 : vector<16xi1>, vector<16xi32>
    %swap3A = arith.constant 0 : i32
    %swap3A_9 = arith.constant 0 : i32
    %swap3A_10 = tpu.memref_slice %arg10[%swap3A, %swap3A_9] : memref<4x128xi32, #tpu.memory_space<vmem>> -> memref<1x128xi32, #tpu.memory_space<vmem>>
    %swap3A_11 = tpu.memref_squeeze %swap3A_10 : memref<1x128xi32, #tpu.memory_space<vmem>> -> memref<128xi32, #tpu.memory_space<vmem>>
    %swap3A_12 = arith.constant 0 : index
    %swap3A_13 = tpu.vector_load %swap3A_11[%swap3A_12] {strides = array<i32>} : memref<128xi32, #tpu.memory_space<vmem>>, vector<16xi32>,
    %swap3A_14 = vector.shape_cast %swap3A_13 : vector<16xi32> to vector<16xi32>
    %swap3A_15 = vector.shape_cast %select_n3A : vector<16xi32> to vector<16xi32>
    tpu.vector_store %swap3A_11[%swap3A_12], %swap3A_15 {strides = array<i32>} : memref<128xi32, #tpu.memory_space<vmem>>, vector<16xi32>,
    %get3A_16 = arith.constant 0 : index
    %get3A_17 = tpu.vector_load %arg9[%get3A_16] {strides = array<i32>} : memref<512xi32, #tpu.memory_space<vmem>>, vector<16xi32>,
    %get3A_18 = vector.shape_cast %get3A_17 : vector<16xi32> to vector<16xi32>
    %broadcast_in_dim3A = arith.constant 0 : i32
    %broadcast_in_dim3A_19 = vector.broadcast %broadcast_in_dim3A : i32 to vector<16xi32>
    %broadcast_in_dim3A_20 = arith.constant 26624 : i32
    %broadcast_in_dim3A_21 = vector.broadcast %broadcast_in_dim3A_20 : i32 to vector<16xi32>
    %ge3A_22 = arith.constant 26624 : i32
    %ge3A_23 = vector.broadcast %ge3A_22 : i32 to vector<16xi32>
    %ge3A_24 = arith.cmpi sge, %get3A_18, %ge3A_23 : vector<16xi32>
    %select_n3A_25 = arith.select %ge3A_24, %broadcast_in_dim3A_21, %broadcast_in_dim3A_19 : vector<16xi1>, vector<16xi32>
    %ge3A_26 = arith.constant 53248 : i32
    %ge3A_27 = vector.broadcast %ge3A_26 : i32 to vector<16xi32>
    %ge3A_28 = arith.cmpi sge, %get3A_18, %ge3A_27 : vector<16xi32>
    %select_n3A_29 = arith.select %ge3A_28, %broadcast_in_dim3A_21, %broadcast_in_dim3A_19 : vector<16xi1>, vector<16xi32>
    %add3A_30 = arith.addi %select_n3A_25, %select_n3A_29 : vector<16xi32>
    %ge3A_31 = arith.constant 79872 : i32
    %ge3A_32 = vector.broadcast %ge3A_31 : i32 to vector<16xi32>
    %ge3A_33 = arith.cmpi sge, %get3A_18, %ge3A_32 : vector<16xi32>
    %select_n3A_34 = arith.select %ge3A_33, %broadcast_in_dim3A_21, %broadcast_in_dim3A_19 : vector<16xi1>, vector<16xi32>
    %add3A_35 = arith.addi %add3A_30, %select_n3A_34 : vector<16xi32>
    %sub3A_36 = arith.subi %get3A_18, %add3A_35 : vector<16xi32>
    %swap3A_37 = arith.constant 0 : i32
    %swap3A_38 = arith.constant 0 : i32
    %swap3A_39 = tpu.memref_slice %arg11[%swap3A_37, %swap3A_38] : memref<4x128xi32, #tpu.memory_space<vmem>> -> memref<1x128xi32, #tpu.memory_space<vmem>>
    %swap3A_40 = tpu.memref_squeeze %swap3A_39 : memref<1x128xi32, #tpu.memory_space<vmem>> -> memref<128xi32, #tpu.memory_space<vmem>>
    %swap3A_41 = arith.constant 0 : index
    %swap3A_42 = tpu.vector_load %swap3A_40[%swap3A_41] {strides = array<i32>} : memref<128xi32, #tpu.memory_space<vmem>>, vector<16xi32>,
    %swap3A_43 = vector.shape_cast %swap3A_42 : vector<16xi32> to vector<16xi32>
    %swap3A_44 = vector.shape_cast %sub3A_36 : vector<16xi32> to vector<16xi32>
    tpu.vector_store %swap3A_40[%swap3A_41], %swap3A_44 {strides = array<i32>} : memref<128xi32, #tpu.memory_space<vmem>>, vector<16xi32>,
    %get3A_45 = arith.constant 16 : index
    %get3A_46 = tpu.vector_load %arg8[%get3A_45] {strides = array<i32>} : memref<512xi32, #tpu.memory_space<vmem>>, vector<16xi32>,
    %get3A_47 = vector.shape_cast %get3A_46 : vector<16xi32> to vector<16xi32>
    %ge3A_48 = arith.constant 100000 : i32
    %ge3A_49 = vector.broadcast %ge3A_48 : i32 to vector<16xi32>
    %ge3A_50 = arith.cmpi sge, %get3A_47, %ge3A_49 : vector<16xi32>
    %sub3A_51 = arith.constant 100000 : i32
    %sub3A_52 = vector.broadcast %sub3A_51 : i32 to vector<16xi32>
    %sub3A_53 = arith.subi %get3A_47, %sub3A_52 : vector<16xi32>
    %select_n3A_54 = arith.select %ge3A_50, %sub3A_53, %get3A_47 : vector<16xi1>, vector<16xi32>
    %swap3A_55 = arith.constant 0 : i32
    %swap3A_56 = arith.constant 0 : i32
    %swap3A_57 = tpu.memref_slice %arg10[%swap3A_55, %swap3A_56] : memref<4x128xi32, #tpu.memory_space<vmem>> -> memref<1x128xi32, #tpu.memory_space<vmem>>
    %swap3A_58 = tpu.memref_squeeze %swap3A_57 : memref<1x128xi32, #tpu.memory_space<vmem>> -> memref<128xi32, #tpu.memory_space<vmem>>
    %swap3A_59 = arith.constant 16 : index
    %swap3A_60 = tpu.vector_load %swap3A_58[%swap3A_59] {strides = array<i32>} : memref<128xi32, #tpu.memory_space<vmem>>, vector<16xi32>,
    %swap3A_61 = vector.shape_cast %swap3A_60 : vector<16xi32> to vector<16xi32>
    %swap3A_62 = vector.shape_cast %select_n3A_54 : vector<16xi32> to vector<16xi32>
    tpu.vector_store %swap3A_58[%swap3A_59], %swap3A_62 {strides = array<i32>} : memref<128xi32, #tpu.memory_space<vmem>>, vector<16xi32>,
    %get3A_63 = arith.constant 16 : index
    %get3A_64 = tpu.vector_load %arg9[%get3A_63] {strides = array<i32>} : memref<512xi32, #tpu.memory_space<vmem>>, vector<16xi32>,
    %get3A_65 = vector.shape_cast %get3A_64 : vector<16xi32> to vector<16xi32>
    %broadcast_in_dim3A_66 = arith.constant 0 : i32
    %broadcast_in_dim3A_67 = vector.broadcast %broadcast_in_dim3A_66 : i32 to vector<16xi32>
    %broadcast_in_dim3A_68 = arith.constant 26624 : i32
    %broadcast_in_dim3A_69 = vector.broadcast %broadcast_in_dim3A_68 : i32 to vector<16xi32>
    %ge3A_70 = arith.constant 26624 : i32
    %ge3A_71 = vector.broadcast %ge3A_70 : i32 to vector<16xi32>
    %ge3A_72 = arith.cmpi sge, %get3A_65, %ge3A_71 : vector<16xi32>
    %select_n3A_73 = arith.select %ge3A_72, %broadcast_in_dim3A_69, %broadcast_in_dim3A_67 : vector<16xi1>, vector<16xi32>
    %ge3A_74 = arith.constant 53248 : i32
    %ge3A_75 = vector.broadcast %ge3A_74 : i32 to vector<16xi32>
    %ge3A_76 = arith.cmpi sge, %get3A_65, %ge3A_75 : vector<16xi32>
    %select_n3A_77 = arith.select %ge3A_76, %broadcast_in_dim3A_69, %broadcast_in_dim3A_67 : vector<16xi1>, vector<16xi32>
    %add3A_78 = arith.addi %select_n3A_73, %select_n3A_77 : vector<16xi32>
    %ge3A_79 = arith.constant 79872 : i32
    %ge3A_80 = vector.broadcast %ge3A_79 : i32 to vector<16xi32>
    %ge3A_81 = arith.cmpi sge, %get3A_65, %ge3A_80 : vector<16xi32>
    %select_n3A_82 = arith.select %ge3A_81, %broadcast_in_dim3A_69, %broadcast_in_dim3A_67 : vector<16xi1>, vector<16xi32>
    %add3A_83 = arith.addi %add3A_78, %select_n3A_82 : vector<16xi32>
    %sub3A_84 = arith.subi %get3A_65, %add3A_83 : vector<16xi32>
    %swap3A_85 = arith.constant 0 : i32
    %swap3A_86 = arith.constant 0 : i32
    %swap3A_87 = tpu.memref_slice %arg11[%swap3A_85, %swap3A_86] : memref<4x128xi32, #tpu.memory_space<vmem>> -> memref<1x128xi32, #tpu.memory_space<vmem>>
    %swap3A_88 = tpu.memref_squeeze %swap3A_87 : memref<1x128xi32, #tpu.memory_space<vmem>> -> memref<128xi32, #tpu.memory_space<vmem>>
    %swap3A_89 = arith.constant 16 : index
    %swap3A_90 = tpu.vector_load %swap3A_88[%swap3A_89] {strides = array<i32>} : memref<128xi32, #tpu.memory_space<vmem>>, vector<16xi32>,
    %swap3A_91 = vector.shape_cast %swap3A_90 : vector<16xi32> to vector<16xi32>
    %swap3A_92 = vector.shape_cast %sub3A_84 : vector<16xi32> to vector<16xi32>
    tpu.vector_store %swap3A_88[%swap3A_89], %swap3A_92 {strides = array<i32>} : memref<128xi32, #tpu.memory_space<vmem>>, vector<16xi32>,
    %get3A_93 = arith.constant 32 : index
    %get3A_94 = tpu.vector_load %arg8[%get3A_93] {strides = array<i32>} : memref<512xi32, #tpu.memory_space<vmem>>, vector<16xi32>,
    %get3A_95 = vector.shape_cast %get3A_94 : vector<16xi32> to vector<16xi32>
    %ge3A_96 = arith.constant 100000 : i32
    %ge3A_97 = vector.broadcast %ge3A_96 : i32 to vector<16xi32>
    %ge3A_98 = arith.cmpi sge, %get3A_95, %ge3A_97 : vector<16xi32>
    %sub3A_99 = arith.constant 100000 : i32
    %sub3A_100 = vector.broadcast %sub3A_99 : i32 to vector<16xi32>
    %sub3A_101 = arith.subi %get3A_95, %sub3A_100 : vector<16xi32>
    %select_n3A_102 = arith.select %ge3A_98, %sub3A_101, %get3A_95 : vector<16xi1>, vector<16xi32>
    %swap3A_103 = arith.constant 0 : i32
    %swap3A_104 = arith.constant 0 : i32
    %swap3A_105 = tpu.memref_slice %arg10[%swap3A_103, %swap3A_104] : memref<4x128xi32, #tpu.memory_space<vmem>> -> memref<1x128xi32, #tpu.memory_space<vmem>>
    %swap3A_106 = tpu.memref_squeeze %swap3A_105 : memref<1x128xi32, #tpu.memory_space<vmem>> -> memref<128xi32, #tpu.memory_space<vmem>>
    %swap3A_107 = arith.constant 32 : index
    %swap3A_108 = tpu.vector_load %swap3A_106[%swap3A_107] {strides = array<i32>} : memref<128xi32, #tpu.memory_space<vmem>>, vector<16xi32>,
    %swap3A_109 = vector.shape_cast %swap3A_108 : vector<16xi32> to vector<16xi32>
    %swap3A_110 = vector.shape_cast %select_n3A_102 : vector<16xi32> to vector<16xi32>
    tpu.vector_store %swap3A_106[%swap3A_107], %swap3A_110 {strides = array<i32>} : memref<128xi32, #tpu.memory_space<vmem>>, vector<16xi32>,
    %get3A_111 = arith.constant 32 : index
    %get3A_112 = tpu.vector_load %arg9[%get3A_111] {strides = array<i32>} : memref<512xi32, #tpu.memory_space<vmem>>, vector<16xi32>,
    %get3A_113 = vector.shape_cast %get3A_112 : vector<16xi32> to vector<16xi32>
    %broadcast_in_dim3A_114 = arith.constant 0 : i32
    %broadcast_in_dim3A_115 = vector.broadcast %broadcast_in_dim3A_114 : i32 to vector<16xi32>
    %broadcast_in_dim3A_116 = arith.constant 26624 : i32
    %broadcast_in_dim3A_117 = vector.broadcast %broadcast_in_dim3A_116 : i32 to vector<16xi32>
    %ge3A_118 = arith.constant 26624 : i32
    %ge3A_119 = vector.broadcast %ge3A_118 : i32 to vector<16xi32>
    %ge3A_120 = arith.cmpi sge, %get3A_113, %ge3A_119 : vector<16xi32>
    %select_n3A_121 = arith.select %ge3A_120, %broadcast_in_dim3A_117, %broadcast_in_dim3A_115 : vector<16xi1>, vector<16xi32>
    %ge3A_122 = arith.constant 53248 : i32
    %ge3A_123 = vector.broadcast %ge3A_122 : i32 to vector<16xi32>
    %ge3A_124 = arith.cmpi sge, %get3A_113, %ge3A_123 : vector<16xi32>
    %select_n3A_125 = arith.select %ge3A_124, %broadcast_in_dim3A_117, %broadcast_in_dim3A_115 : vector<16xi1>, vector<16xi32>
    %add3A_126 = arith.addi %select_n3A_121, %select_n3A_125 : vector<16xi32>
    %ge3A_127 = arith.constant 79872 : i32
    %ge3A_128 = vector.broadcast %ge3A_127 : i32 to vector<16xi32>
    %ge3A_129 = arith.cmpi sge, %get3A_113, %ge3A_128 : vector<16xi32>
    %select_n3A_130 = arith.select %ge3A_129, %broadcast_in_dim3A_117, %broadcast_in_dim3A_115 : vector<16xi1>, vector<16xi32>
    %add3A_131 = arith.addi %add3A_126, %select_n3A_130 : vector<16xi32>
    %sub3A_132 = arith.subi %get3A_113, %add3A_131 : vector<16xi32>
    %swap3A_133 = arith.constant 0 : i32
    %swap3A_134 = arith.constant 0 : i32
    %swap3A_135 = tpu.memref_slice %arg11[%swap3A_133, %swap3A_134] : memref<4x128xi32, #tpu.memory_space<vmem>> -> memref<1x128xi32, #tpu.memory_space<vmem>>
    %swap3A_136 = tpu.memref_squeeze %swap3A_135 : memref<1x128xi32, #tpu.memory_space<vmem>> -> memref<128xi32, #tpu.memory_space<vmem>>
    %swap3A_137 = arith.constant 32 : index
    %swap3A_138 = tpu.vector_load %swap3A_136[%swap3A_137] {strides = array<i32>} : memref<128xi32, #tpu.memory_space<vmem>>, vector<16xi32>,
    %swap3A_139 = vector.shape_cast %swap3A_138 : vector<16xi32> to vector<16xi32>
    %swap3A_140 = vector.shape_cast %sub3A_132 : vector<16xi32> to vector<16xi32>
    tpu.vector_store %swap3A_136[%swap3A_137], %swap3A_140 {strides = array<i32>} : memref<128xi32, #tpu.memory_space<vmem>>, vector<16xi32>,
    %get3A_141 = arith.constant 48 : index
    %get3A_142 = tpu.vector_load %arg8[%get3A_141] {strides = array<i32>} : memref<512xi32, #tpu.memory_space<vmem>>, vector<16xi32>,
    %get3A_143 = vector.shape_cast %get3A_142 : vector<16xi32> to vector<16xi32>
    %ge3A_144 = arith.constant 100000 : i32
    %ge3A_145 = vector.broadcast %ge3A_144 : i32 to vector<16xi32>
    %ge3A_146 = arith.cmpi sge, %get3A_143, %ge3A_145 : vector<16xi32>
    %sub3A_147 = arith.constant 100000 : i32
    %sub3A_148 = vector.broadcast %sub3A_147 : i32 to vector<16xi32>
    %sub3A_149 = arith.subi %get3A_143, %sub3A_148 : vector<16xi32>
    %select_n3A_150 = arith.select %ge3A_146, %sub3A_149, %get3A_143 : vector<16xi1>, vector<16xi32>
    %swap3A_151 = arith.constant 0 : i32
    %swap3A_152 = arith.constant 0 : i32
    %swap3A_153 = tpu.memref_slice %arg10[%swap3A_151, %swap3A_152] : memref<4x128xi32, #tpu.memory_space<vmem>> -> memref<1x128xi32, #tpu.memory_space<vmem>>
    %swap3A_154 = tpu.memref_squeeze %swap3A_153 : memref<1x128xi32, #tpu.memory_space<vmem>> -> memref<128xi32, #tpu.memory_space<vmem>>
    %swap3A_155 = arith.constant 48 : index
    %swap3A_156 = tpu.vector_load %swap3A_154[%swap3A_155] {strides = array<i32>} : memref<128xi32, #tpu.memory_space<vmem>>, vector<16xi32>,
    %swap3A_157 = vector.shape_cast %swap3A_156 : vector<16xi32> to vector<16xi32>
    %swap3A_158 = vector.shape_cast %select_n3A_150 : vector<16xi32> to vector<16xi32>
    tpu.vector_store %swap3A_154[%swap3A_155], %swap3A_158 {strides = array<i32>} : memref<128xi32, #tpu.memory_space<vmem>>, vector<16xi32>,
    %get3A_159 = arith.constant 48 : index
    %get3A_160 = tpu.vector_load %arg9[%get3A_159] {strides = array<i32>} : memref<512xi32, #tpu.memory_space<vmem>>, vector<16xi32>,
    %get3A_161 = vector.shape_cast %get3A_160 : vector<16xi32> to vector<16xi32>
    %broadcast_in_dim3A_162 = arith.constant 0 : i32
    %broadcast_in_dim3A_163 = vector.broadcast %broadcast_in_dim3A_162 : i32 to vector<16xi32>
    %broadcast_in_dim3A_164 = arith.constant 26624 : i32
    %broadcast_in_dim3A_165 = vector.broadcast %broadcast_in_dim3A_164 : i32 to vector<16xi32>
    %ge3A_166 = arith.constant 26624 : i32
    %ge3A_167 = vector.broadcast %ge3A_166 : i32 to vector<16xi32>
    %ge3A_168 = arith.cmpi sge, %get3A_161, %ge3A_167 : vector<16xi32>
    %select_n3A_169 = arith.select %ge3A_168, %broadcast_in_dim3A_165, %broadcast_in_dim3A_163 : vector<16xi1>, vector<16xi32>
    %ge3A_170 = arith.constant 53248 : i32
    %ge3A_171 = vector.broadcast %ge3A_170 : i32 to vector<16xi32>
    %ge3A_172 = arith.cmpi sge, %get3A_161, %ge3A_171 : vector<16xi32>
    %select_n3A_173 = arith.select %ge3A_172, %broadcast_in_dim3A_165, %broadcast_in_dim3A_163 : vector<16xi1>, vector<16xi32>
    %add3A_174 = arith.addi %select_n3A_169, %select_n3A_173 : vector<16xi32>
    %ge3A_175 = arith.constant 79872 : i32
    %ge3A_176 = vector.broadcast %ge3A_175 : i32 to vector<16xi32>
    %ge3A_177 = arith.cmpi sge, %get3A_161, %ge3A_176 : vector<16xi32>
    %select_n3A_178 = arith.select %ge3A_177, %broadcast_in_dim3A_165, %broadcast_in_dim3A_163 : vector<16xi1>, vector<16xi32>
    %add3A_179 = arith.addi %add3A_174, %select_n3A_178 : vector<16xi32>
    %sub3A_180 = arith.subi %get3A_161, %add3A_179 : vector<16xi32>
    %swap3A_181 = arith.constant 0 : i32
    %swap3A_182 = arith.constant 0 : i32
    %swap3A_183 = tpu.memref_slice %arg11[%swap3A_181, %swap3A_182] : memref<4x128xi32, #tpu.memory_space<vmem>> -> memref<1x128xi32, #tpu.memory_space<vmem>>
    %swap3A_184 = tpu.memref_squeeze %swap3A_183 : memref<1x128xi32, #tpu.memory_space<vmem>> -> memref<128xi32, #tpu.memory_space<vmem>>
    %swap3A_185 = arith.constant 48 : index
    %swap3A_186 = tpu.vector_load %swap3A_184[%swap3A_185] {strides = array<i32>} : memref<128xi32, #tpu.memory_space<vmem>>, vector<16xi32>,
    %swap3A_187 = vector.shape_cast %swap3A_186 : vector<16xi32> to vector<16xi32>
    %swap3A_188 = vector.shape_cast %sub3A_180 : vector<16xi32> to vector<16xi32>
    tpu.vector_store %swap3A_184[%swap3A_185], %swap3A_188 {strides = array<i32>} : memref<128xi32, #tpu.memory_space<vmem>>, vector<16xi32>,
    %get3A_189 = arith.constant 64 : index
    %get3A_190 = tpu.vector_load %arg8[%get3A_189] {strides = array<i32>} : memref<512xi32, #tpu.memory_space<vmem>>, vector<16xi32>,
    %get3A_191 = vector.shape_cast %get3A_190 : vector<16xi32> to vector<16xi32>
    %ge3A_192 = arith.constant 100000 : i32
    %ge3A_193 = vector.broadcast %ge3A_192 : i32 to vector<16xi32>
    %ge3A_194 = arith.cmpi sge, %get3A_191, %ge3A_193 : vector<16xi32>
    %sub3A_195 = arith.constant 100000 : i32
    %sub3A_196 = vector.broadcast %sub3A_195 : i32 to vector<16xi32>
    %sub3A_197 = arith.subi %get3A_191, %sub3A_196 : vector<16xi32>
    %select_n3A_198 = arith.select %ge3A_194, %sub3A_197, %get3A_191 : vector<16xi1>, vector<16xi32>
    %swap3A_199 = arith.constant 0 : i32
    %swap3A_200 = arith.constant 0 : i32
    %swap3A_201 = tpu.memref_slice %arg10[%swap3A_199, %swap3A_200] : memref<4x128xi32, #tpu.memory_space<vmem>> -> memref<1x128xi32, #tpu.memory_space<vmem>>
    %swap3A_202 = tpu.memref_squeeze %swap3A_201 : memref<1x128xi32, #tpu.memory_space<vmem>> -> memref<128xi32, #tpu.memory_space<vmem>>
    %swap3A_203 = arith.constant 64 : index
    %swap3A_204 = tpu.vector_load %swap3A_202[%swap3A_203] {strides = array<i32>} : memref<128xi32, #tpu.memory_space<vmem>>, vector<16xi32>,
    %swap3A_205 = vector.shape_cast %swap3A_204 : vector<16xi32> to vector<16xi32>
    %swap3A_206 = vector.shape_cast %select_n3A_198 : vector<16xi32> to vector<16xi32>
    tpu.vector_store %swap3A_202[%swap3A_203], %swap3A_206 {strides = array<i32>} : memref<128xi32, #tpu.memory_space<vmem>>, vector<16xi32>,
    %get3A_207 = arith.constant 64 : index
    %get3A_208 = tpu.vector_load %arg9[%get3A_207] {strides = array<i32>} : memref<512xi32, #tpu.memory_space<vmem>>, vector<16xi32>,
    %get3A_209 = vector.shape_cast %get3A_208 : vector<16xi32> to vector<16xi32>
    %broadcast_in_dim3A_210 = arith.constant 0 : i32
    %broadcast_in_dim3A_211 = vector.broadcast %broadcast_in_dim3A_210 : i32 to vector<16xi32>
    %broadcast_in_dim3A_212 = arith.constant 26624 : i32
    %broadcast_in_dim3A_213 = vector.broadcast %broadcast_in_dim3A_212 : i32 to vector<16xi32>
    %ge3A_214 = arith.constant 26624 : i32
    %ge3A_215 = vector.broadcast %ge3A_214 : i32 to vector<16xi32>
    %ge3A_216 = arith.cmpi sge, %get3A_209, %ge3A_215 : vector<16xi32>
    %select_n3A_217 = arith.select %ge3A_216, %broadcast_in_dim3A_213, %broadcast_in_dim3A_211 : vector<16xi1>, vector<16xi32>
    %ge3A_218 = arith.constant 53248 : i32
    %ge3A_219 = vector.broadcast %ge3A_218 : i32 to vector<16xi32>
    %ge3A_220 = arith.cmpi sge, %get3A_209, %ge3A_219 : vector<16xi32>
    %select_n3A_221 = arith.select %ge3A_220, %broadcast_in_dim3A_213, %broadcast_in_dim3A_211 : vector<16xi1>, vector<16xi32>
    %add3A_222 = arith.addi %select_n3A_217, %select_n3A_221 : vector<16xi32>
    %ge3A_223 = arith.constant 79872 : i32
    %ge3A_224 = vector.broadcast %ge3A_223 : i32 to vector<16xi32>
    %ge3A_225 = arith.cmpi sge, %get3A_209, %ge3A_224 : vector<16xi32>
    %select_n3A_226 = arith.select %ge3A_225, %broadcast_in_dim3A_213, %broadcast_in_dim3A_211 : vector<16xi1>, vector<16xi32>
    %add3A_227 = arith.addi %add3A_222, %select_n3A_226 : vector<16xi32>
    %sub3A_228 = arith.subi %get3A_209, %add3A_227 : vector<16xi32>
    %swap3A_229 = arith.constant 0 : i32
    %swap3A_230 = arith.constant 0 : i32
    %swap3A_231 = tpu.memref_slice %arg11[%swap3A_229, %swap3A_230] : memref<4x128xi32, #tpu.memory_space<vmem>> -> memref<1x128xi32, #tpu.memory_space<vmem>>
    %swap3A_232 = tpu.memref_squeeze %swap3A_231 : memref<1x128xi32, #tpu.memory_space<vmem>> -> memref<128xi32, #tpu.memory_space<vmem>>
    %swap3A_233 = arith.constant 64 : index
    %swap3A_234 = tpu.vector_load %swap3A_232[%swap3A_233] {strides = array<i32>} : memref<128xi32, #tpu.memory_space<vmem>>, vector<16xi32>,
    %swap3A_235 = vector.shape_cast %swap3A_234 : vector<16xi32> to vector<16xi32>
    %swap3A_236 = vector.shape_cast %sub3A_228 : vector<16xi32> to vector<16xi32>
    tpu.vector_store %swap3A_232[%swap3A_233], %swap3A_236 {strides = array<i32>} : memref<128xi32, #tpu.memory_space<vmem>>, vector<16xi32>,
    %get3A_237 = arith.constant 80 : index
    %get3A_238 = tpu.vector_load %arg8[%get3A_237] {strides = array<i32>} : memref<512xi32, #tpu.memory_space<vmem>>, vector<16xi32>,
    %get3A_239 = vector.shape_cast %get3A_238 : vector<16xi32> to vector<16xi32>
    %ge3A_240 = arith.constant 100000 : i32
    %ge3A_241 = vector.broadcast %ge3A_240 : i32 to vector<16xi32>
    %ge3A_242 = arith.cmpi sge, %get3A_239, %ge3A_241 : vector<16xi32>
    %sub3A_243 = arith.constant 100000 : i32
    %sub3A_244 = vector.broadcast %sub3A_243 : i32 to vector<16xi32>
    %sub3A_245 = arith.subi %get3A_239, %sub3A_244 : vector<16xi32>
    %select_n3A_246 = arith.select %ge3A_242, %sub3A_245, %get3A_239 : vector<16xi1>, vector<16xi32>
    %swap3A_247 = arith.constant 0 : i32
    %swap3A_248 = arith.constant 0 : i32
    %swap3A_249 = tpu.memref_slice %arg10[%swap3A_247, %swap3A_248] : memref<4x128xi32, #tpu.memory_space<vmem>> -> memref<1x128xi32, #tpu.memory_space<vmem>>
    %swap3A_250 = tpu.memref_squeeze %swap3A_249 : memref<1x128xi32, #tpu.memory_space<vmem>> -> memref<128xi32, #tpu.memory_space<vmem>>
    %swap3A_251 = arith.constant 80 : index
    %swap3A_252 = tpu.vector_load %swap3A_250[%swap3A_251] {strides = array<i32>} : memref<128xi32, #tpu.memory_space<vmem>>, vector<16xi32>,
    %swap3A_253 = vector.shape_cast %swap3A_252 : vector<16xi32> to vector<16xi32>
    %swap3A_254 = vector.shape_cast %select_n3A_246 : vector<16xi32> to vector<16xi32>
    tpu.vector_store %swap3A_250[%swap3A_251], %swap3A_254 {strides = array<i32>} : memref<128xi32, #tpu.memory_space<vmem>>, vector<16xi32>,
    %get3A_255 = arith.constant 80 : index
    %get3A_256 = tpu.vector_load %arg9[%get3A_255] {strides = array<i32>} : memref<512xi32, #tpu.memory_space<vmem>>, vector<16xi32>,
    %get3A_257 = vector.shape_cast %get3A_256 : vector<16xi32> to vector<16xi32>
    %broadcast_in_dim3A_258 = arith.constant 0 : i32
    %broadcast_in_dim3A_259 = vector.broadcast %broadcast_in_dim3A_258 : i32 to vector<16xi32>
    %broadcast_in_dim3A_260 = arith.constant 26624 : i32
    %broadcast_in_dim3A_261 = vector.broadcast %broadcast_in_dim3A_260 : i32 to vector<16xi32>
    %ge3A_262 = arith.constant 26624 : i32
    %ge3A_263 = vector.broadcast %ge3A_262 : i32 to vector<16xi32>
    %ge3A_264 = arith.cmpi sge, %get3A_257, %ge3A_263 : vector<16xi32>
    %select_n3A_265 = arith.select %ge3A_264, %broadcast_in_dim3A_261, %broadcast_in_dim3A_259 : vector<16xi1>, vector<16xi32>
    %ge3A_266 = arith.constant 53248 : i32
    %ge3A_267 = vector.broadcast %ge3A_266 : i32 to vector<16xi32>
    %ge3A_268 = arith.cmpi sge, %get3A_257, %ge3A_267 : vector<16xi32>
    %select_n3A_269 = arith.select %ge3A_268, %broadcast_in_dim3A_261, %broadcast_in_dim3A_259 : vector<16xi1>, vector<16xi32>
    %add3A_270 = arith.addi %select_n3A_265, %select_n3A_269 : vector<16xi32>
    %ge3A_271 = arith.constant 79872 : i32
    %ge3A_272 = vector.broadcast %ge3A_271 : i32 to vector<16xi32>
    %ge3A_273 = arith.cmpi sge, %get3A_257, %ge3A_272 : vector<16xi32>
    %select_n3A_274 = arith.select %ge3A_273, %broadcast_in_dim3A_261, %broadcast_in_dim3A_259 : vector<16xi1>, vector<16xi32>
    %add3A_275 = arith.addi %add3A_270, %select_n3A_274 : vector<16xi32>
    %sub3A_276 = arith.subi %get3A_257, %add3A_275 : vector<16xi32>
    %swap3A_277 = arith.constant 0 : i32
    %swap3A_278 = arith.constant 0 : i32
    %swap3A_279 = tpu.memref_slice %arg11[%swap3A_277, %swap3A_278] : memref<4x128xi32, #tpu.memory_space<vmem>> -> memref<1x128xi32, #tpu.memory_space<vmem>>
    %swap3A_280 = tpu.memref_squeeze %swap3A_279 : memref<1x128xi32, #tpu.memory_space<vmem>> -> memref<128xi32, #tpu.memory_space<vmem>>
    %swap3A_281 = arith.constant 80 : index
    %swap3A_282 = tpu.vector_load %swap3A_280[%swap3A_281] {strides = array<i32>} : memref<128xi32, #tpu.memory_space<vmem>>, vector<16xi32>,
    %swap3A_283 = vector.shape_cast %swap3A_282 : vector<16xi32> to vector<16xi32>
    %swap3A_284 = vector.shape_cast %sub3A_276 : vector<16xi32> to vector<16xi32>
    tpu.vector_store %swap3A_280[%swap3A_281], %swap3A_284 {strides = array<i32>} : memref<128xi32, #tpu.memory_space<vmem>>, vector<16xi32>,
    %get3A_285 = arith.constant 96 : index
    %get3A_286 = tpu.vector_load %arg8[%get3A_285] {strides = array<i32>} : memref<512xi32, #tpu.memory_space<vmem>>, vector<16xi32>,
    %get3A_287 = vector.shape_cast %get3A_286 : vector<16xi32> to vector<16xi32>
    %ge3A_288 = arith.constant 100000 : i32
    %ge3A_289 = vector.broadcast %ge3A_288 : i32 to vector<16xi32>
    %ge3A_290 = arith.cmpi sge, %get3A_287, %ge3A_289 : vector<16xi32>
    %sub3A_291 = arith.constant 100000 : i32
    %sub3A_292 = vector.broadcast %sub3A_291 : i32 to vector<16xi32>
    %sub3A_293 = arith.subi %get3A_287, %sub3A_292 : vector<16xi32>
    %select_n3A_294 = arith.select %ge3A_290, %sub3A_293, %get3A_287 : vector<16xi1>, vector<16xi32>
    %swap3A_295 = arith.constant 0 : i32
    %swap3A_296 = arith.constant 0 : i32
    %swap3A_297 = tpu.memref_slice %arg10[%swap3A_295, %swap3A_296] : memref<4x128xi32, #tpu.memory_space<vmem>> -> memref<1x128xi32, #tpu.memory_space<vmem>>
    %swap3A_298 = tpu.memref_squeeze %swap3A_297 : memref<1x128xi32, #tpu.memory_space<vmem>> -> memref<128xi32, #tpu.memory_space<vmem>>
    %swap3A_299 = arith.constant 96 : index
    %swap3A_300 = tpu.vector_load %swap3A_298[%swap3A_299] {strides = array<i32>} : memref<128xi32, #tpu.memory_space<vmem>>, vector<16xi32>,
    %swap3A_301 = vector.shape_cast %swap3A_300 : vector<16xi32> to vector<16xi32>
    %swap3A_302 = vector.shape_cast %select_n3A_294 : vector<16xi32> to vector<16xi32>
    tpu.vector_store %swap3A_298[%swap3A_299], %swap3A_302 {strides = array<i32>} : memref<128xi32, #tpu.memory_space<vmem>>, vector<16xi32>,
    %get3A_303 = arith.constant 96 : index
    %get3A_304 = tpu.vector_load %arg9[%get3A_303] {strides = array<i32>} : memref<512xi32, #tpu.memory_space<vmem>>, vector<16xi32>,
    %get3A_305 = vector.shape_cast %get3A_304 : vector<16xi32> to vector<16xi32>
    %broadcast_in_dim3A_306 = arith.constant 0 : i32
    %broadcast_in_dim3A_307 = vector.broadcast %broadcast_in_dim3A_306 : i32 to vector<16xi32>
    %broadcast_in_dim3A_308 = arith.constant 26624 : i32
    %broadcast_in_dim3A_309 = vector.broadcast %broadcast_in_dim3A_308 : i32 to vector<16xi32>
    %ge3A_310 = arith.constant 26624 : i32
    %ge3A_311 = vector.broadcast %ge3A_310 : i32 to vector<16xi32>
    %ge3A_312 = arith.cmpi sge, %get3A_305, %ge3A_311 : vector<16xi32>
    %select_n3A_313 = arith.select %ge3A_312, %broadcast_in_dim3A_309, %broadcast_in_dim3A_307 : vector<16xi1>, vector<16xi32>
    %ge3A_314 = arith.constant 53248 : i32
    %ge3A_315 = vector.broadcast %ge3A_314 : i32 to vector<16xi32>
    %ge3A_316 = arith.cmpi sge, %get3A_305, %ge3A_315 : vector<16xi32>
    %select_n3A_317 = arith.select %ge3A_316, %broadcast_in_dim3A_309, %broadcast_in_dim3A_307 : vector<16xi1>, vector<16xi32>
    %add3A_318 = arith.addi %select_n3A_313, %select_n3A_317 : vector<16xi32>
    %ge3A_319 = arith.constant 79872 : i32
    %ge3A_320 = vector.broadcast %ge3A_319 : i32 to vector<16xi32>
    %ge3A_321 = arith.cmpi sge, %get3A_305, %ge3A_320 : vector<16xi32>
    %select_n3A_322 = arith.select %ge3A_321, %broadcast_in_dim3A_309, %broadcast_in_dim3A_307 : vector<16xi1>, vector<16xi32>
    %add3A_323 = arith.addi %add3A_318, %select_n3A_322 : vector<16xi32>
    %sub3A_324 = arith.subi %get3A_305, %add3A_323 : vector<16xi32>
    %swap3A_325 = arith.constant 0 : i32
    %swap3A_326 = arith.constant 0 : i32
    %swap3A_327 = tpu.memref_slice %arg11[%swap3A_325, %swap3A_326] : memref<4x128xi32, #tpu.memory_space<vmem>> -> memref<1x128xi32, #tpu.memory_space<vmem>>
    %swap3A_328 = tpu.memref_squeeze %swap3A_327 : memref<1x128xi32, #tpu.memory_space<vmem>> -> memref<128xi32, #tpu.memory_space<vmem>>
    %swap3A_329 = arith.constant 96 : index
    %swap3A_330 = tpu.vector_load %swap3A_328[%swap3A_329] {strides = array<i32>} : memref<128xi32, #tpu.memory_space<vmem>>, vector<16xi32>,
    %swap3A_331 = vector.shape_cast %swap3A_330 : vector<16xi32> to vector<16xi32>
    %swap3A_332 = vector.shape_cast %sub3A_324 : vector<16xi32> to vector<16xi32>
    tpu.vector_store %swap3A_328[%swap3A_329], %swap3A_332 {strides = array<i32>} : memref<128xi32, #tpu.memory_space<vmem>>, vector<16xi32>,
    %get3A_333 = arith.constant 112 : index
    %get3A_334 = tpu.vector_load %arg8[%get3A_333] {strides = array<i32>} : memref<512xi32, #tpu.memory_space<vmem>>, vector<16xi32>,
    %get3A_335 = vector.shape_cast %get3A_334 : vector<16xi32> to vector<16xi32>
    %ge3A_336 = arith.constant 100000 : i32
    %ge3A_337 = vector.broadcast %ge3A_336 : i32 to vector<16xi32>
    %ge3A_338 = arith.cmpi sge, %get3A_335, %ge3A_337 : vector<16xi32>
    %sub3A_339 = arith.constant 100000 : i32
    %sub3A_340 = vector.broadcast %sub3A_339 : i32 to vector<16xi32>
    %sub3A_341 = arith.subi %get3A_335, %sub3A_340 : vector<16xi32>
    %select_n3A_342 = arith.select %ge3A_338, %sub3A_341, %get3A_335 : vector<16xi1>, vector<16xi32>
    %swap3A_343 = arith.constant 0 : i32
    %swap3A_344 = arith.constant 0 : i32
    %swap3A_345 = tpu.memref_slice %arg10[%swap3A_343, %swap3A_344] : memref<4x128xi32, #tpu.memory_space<vmem>> -> memref<1x128xi32, #tpu.memory_space<vmem>>
    %swap3A_346 = tpu.memref_squeeze %swap3A_345 : memref<1x128xi32, #tpu.memory_space<vmem>> -> memref<128xi32, #tpu.memory_space<vmem>>
    %swap3A_347 = arith.constant 112 : index
    %swap3A_348 = tpu.vector_load %swap3A_346[%swap3A_347] {strides = array<i32>} : memref<128xi32, #tpu.memory_space<vmem>>, vector<16xi32>,
    %swap3A_349 = vector.shape_cast %swap3A_348 : vector<16xi32> to vector<16xi32>
    %swap3A_350 = vector.shape_cast %select_n3A_342 : vector<16xi32> to vector<16xi32>
    tpu.vector_store %swap3A_346[%swap3A_347], %swap3A_350 {strides = array<i32>} : memref<128xi32, #tpu.memory_space<vmem>>, vector<16xi32>,
    %get3A_351 = arith.constant 112 : index
    %get3A_352 = tpu.vector_load %arg9[%get3A_351] {strides = array<i32>} : memref<512xi32, #tpu.memory_space<vmem>>, vector<16xi32>,
    %get3A_353 = vector.shape_cast %get3A_352 : vector<16xi32> to vector<16xi32>
    %broadcast_in_dim3A_354 = arith.constant 0 : i32
    %broadcast_in_dim3A_355 = vector.broadcast %broadcast_in_dim3A_354 : i32 to vector<16xi32>
    %broadcast_in_dim3A_356 = arith.constant 26624 : i32
    %broadcast_in_dim3A_357 = vector.broadcast %broadcast_in_dim3A_356 : i32 to vector<16xi32>
    %ge3A_358 = arith.constant 26624 : i32
    %ge3A_359 = vector.broadcast %ge3A_358 : i32 to vector<16xi32>
    %ge3A_360 = arith.cmpi sge, %get3A_353, %ge3A_359 : vector<16xi32>
    %select_n3A_361 = arith.select %ge3A_360, %broadcast_in_dim3A_357, %broadcast_in_dim3A_355 : vector<16xi1>, vector<16xi32>
    %ge3A_362 = arith.constant 53248 : i32
    %ge3A_363 = vector.broadcast %ge3A_362 : i32 to vector<16xi32>
    %ge3A_364 = arith.cmpi sge, %get3A_353, %ge3A_363 : vector<16xi32>
    %select_n3A_365 = arith.select %ge3A_364, %broadcast_in_dim3A_357, %broadcast_in_dim3A_355 : vector<16xi1>, vector<16xi32>
    %add3A_366 = arith.addi %select_n3A_361, %select_n3A_365 : vector<16xi32>
    %ge3A_367 = arith.constant 79872 : i32
    %ge3A_368 = vector.broadcast %ge3A_367 : i32 to vector<16xi32>
    %ge3A_369 = arith.cmpi sge, %get3A_353, %ge3A_368 : vector<16xi32>
    %select_n3A_370 = arith.select %ge3A_369, %broadcast_in_dim3A_357, %broadcast_in_dim3A_355 : vector<16xi1>, vector<16xi32>
    %add3A_371 = arith.addi %add3A_366, %select_n3A_370 : vector<16xi32>
    %sub3A_372 = arith.subi %get3A_353, %add3A_371 : vector<16xi32>
    %swap3A_373 = arith.constant 0 : i32
    %swap3A_374 = arith.constant 0 : i32
    %swap3A_375 = tpu.memref_slice %arg11[%swap3A_373, %swap3A_374] : memref<4x128xi32, #tpu.memory_space<vmem>> -> memref<1x128xi32, #tpu.memory_space<vmem>>
    %swap3A_376 = tpu.memref_squeeze %swap3A_375 : memref<1x128xi32, #tpu.memory_space<vmem>> -> memref<128xi32, #tpu.memory_space<vmem>>
    %swap3A_377 = arith.constant 112 : index
    %swap3A_378 = tpu.vector_load %swap3A_376[%swap3A_377] {strides = array<i32>} : memref<128xi32, #tpu.memory_space<vmem>>, vector<16xi32>,
    %swap3A_379 = vector.shape_cast %swap3A_378 : vector<16xi32> to vector<16xi32>
    %swap3A_380 = vector.shape_cast %sub3A_372 : vector<16xi32> to vector<16xi32>
    tpu.vector_store %swap3A_376[%swap3A_377], %swap3A_380 {strides = array<i32>} : memref<128xi32, #tpu.memory_space<vmem>>, vector<16xi32>,
    %get3A_381 = arith.constant 128 : index
    %get3A_382 = tpu.vector_load %arg8[%get3A_381] {strides = array<i32>} : memref<512xi32, #tpu.memory_space<vmem>>, vector<16xi32>,
    %get3A_383 = vector.shape_cast %get3A_382 : vector<16xi32> to vector<16xi32>
    %ge3A_384 = arith.constant 100000 : i32
    %ge3A_385 = vector.broadcast %ge3A_384 : i32 to vector<16xi32>
    %ge3A_386 = arith.cmpi sge, %get3A_383, %ge3A_385 : vector<16xi32>
    %sub3A_387 = arith.constant 100000 : i32
    %sub3A_388 = vector.broadcast %sub3A_387 : i32 to vector<16xi32>
    %sub3A_389 = arith.subi %get3A_383, %sub3A_388 : vector<16xi32>
    %select_n3A_390 = arith.select %ge3A_386, %sub3A_389, %get3A_383 : vector<16xi1>, vector<16xi32>
    %swap3A_391 = arith.constant 1 : i32
    %swap3A_392 = arith.constant 0 : i32
    %swap3A_393 = tpu.memref_slice %arg10[%swap3A_391, %swap3A_392] : memref<4x128xi32, #tpu.memory_space<vmem>> -> memref<1x128xi32, #tpu.memory_space<vmem>>
    %swap3A_394 = tpu.memref_squeeze %swap3A_393 : memref<1x128xi32, #tpu.memory_space<vmem>> -> memref<128xi32, #tpu.memory_space<vmem>>
    %swap3A_395 = arith.constant 0 : index
    %swap3A_396 = tpu.vector_load %swap3A_394[%swap3A_395] {strides = array<i32>} : memref<128xi32, #tpu.memory_space<vmem>>, vector<16xi32>,
    %swap3A_397 = vector.shape_cast %swap3A_396 : vector<16xi32> to vector<16xi32>
    %swap3A_398 = vector.shape_cast %select_n3A_390 : vector<16xi32> to vector<16xi32>
    tpu.vector_store %swap3A_394[%swap3A_395], %swap3A_398 {strides = array<i32>} : memref<128xi32, #tpu.memory_space<vmem>>, vector<16xi32>,
    %get3A_399 = arith.constant 128 : index
    %get3A_400 = tpu.vector_load %arg9[%get3A_399] {strides = array<i32>} : memref<512xi32, #tpu.memory_space<vmem>>, vector<16xi32>,
    %get3A_401 = vector.shape_cast %get3A_400 : vector<16xi32> to vector<16xi32>
    %broadcast_in_dim3A_402 = arith.constant 0 : i32
    %broadcast_in_dim3A_403 = vector.broadcast %broadcast_in_dim3A_402 : i32 to vector<16xi32>
    %broadcast_in_dim3A_404 = arith.constant 26624 : i32
    %broadcast_in_dim3A_405 = vector.broadcast %broadcast_in_dim3A_404 : i32 to vector<16xi32>
    %ge3A_406 = arith.constant 26624 : i32
    %ge3A_407 = vector.broadcast %ge3A_406 : i32 to vector<16xi32>
    %ge3A_408 = arith.cmpi sge, %get3A_401, %ge3A_407 : vector<16xi32>
    %select_n3A_409 = arith.select %ge3A_408, %broadcast_in_dim3A_405, %broadcast_in_dim3A_403 : vector<16xi1>, vector<16xi32>
    %ge3A_410 = arith.constant 53248 : i32
    %ge3A_411 = vector.broadcast %ge3A_410 : i32 to vector<16xi32>
    %ge3A_412 = arith.cmpi sge, %get3A_401, %ge3A_411 : vector<16xi32>
    %select_n3A_413 = arith.select %ge3A_412, %broadcast_in_dim3A_405, %broadcast_in_dim3A_403 : vector<16xi1>, vector<16xi32>
    %add3A_414 = arith.addi %select_n3A_409, %select_n3A_413 : vector<16xi32>
    %ge3A_415 = arith.constant 79872 : i32
    %ge3A_416 = vector.broadcast %ge3A_415 : i32 to vector<16xi32>
    %ge3A_417 = arith.cmpi sge, %get3A_401, %ge3A_416 : vector<16xi32>
    %select_n3A_418 = arith.select %ge3A_417, %broadcast_in_dim3A_405, %broadcast_in_dim3A_403 : vector<16xi1>, vector<16xi32>
    %add3A_419 = arith.addi %add3A_414, %select_n3A_418 : vector<16xi32>
    %sub3A_420 = arith.subi %get3A_401, %add3A_419 : vector<16xi32>
    %swap3A_421 = arith.constant 1 : i32
    %swap3A_422 = arith.constant 0 : i32
    %swap3A_423 = tpu.memref_slice %arg11[%swap3A_421, %swap3A_422] : memref<4x128xi32, #tpu.memory_space<vmem>> -> memref<1x128xi32, #tpu.memory_space<vmem>>
    %swap3A_424 = tpu.memref_squeeze %swap3A_423 : memref<1x128xi32, #tpu.memory_space<vmem>> -> memref<128xi32, #tpu.memory_space<vmem>>
    %swap3A_425 = arith.constant 0 : index
    %swap3A_426 = tpu.vector_load %swap3A_424[%swap3A_425] {strides = array<i32>} : memref<128xi32, #tpu.memory_space<vmem>>, vector<16xi32>,
    %swap3A_427 = vector.shape_cast %swap3A_426 : vector<16xi32> to vector<16xi32>
    %swap3A_428 = vector.shape_cast %sub3A_420 : vector<16xi32> to vector<16xi32>
    tpu.vector_store %swap3A_424[%swap3A_425], %swap3A_428 {strides = array<i32>} : memref<128xi32, #tpu.memory_space<vmem>>, vector<16xi32>,
    %get3A_429 = arith.constant 144 : index
    %get3A_430 = tpu.vector_load %arg8[%get3A_429] {strides = array<i32>} : memref<512xi32, #tpu.memory_space<vmem>>, vector<16xi32>,
    %get3A_431 = vector.shape_cast %get3A_430 : vector<16xi32> to vector<16xi32>
    %ge3A_432 = arith.constant 100000 : i32
    %ge3A_433 = vector.broadcast %ge3A_432 : i32 to vector<16xi32>
    %ge3A_434 = arith.cmpi sge, %get3A_431, %ge3A_433 : vector<16xi32>
    %sub3A_435 = arith.constant 100000 : i32
    %sub3A_436 = vector.broadcast %sub3A_435 : i32 to vector<16xi32>
    %sub3A_437 = arith.subi %get3A_431, %sub3A_436 : vector<16xi32>
    %select_n3A_438 = arith.select %ge3A_434, %sub3A_437, %get3A_431 : vector<16xi1>, vector<16xi32>
    %swap3A_439 = arith.constant 1 : i32
    %swap3A_440 = arith.constant 0 : i32
    %swap3A_441 = tpu.memref_slice %arg10[%swap3A_439, %swap3A_440] : memref<4x128xi32, #tpu.memory_space<vmem>> -> memref<1x128xi32, #tpu.memory_space<vmem>>
    %swap3A_442 = tpu.memref_squeeze %swap3A_441 : memref<1x128xi32, #tpu.memory_space<vmem>> -> memref<128xi32, #tpu.memory_space<vmem>>
    %swap3A_443 = arith.constant 16 : index
    %swap3A_444 = tpu.vector_load %swap3A_442[%swap3A_443] {strides = array<i32>} : memref<128xi32, #tpu.memory_space<vmem>>, vector<16xi32>,
    %swap3A_445 = vector.shape_cast %swap3A_444 : vector<16xi32> to vector<16xi32>
    %swap3A_446 = vector.shape_cast %select_n3A_438 : vector<16xi32> to vector<16xi32>
    tpu.vector_store %swap3A_442[%swap3A_443], %swap3A_446 {strides = array<i32>} : memref<128xi32, #tpu.memory_space<vmem>>, vector<16xi32>,
    %get3A_447 = arith.constant 144 : index
    %get3A_448 = tpu.vector_load %arg9[%get3A_447] {strides = array<i32>} : memref<512xi32, #tpu.memory_space<vmem>>, vector<16xi32>,
    %get3A_449 = vector.shape_cast %get3A_448 : vector<16xi32> to vector<16xi32>
    %broadcast_in_dim3A_450 = arith.constant 0 : i32
    %broadcast_in_dim3A_451 = vector.broadcast %broadcast_in_dim3A_450 : i32 to vector<16xi32>
    %broadcast_in_dim3A_452 = arith.constant 26624 : i32
    %broadcast_in_dim3A_453 = vector.broadcast %broadcast_in_dim3A_452 : i32 to vector<16xi32>
    %ge3A_454 = arith.constant 26624 : i32
    %ge3A_455 = vector.broadcast %ge3A_454 : i32 to vector<16xi32>
    %ge3A_456 = arith.cmpi sge, %get3A_449, %ge3A_455 : vector<16xi32>
    %select_n3A_457 = arith.select %ge3A_456, %broadcast_in_dim3A_453, %broadcast_in_dim3A_451 : vector<16xi1>, vector<16xi32>
    %ge3A_458 = arith.constant 53248 : i32
    %ge3A_459 = vector.broadcast %ge3A_458 : i32 to vector<16xi32>
    %ge3A_460 = arith.cmpi sge, %get3A_449, %ge3A_459 : vector<16xi32>
    %select_n3A_461 = arith.select %ge3A_460, %broadcast_in_dim3A_453, %broadcast_in_dim3A_451 : vector<16xi1>, vector<16xi32>
    %add3A_462 = arith.addi %select_n3A_457, %select_n3A_461 : vector<16xi32>
    %ge3A_463 = arith.constant 79872 : i32
    %ge3A_464 = vector.broadcast %ge3A_463 : i32 to vector<16xi32>
    %ge3A_465 = arith.cmpi sge, %get3A_449, %ge3A_464 : vector<16xi32>
    %select_n3A_466 = arith.select %ge3A_465, %broadcast_in_dim3A_453, %broadcast_in_dim3A_451 : vector<16xi1>, vector<16xi32>
    %add3A_467 = arith.addi %add3A_462, %select_n3A_466 : vector<16xi32>
    %sub3A_468 = arith.subi %get3A_449, %add3A_467 : vector<16xi32>
    %swap3A_469 = arith.constant 1 : i32
    %swap3A_470 = arith.constant 0 : i32
    %swap3A_471 = tpu.memref_slice %arg11[%swap3A_469, %swap3A_470] : memref<4x128xi32, #tpu.memory_space<vmem>> -> memref<1x128xi32, #tpu.memory_space<vmem>>
    %swap3A_472 = tpu.memref_squeeze %swap3A_471 : memref<1x128xi32, #tpu.memory_space<vmem>> -> memref<128xi32, #tpu.memory_space<vmem>>
    %swap3A_473 = arith.constant 16 : index
    %swap3A_474 = tpu.vector_load %swap3A_472[%swap3A_473] {strides = array<i32>} : memref<128xi32, #tpu.memory_space<vmem>>, vector<16xi32>,
    %swap3A_475 = vector.shape_cast %swap3A_474 : vector<16xi32> to vector<16xi32>
    %swap3A_476 = vector.shape_cast %sub3A_468 : vector<16xi32> to vector<16xi32>
    tpu.vector_store %swap3A_472[%swap3A_473], %swap3A_476 {strides = array<i32>} : memref<128xi32, #tpu.memory_space<vmem>>, vector<16xi32>,
    %get3A_477 = arith.constant 160 : index
    %get3A_478 = tpu.vector_load %arg8[%get3A_477] {strides = array<i32>} : memref<512xi32, #tpu.memory_space<vmem>>, vector<16xi32>,
    %get3A_479 = vector.shape_cast %get3A_478 : vector<16xi32> to vector<16xi32>
    %ge3A_480 = arith.constant 100000 : i32
    %ge3A_481 = vector.broadcast %ge3A_480 : i32 to vector<16xi32>
    %ge3A_482 = arith.cmpi sge, %get3A_479, %ge3A_481 : vector<16xi32>
    %sub3A_483 = arith.constant 100000 : i32
    %sub3A_484 = vector.broadcast %sub3A_483 : i32 to vector<16xi32>
    %sub3A_485 = arith.subi %get3A_479, %sub3A_484 : vector<16xi32>
    %select_n3A_486 = arith.select %ge3A_482, %sub3A_485, %get3A_479 : vector<16xi1>, vector<16xi32>
    %swap3A_487 = arith.constant 1 : i32
    %swap3A_488 = arith.constant 0 : i32
    %swap3A_489 = tpu.memref_slice %arg10[%swap3A_487, %swap3A_488] : memref<4x128xi32, #tpu.memory_space<vmem>> -> memref<1x128xi32, #tpu.memory_space<vmem>>
    %swap3A_490 = tpu.memref_squeeze %swap3A_489 : memref<1x128xi32, #tpu.memory_space<vmem>> -> memref<128xi32, #tpu.memory_space<vmem>>
    %swap3A_491 = arith.constant 32 : index
    %swap3A_492 = tpu.vector_load %swap3A_490[%swap3A_491] {strides = array<i32>} : memref<128xi32, #tpu.memory_space<vmem>>, vector<16xi32>,
    %swap3A_493 = vector.shape_cast %swap3A_492 : vector<16xi32> to vector<16xi32>
    %swap3A_494 = vector.shape_cast %select_n3A_486 : vector<16xi32> to vector<16xi32>
    tpu.vector_store %swap3A_490[%swap3A_491], %swap3A_494 {strides = array<i32>} : memref<128xi32, #tpu.memory_space<vmem>>, vector<16xi32>,
    %get3A_495 = arith.constant 160 : index
    %get3A_496 = tpu.vector_load %arg9[%get3A_495] {strides = array<i32>} : memref<512xi32, #tpu.memory_space<vmem>>, vector<16xi32>,
    %get3A_497 = vector.shape_cast %get3A_496 : vector<16xi32> to vector<16xi32>
    %broadcast_in_dim3A_498 = arith.constant 0 : i32
    %broadcast_in_dim3A_499 = vector.broadcast %broadcast_in_dim3A_498 : i32 to vector<16xi32>
    %broadcast_in_dim3A_500 = arith.constant 26624 : i32
    %broadcast_in_dim3A_501 = vector.broadcast %broadcast_in_dim3A_500 : i32 to vector<16xi32>
    %ge3A_502 = arith.constant 26624 : i32
    %ge3A_503 = vector.broadcast %ge3A_502 : i32 to vector<16xi32>
    %ge3A_504 = arith.cmpi sge, %get3A_497, %ge3A_503 : vector<16xi32>
    %select_n3A_505 = arith.select %ge3A_504, %broadcast_in_dim3A_501, %broadcast_in_dim3A_499 : vector<16xi1>, vector<16xi32>
    %ge3A_506 = arith.constant 53248 : i32
    %ge3A_507 = vector.broadcast %ge3A_506 : i32 to vector<16xi32>
    %ge3A_508 = arith.cmpi sge, %get3A_497, %ge3A_507 : vector<16xi32>
    %select_n3A_509 = arith.select %ge3A_508, %broadcast_in_dim3A_501, %broadcast_in_dim3A_499 : vector<16xi1>, vector<16xi32>
    %add3A_510 = arith.addi %select_n3A_505, %select_n3A_509 : vector<16xi32>
    %ge3A_511 = arith.constant 79872 : i32
    %ge3A_512 = vector.broadcast %ge3A_511 : i32 to vector<16xi32>
    %ge3A_513 = arith.cmpi sge, %get3A_497, %ge3A_512 : vector<16xi32>
    %select_n3A_514 = arith.select %ge3A_513, %broadcast_in_dim3A_501, %broadcast_in_dim3A_499 : vector<16xi1>, vector<16xi32>
    %add3A_515 = arith.addi %add3A_510, %select_n3A_514 : vector<16xi32>
    %sub3A_516 = arith.subi %get3A_497, %add3A_515 : vector<16xi32>
    %swap3A_517 = arith.constant 1 : i32
    %swap3A_518 = arith.constant 0 : i32
    %swap3A_519 = tpu.memref_slice %arg11[%swap3A_517, %swap3A_518] : memref<4x128xi32, #tpu.memory_space<vmem>> -> memref<1x128xi32, #tpu.memory_space<vmem>>
    %swap3A_520 = tpu.memref_squeeze %swap3A_519 : memref<1x128xi32, #tpu.memory_space<vmem>> -> memref<128xi32, #tpu.memory_space<vmem>>
    %swap3A_521 = arith.constant 32 : index
    %swap3A_522 = tpu.vector_load %swap3A_520[%swap3A_521] {strides = array<i32>} : memref<128xi32, #tpu.memory_space<vmem>>, vector<16xi32>,
    %swap3A_523 = vector.shape_cast %swap3A_522 : vector<16xi32> to vector<16xi32>
    %swap3A_524 = vector.shape_cast %sub3A_516 : vector<16xi32> to vector<16xi32>
    tpu.vector_store %swap3A_520[%swap3A_521], %swap3A_524 {strides = array<i32>} : memref<128xi32, #tpu.memory_space<vmem>>, vector<16xi32>,
    %get3A_525 = arith.constant 176 : index
    %get3A_526 = tpu.vector_load %arg8[%get3A_525] {strides = array<i32>} : memref<512xi32, #tpu.memory_space<vmem>>, vector<16xi32>,
    %get3A_527 = vector.shape_cast %get3A_526 : vector<16xi32> to vector<16xi32>
    %ge3A_528 = arith.constant 100000 : i32
    %ge3A_529 = vector.broadcast %ge3A_528 : i32 to vector<16xi32>
    %ge3A_530 = arith.cmpi sge, %get3A_527, %ge3A_529 : vector<16xi32>
    %sub3A_531 = arith.constant 100000 : i32
    %sub3A_532 = vector.broadcast %sub3A_531 : i32 to vector<16xi32>
    %sub3A_533 = arith.subi %get3A_527, %sub3A_532 : vector<16xi32>
    %select_n3A_534 = arith.select %ge3A_530, %sub3A_533, %get3A_527 : vector<16xi1>, vector<16xi32>
    %swap3A_535 = arith.constant 1 : i32
    %swap3A_536 = arith.constant 0 : i32
    %swap3A_537 = tpu.memref_slice %arg10[%swap3A_535, %swap3A_536] : memref<4x128xi32, #tpu.memory_space<vmem>> -> memref<1x128xi32, #tpu.memory_space<vmem>>
    %swap3A_538 = tpu.memref_squeeze %swap3A_537 : memref<1x128xi32, #tpu.memory_space<vmem>> -> memref<128xi32, #tpu.memory_space<vmem>>
    %swap3A_539 = arith.constant 48 : index
    %swap3A_540 = tpu.vector_load %swap3A_538[%swap3A_539] {strides = array<i32>} : memref<128xi32, #tpu.memory_space<vmem>>, vector<16xi32>,
    %swap3A_541 = vector.shape_cast %swap3A_540 : vector<16xi32> to vector<16xi32>
    %swap3A_542 = vector.shape_cast %select_n3A_534 : vector<16xi32> to vector<16xi32>
    tpu.vector_store %swap3A_538[%swap3A_539], %swap3A_542 {strides = array<i32>} : memref<128xi32, #tpu.memory_space<vmem>>, vector<16xi32>,
    %get3A_543 = arith.constant 176 : index
    %get3A_544 = tpu.vector_load %arg9[%get3A_543] {strides = array<i32>} : memref<512xi32, #tpu.memory_space<vmem>>, vector<16xi32>,
    %get3A_545 = vector.shape_cast %get3A_544 : vector<16xi32> to vector<16xi32>
    %broadcast_in_dim3A_546 = arith.constant 0 : i32
    %broadcast_in_dim3A_547 = vector.broadcast %broadcast_in_dim3A_546 : i32 to vector<16xi32>
    %broadcast_in_dim3A_548 = arith.constant 26624 : i32
    %broadcast_in_dim3A_549 = vector.broadcast %broadcast_in_dim3A_548 : i32 to vector<16xi32>
    %ge3A_550 = arith.constant 26624 : i32
    %ge3A_551 = vector.broadcast %ge3A_550 : i32 to vector<16xi32>
    %ge3A_552 = arith.cmpi sge, %get3A_545, %ge3A_551 : vector<16xi32>
    %select_n3A_553 = arith.select %ge3A_552, %broadcast_in_dim3A_549, %broadcast_in_dim3A_547 : vector<16xi1>, vector<16xi32>
    %ge3A_554 = arith.constant 53248 : i32
    %ge3A_555 = vector.broadcast %ge3A_554 : i32 to vector<16xi32>
    %ge3A_556 = arith.cmpi sge, %get3A_545, %ge3A_555 : vector<16xi32>
    %select_n3A_557 = arith.select %ge3A_556, %broadcast_in_dim3A_549, %broadcast_in_dim3A_547 : vector<16xi1>, vector<16xi32>
    %add3A_558 = arith.addi %select_n3A_553, %select_n3A_557 : vector<16xi32>
    %ge3A_559 = arith.constant 79872 : i32
    %ge3A_560 = vector.broadcast %ge3A_559 : i32 to vector<16xi32>
    %ge3A_561 = arith.cmpi sge, %get3A_545, %ge3A_560 : vector<16xi32>
    %select_n3A_562 = arith.select %ge3A_561, %broadcast_in_dim3A_549, %broadcast_in_dim3A_547 : vector<16xi1>, vector<16xi32>
    %add3A_563 = arith.addi %add3A_558, %select_n3A_562 : vector<16xi32>
    %sub3A_564 = arith.subi %get3A_545, %add3A_563 : vector<16xi32>
    %swap3A_565 = arith.constant 1 : i32
    %swap3A_566 = arith.constant 0 : i32
    %swap3A_567 = tpu.memref_slice %arg11[%swap3A_565, %swap3A_566] : memref<4x128xi32, #tpu.memory_space<vmem>> -> memref<1x128xi32, #tpu.memory_space<vmem>>
    %swap3A_568 = tpu.memref_squeeze %swap3A_567 : memref<1x128xi32, #tpu.memory_space<vmem>> -> memref<128xi32, #tpu.memory_space<vmem>>
    %swap3A_569 = arith.constant 48 : index
    %swap3A_570 = tpu.vector_load %swap3A_568[%swap3A_569] {strides = array<i32>} : memref<128xi32, #tpu.memory_space<vmem>>, vector<16xi32>,
    %swap3A_571 = vector.shape_cast %swap3A_570 : vector<16xi32> to vector<16xi32>
    %swap3A_572 = vector.shape_cast %sub3A_564 : vector<16xi32> to vector<16xi32>
    tpu.vector_store %swap3A_568[%swap3A_569], %swap3A_572 {strides = array<i32>} : memref<128xi32, #tpu.memory_space<vmem>>, vector<16xi32>,
    %get3A_573 = arith.constant 192 : index
    %get3A_574 = tpu.vector_load %arg8[%get3A_573] {strides = array<i32>} : memref<512xi32, #tpu.memory_space<vmem>>, vector<16xi32>,
    %get3A_575 = vector.shape_cast %get3A_574 : vector<16xi32> to vector<16xi32>
    %ge3A_576 = arith.constant 100000 : i32
    %ge3A_577 = vector.broadcast %ge3A_576 : i32 to vector<16xi32>
    %ge3A_578 = arith.cmpi sge, %get3A_575, %ge3A_577 : vector<16xi32>
    %sub3A_579 = arith.constant 100000 : i32
    %sub3A_580 = vector.broadcast %sub3A_579 : i32 to vector<16xi32>
    %sub3A_581 = arith.subi %get3A_575, %sub3A_580 : vector<16xi32>
    %select_n3A_582 = arith.select %ge3A_578, %sub3A_581, %get3A_575 : vector<16xi1>, vector<16xi32>
    %swap3A_583 = arith.constant 1 : i32
    %swap3A_584 = arith.constant 0 : i32
    %swap3A_585 = tpu.memref_slice %arg10[%swap3A_583, %swap3A_584] : memref<4x128xi32, #tpu.memory_space<vmem>> -> memref<1x128xi32, #tpu.memory_space<vmem>>
    %swap3A_586 = tpu.memref_squeeze %swap3A_585 : memref<1x128xi32, #tpu.memory_space<vmem>> -> memref<128xi32, #tpu.memory_space<vmem>>
    %swap3A_587 = arith.constant 64 : index
    %swap3A_588 = tpu.vector_load %swap3A_586[%swap3A_587] {strides = array<i32>} : memref<128xi32, #tpu.memory_space<vmem>>, vector<16xi32>,
    %swap3A_589 = vector.shape_cast %swap3A_588 : vector<16xi32> to vector<16xi32>
    %swap3A_590 = vector.shape_cast %select_n3A_582 : vector<16xi32> to vector<16xi32>
    tpu.vector_store %swap3A_586[%swap3A_587], %swap3A_590 {strides = array<i32>} : memref<128xi32, #tpu.memory_space<vmem>>, vector<16xi32>,
    %get3A_591 = arith.constant 192 : index
    %get3A_592 = tpu.vector_load %arg9[%get3A_591] {strides = array<i32>} : memref<512xi32, #tpu.memory_space<vmem>>, vector<16xi32>,
    %get3A_593 = vector.shape_cast %get3A_592 : vector<16xi32> to vector<16xi32>
    %broadcast_in_dim3A_594 = arith.constant 0 : i32
    %broadcast_in_dim3A_595 = vector.broadcast %broadcast_in_dim3A_594 : i32 to vector<16xi32>
    %broadcast_in_dim3A_596 = arith.constant 26624 : i32
    %broadcast_in_dim3A_597 = vector.broadcast %broadcast_in_dim3A_596 : i32 to vector<16xi32>
    %ge3A_598 = arith.constant 26624 : i32
    %ge3A_599 = vector.broadcast %ge3A_598 : i32 to vector<16xi32>
    %ge3A_600 = arith.cmpi sge, %get3A_593, %ge3A_599 : vector<16xi32>
    %select_n3A_601 = arith.select %ge3A_600, %broadcast_in_dim3A_597, %broadcast_in_dim3A_595 : vector<16xi1>, vector<16xi32>
    %ge3A_602 = arith.constant 53248 : i32
    %ge3A_603 = vector.broadcast %ge3A_602 : i32 to vector<16xi32>
    %ge3A_604 = arith.cmpi sge, %get3A_593, %ge3A_603 : vector<16xi32>
    %select_n3A_605 = arith.select %ge3A_604, %broadcast_in_dim3A_597, %broadcast_in_dim3A_595 : vector<16xi1>, vector<16xi32>
    %add3A_606 = arith.addi %select_n3A_601, %select_n3A_605 : vector<16xi32>
    %ge3A_607 = arith.constant 79872 : i32
    %ge3A_608 = vector.broadcast %ge3A_607 : i32 to vector<16xi32>
    %ge3A_609 = arith.cmpi sge, %get3A_593, %ge3A_608 : vector<16xi32>
    %select_n3A_610 = arith.select %ge3A_609, %broadcast_in_dim3A_597, %broadcast_in_dim3A_595 : vector<16xi1>, vector<16xi32>
    %add3A_611 = arith.addi %add3A_606, %select_n3A_610 : vector<16xi32>
    %sub3A_612 = arith.subi %get3A_593, %add3A_611 : vector<16xi32>
    %swap3A_613 = arith.constant 1 : i32
    %swap3A_614 = arith.constant 0 : i32
    %swap3A_615 = tpu.memref_slice %arg11[%swap3A_613, %swap3A_614] : memref<4x128xi32, #tpu.memory_space<vmem>> -> memref<1x128xi32, #tpu.memory_space<vmem>>
    %swap3A_616 = tpu.memref_squeeze %swap3A_615 : memref<1x128xi32, #tpu.memory_space<vmem>> -> memref<128xi32, #tpu.memory_space<vmem>>
    %swap3A_617 = arith.constant 64 : index
    %swap3A_618 = tpu.vector_load %swap3A_616[%swap3A_617] {strides = array<i32>} : memref<128xi32, #tpu.memory_space<vmem>>, vector<16xi32>,
    %swap3A_619 = vector.shape_cast %swap3A_618 : vector<16xi32> to vector<16xi32>
    %swap3A_620 = vector.shape_cast %sub3A_612 : vector<16xi32> to vector<16xi32>
    tpu.vector_store %swap3A_616[%swap3A_617], %swap3A_620 {strides = array<i32>} : memref<128xi32, #tpu.memory_space<vmem>>, vector<16xi32>,
    %get3A_621 = arith.constant 208 : index
    %get3A_622 = tpu.vector_load %arg8[%get3A_621] {strides = array<i32>} : memref<512xi32, #tpu.memory_space<vmem>>, vector<16xi32>,
    %get3A_623 = vector.shape_cast %get3A_622 : vector<16xi32> to vector<16xi32>
    %ge3A_624 = arith.constant 100000 : i32
    %ge3A_625 = vector.broadcast %ge3A_624 : i32 to vector<16xi32>
    %ge3A_626 = arith.cmpi sge, %get3A_623, %ge3A_625 : vector<16xi32>
    %sub3A_627 = arith.constant 100000 : i32
    %sub3A_628 = vector.broadcast %sub3A_627 : i32 to vector<16xi32>
    %sub3A_629 = arith.subi %get3A_623, %sub3A_628 : vector<16xi32>
    %select_n3A_630 = arith.select %ge3A_626, %sub3A_629, %get3A_623 : vector<16xi1>, vector<16xi32>
    %swap3A_631 = arith.constant 1 : i32
    %swap3A_632 = arith.constant 0 : i32
    %swap3A_633 = tpu.memref_slice %arg10[%swap3A_631, %swap3A_632] : memref<4x128xi32, #tpu.memory_space<vmem>> -> memref<1x128xi32, #tpu.memory_space<vmem>>
    %swap3A_634 = tpu.memref_squeeze %swap3A_633 : memref<1x128xi32, #tpu.memory_space<vmem>> -> memref<128xi32, #tpu.memory_space<vmem>>
    %swap3A_635 = arith.constant 80 : index
    %swap3A_636 = tpu.vector_load %swap3A_634[%swap3A_635] {strides = array<i32>} : memref<128xi32, #tpu.memory_space<vmem>>, vector<16xi32>,
    %swap3A_637 = vector.shape_cast %swap3A_636 : vector<16xi32> to vector<16xi32>
    %swap3A_638 = vector.shape_cast %select_n3A_630 : vector<16xi32> to vector<16xi32>
    tpu.vector_store %swap3A_634[%swap3A_635], %swap3A_638 {strides = array<i32>} : memref<128xi32, #tpu.memory_space<vmem>>, vector<16xi32>,
    %get3A_639 = arith.constant 208 : index
    %get3A_640 = tpu.vector_load %arg9[%get3A_639] {strides = array<i32>} : memref<512xi32, #tpu.memory_space<vmem>>, vector<16xi32>,
    %get3A_641 = vector.shape_cast %get3A_640 : vector<16xi32> to vector<16xi32>
    %broadcast_in_dim3A_642 = arith.constant 0 : i32
    %broadcast_in_dim3A_643 = vector.broadcast %broadcast_in_dim3A_642 : i32 to vector<16xi32>
    %broadcast_in_dim3A_644 = arith.constant 26624 : i32
    %broadcast_in_dim3A_645 = vector.broadcast %broadcast_in_dim3A_644 : i32 to vector<16xi32>
    %ge3A_646 = arith.constant 26624 : i32
    %ge3A_647 = vector.broadcast %ge3A_646 : i32 to vector<16xi32>
    %ge3A_648 = arith.cmpi sge, %get3A_641, %ge3A_647 : vector<16xi32>
    %select_n3A_649 = arith.select %ge3A_648, %broadcast_in_dim3A_645, %broadcast_in_dim3A_643 : vector<16xi1>, vector<16xi32>
    %ge3A_650 = arith.constant 53248 : i32
    %ge3A_651 = vector.broadcast %ge3A_650 : i32 to vector<16xi32>
    %ge3A_652 = arith.cmpi sge, %get3A_641, %ge3A_651 : vector<16xi32>
    %select_n3A_653 = arith.select %ge3A_652, %broadcast_in_dim3A_645, %broadcast_in_dim3A_643 : vector<16xi1>, vector<16xi32>
    %add3A_654 = arith.addi %select_n3A_649, %select_n3A_653 : vector<16xi32>
    %ge3A_655 = arith.constant 79872 : i32
    %ge3A_656 = vector.broadcast %ge3A_655 : i32 to vector<16xi32>
    %ge3A_657 = arith.cmpi sge, %get3A_641, %ge3A_656 : vector<16xi32>
    %select_n3A_658 = arith.select %ge3A_657, %broadcast_in_dim3A_645, %broadcast_in_dim3A_643 : vector<16xi1>, vector<16xi32>
    %add3A_659 = arith.addi %add3A_654, %select_n3A_658 : vector<16xi32>
    %sub3A_660 = arith.subi %get3A_641, %add3A_659 : vector<16xi32>
    %swap3A_661 = arith.constant 1 : i32
    %swap3A_662 = arith.constant 0 : i32
    %swap3A_663 = tpu.memref_slice %arg11[%swap3A_661, %swap3A_662] : memref<4x128xi32, #tpu.memory_space<vmem>> -> memref<1x128xi32, #tpu.memory_space<vmem>>
    %swap3A_664 = tpu.memref_squeeze %swap3A_663 : memref<1x128xi32, #tpu.memory_space<vmem>> -> memref<128xi32, #tpu.memory_space<vmem>>
    %swap3A_665 = arith.constant 80 : index
    %swap3A_666 = tpu.vector_load %swap3A_664[%swap3A_665] {strides = array<i32>} : memref<128xi32, #tpu.memory_space<vmem>>, vector<16xi32>,
    %swap3A_667 = vector.shape_cast %swap3A_666 : vector<16xi32> to vector<16xi32>
    %swap3A_668 = vector.shape_cast %sub3A_660 : vector<16xi32> to vector<16xi32>
    tpu.vector_store %swap3A_664[%swap3A_665], %swap3A_668 {strides = array<i32>} : memref<128xi32, #tpu.memory_space<vmem>>, vector<16xi32>,
    %get3A_669 = arith.constant 224 : index
    %get3A_670 = tpu.vector_load %arg8[%get3A_669] {strides = array<i32>} : memref<512xi32, #tpu.memory_space<vmem>>, vector<16xi32>,
    %get3A_671 = vector.shape_cast %get3A_670 : vector<16xi32> to vector<16xi32>
    %ge3A_672 = arith.constant 100000 : i32
    %ge3A_673 = vector.broadcast %ge3A_672 : i32 to vector<16xi32>
    %ge3A_674 = arith.cmpi sge, %get3A_671, %ge3A_673 : vector<16xi32>
    %sub3A_675 = arith.constant 100000 : i32
    %sub3A_676 = vector.broadcast %sub3A_675 : i32 to vector<16xi32>
    %sub3A_677 = arith.subi %get3A_671, %sub3A_676 : vector<16xi32>
    %select_n3A_678 = arith.select %ge3A_674, %sub3A_677, %get3A_671 : vector<16xi1>, vector<16xi32>
    %swap3A_679 = arith.constant 1 : i32
    %swap3A_680 = arith.constant 0 : i32
    %swap3A_681 = tpu.memref_slice %arg10[%swap3A_679, %swap3A_680] : memref<4x128xi32, #tpu.memory_space<vmem>> -> memref<1x128xi32, #tpu.memory_space<vmem>>
    %swap3A_682 = tpu.memref_squeeze %swap3A_681 : memref<1x128xi32, #tpu.memory_space<vmem>> -> memref<128xi32, #tpu.memory_space<vmem>>
    %swap3A_683 = arith.constant 96 : index
    %swap3A_684 = tpu.vector_load %swap3A_682[%swap3A_683] {strides = array<i32>} : memref<128xi32, #tpu.memory_space<vmem>>, vector<16xi32>,
    %swap3A_685 = vector.shape_cast %swap3A_684 : vector<16xi32> to vector<16xi32>
    %swap3A_686 = vector.shape_cast %select_n3A_678 : vector<16xi32> to vector<16xi32>
    tpu.vector_store %swap3A_682[%swap3A_683], %swap3A_686 {strides = array<i32>} : memref<128xi32, #tpu.memory_space<vmem>>, vector<16xi32>,
    %get3A_687 = arith.constant 224 : index
    %get3A_688 = tpu.vector_load %arg9[%get3A_687] {strides = array<i32>} : memref<512xi32, #tpu.memory_space<vmem>>, vector<16xi32>,
    %get3A_689 = vector.shape_cast %get3A_688 : vector<16xi32> to vector<16xi32>
    %broadcast_in_dim3A_690 = arith.constant 0 : i32
    %broadcast_in_dim3A_691 = vector.broadcast %broadcast_in_dim3A_690 : i32 to vector<16xi32>
    %broadcast_in_dim3A_692 = arith.constant 26624 : i32
    %broadcast_in_dim3A_693 = vector.broadcast %broadcast_in_dim3A_692 : i32 to vector<16xi32>
    %ge3A_694 = arith.constant 26624 : i32
    %ge3A_695 = vector.broadcast %ge3A_694 : i32 to vector<16xi32>
    %ge3A_696 = arith.cmpi sge, %get3A_689, %ge3A_695 : vector<16xi32>
    %select_n3A_697 = arith.select %ge3A_696, %broadcast_in_dim3A_693, %broadcast_in_dim3A_691 : vector<16xi1>, vector<16xi32>
    %ge3A_698 = arith.constant 53248 : i32
    %ge3A_699 = vector.broadcast %ge3A_698 : i32 to vector<16xi32>
    %ge3A_700 = arith.cmpi sge, %get3A_689, %ge3A_699 : vector<16xi32>
    %select_n3A_701 = arith.select %ge3A_700, %broadcast_in_dim3A_693, %broadcast_in_dim3A_691 : vector<16xi1>, vector<16xi32>
    %add3A_702 = arith.addi %select_n3A_697, %select_n3A_701 : vector<16xi32>
    %ge3A_703 = arith.constant 79872 : i32
    %ge3A_704 = vector.broadcast %ge3A_703 : i32 to vector<16xi32>
    %ge3A_705 = arith.cmpi sge, %get3A_689, %ge3A_704 : vector<16xi32>
    %select_n3A_706 = arith.select %ge3A_705, %broadcast_in_dim3A_693, %broadcast_in_dim3A_691 : vector<16xi1>, vector<16xi32>
    %add3A_707 = arith.addi %add3A_702, %select_n3A_706 : vector<16xi32>
    %sub3A_708 = arith.subi %get3A_689, %add3A_707 : vector<16xi32>
    %swap3A_709 = arith.constant 1 : i32
    %swap3A_710 = arith.constant 0 : i32
    %swap3A_711 = tpu.memref_slice %arg11[%swap3A_709, %swap3A_710] : memref<4x128xi32, #tpu.memory_space<vmem>> -> memref<1x128xi32, #tpu.memory_space<vmem>>
    %swap3A_712 = tpu.memref_squeeze %swap3A_711 : memref<1x128xi32, #tpu.memory_space<vmem>> -> memref<128xi32, #tpu.memory_space<vmem>>
    %swap3A_713 = arith.constant 96 : index
    %swap3A_714 = tpu.vector_load %swap3A_712[%swap3A_713] {strides = array<i32>} : memref<128xi32, #tpu.memory_space<vmem>>, vector<16xi32>,
    %swap3A_715 = vector.shape_cast %swap3A_714 : vector<16xi32> to vector<16xi32>
    %swap3A_716 = vector.shape_cast %sub3A_708 : vector<16xi32> to vector<16xi32>
    tpu.vector_store %swap3A_712[%swap3A_713], %swap3A_716 {strides = array<i32>} : memref<128xi32, #tpu.memory_space<vmem>>, vector<16xi32>,
    %get3A_717 = arith.constant 240 : index
    %get3A_718 = tpu.vector_load %arg8[%get3A_717] {strides = array<i32>} : memref<512xi32, #tpu.memory_space<vmem>>, vector<16xi32>,
    %get3A_719 = vector.shape_cast %get3A_718 : vector<16xi32> to vector<16xi32>
    %ge3A_720 = arith.constant 100000 : i32
    %ge3A_721 = vector.broadcast %ge3A_720 : i32 to vector<16xi32>
    %ge3A_722 = arith.cmpi sge, %get3A_719, %ge3A_721 : vector<16xi32>
    %sub3A_723 = arith.constant 100000 : i32
    %sub3A_724 = vector.broadcast %sub3A_723 : i32 to vector<16xi32>
    %sub3A_725 = arith.subi %get3A_719, %sub3A_724 : vector<16xi32>
    %select_n3A_726 = arith.select %ge3A_722, %sub3A_725, %get3A_719 : vector<16xi1>, vector<16xi32>
    %swap3A_727 = arith.constant 1 : i32
    %swap3A_728 = arith.constant 0 : i32
    %swap3A_729 = tpu.memref_slice %arg10[%swap3A_727, %swap3A_728] : memref<4x128xi32, #tpu.memory_space<vmem>> -> memref<1x128xi32, #tpu.memory_space<vmem>>
    %swap3A_730 = tpu.memref_squeeze %swap3A_729 : memref<1x128xi32, #tpu.memory_space<vmem>> -> memref<128xi32, #tpu.memory_space<vmem>>
    %swap3A_731 = arith.constant 112 : index
    %swap3A_732 = tpu.vector_load %swap3A_730[%swap3A_731] {strides = array<i32>} : memref<128xi32, #tpu.memory_space<vmem>>, vector<16xi32>,
    %swap3A_733 = vector.shape_cast %swap3A_732 : vector<16xi32> to vector<16xi32>
    %swap3A_734 = vector.shape_cast %select_n3A_726 : vector<16xi32> to vector<16xi32>
    tpu.vector_store %swap3A_730[%swap3A_731], %swap3A_734 {strides = array<i32>} : memref<128xi32, #tpu.memory_space<vmem>>, vector<16xi32>,
    %get3A_735 = arith.constant 240 : index
    %get3A_736 = tpu.vector_load %arg9[%get3A_735] {strides = array<i32>} : memref<512xi32, #tpu.memory_space<vmem>>, vector<16xi32>,
    %get3A_737 = vector.shape_cast %get3A_736 : vector<16xi32> to vector<16xi32>
    %broadcast_in_dim3A_738 = arith.constant 0 : i32
    %broadcast_in_dim3A_739 = vector.broadcast %broadcast_in_dim3A_738 : i32 to vector<16xi32>
    %broadcast_in_dim3A_740 = arith.constant 26624 : i32
    %broadcast_in_dim3A_741 = vector.broadcast %broadcast_in_dim3A_740 : i32 to vector<16xi32>
    %ge3A_742 = arith.constant 26624 : i32
    %ge3A_743 = vector.broadcast %ge3A_742 : i32 to vector<16xi32>
    %ge3A_744 = arith.cmpi sge, %get3A_737, %ge3A_743 : vector<16xi32>
    %select_n3A_745 = arith.select %ge3A_744, %broadcast_in_dim3A_741, %broadcast_in_dim3A_739 : vector<16xi1>, vector<16xi32>
    %ge3A_746 = arith.constant 53248 : i32
    %ge3A_747 = vector.broadcast %ge3A_746 : i32 to vector<16xi32>
    %ge3A_748 = arith.cmpi sge, %get3A_737, %ge3A_747 : vector<16xi32>
    %select_n3A_749 = arith.select %ge3A_748, %broadcast_in_dim3A_741, %broadcast_in_dim3A_739 : vector<16xi1>, vector<16xi32>
    %add3A_750 = arith.addi %select_n3A_745, %select_n3A_749 : vector<16xi32>
    %ge3A_751 = arith.constant 79872 : i32
    %ge3A_752 = vector.broadcast %ge3A_751 : i32 to vector<16xi32>
    %ge3A_753 = arith.cmpi sge, %get3A_737, %ge3A_752 : vector<16xi32>
    %select_n3A_754 = arith.select %ge3A_753, %broadcast_in_dim3A_741, %broadcast_in_dim3A_739 : vector<16xi1>, vector<16xi32>
    %add3A_755 = arith.addi %add3A_750, %select_n3A_754 : vector<16xi32>
    %sub3A_756 = arith.subi %get3A_737, %add3A_755 : vector<16xi32>
    %swap3A_757 = arith.constant 1 : i32
    %swap3A_758 = arith.constant 0 : i32
    %swap3A_759 = tpu.memref_slice %arg11[%swap3A_757, %swap3A_758] : memref<4x128xi32, #tpu.memory_space<vmem>> -> memref<1x128xi32, #tpu.memory_space<vmem>>
    %swap3A_760 = tpu.memref_squeeze %swap3A_759 : memref<1x128xi32, #tpu.memory_space<vmem>> -> memref<128xi32, #tpu.memory_space<vmem>>
    %swap3A_761 = arith.constant 112 : index
    %swap3A_762 = tpu.vector_load %swap3A_760[%swap3A_761] {strides = array<i32>} : memref<128xi32, #tpu.memory_space<vmem>>, vector<16xi32>,
    %swap3A_763 = vector.shape_cast %swap3A_762 : vector<16xi32> to vector<16xi32>
    %swap3A_764 = vector.shape_cast %sub3A_756 : vector<16xi32> to vector<16xi32>
    tpu.vector_store %swap3A_760[%swap3A_761], %swap3A_764 {strides = array<i32>} : memref<128xi32, #tpu.memory_space<vmem>>, vector<16xi32>,
    %get3A_765 = arith.constant 256 : index
    %get3A_766 = tpu.vector_load %arg8[%get3A_765] {strides = array<i32>} : memref<512xi32, #tpu.memory_space<vmem>>, vector<16xi32>,
    %get3A_767 = vector.shape_cast %get3A_766 : vector<16xi32> to vector<16xi32>
    %ge3A_768 = arith.constant 100000 : i32
    %ge3A_769 = vector.broadcast %ge3A_768 : i32 to vector<16xi32>
    %ge3A_770 = arith.cmpi sge, %get3A_767, %ge3A_769 : vector<16xi32>
    %sub3A_771 = arith.constant 100000 : i32
    %sub3A_772 = vector.broadcast %sub3A_771 : i32 to vector<16xi32>
    %sub3A_773 = arith.subi %get3A_767, %sub3A_772 : vector<16xi32>
    %select_n3A_774 = arith.select %ge3A_770, %sub3A_773, %get3A_767 : vector<16xi1>, vector<16xi32>
    %swap3A_775 = arith.constant 2 : i32
    %swap3A_776 = arith.constant 0 : i32
    %swap3A_777 = tpu.memref_slice %arg10[%swap3A_775, %swap3A_776] : memref<4x128xi32, #tpu.memory_space<vmem>> -> memref<1x128xi32, #tpu.memory_space<vmem>>
    %swap3A_778 = tpu.memref_squeeze %swap3A_777 : memref<1x128xi32, #tpu.memory_space<vmem>> -> memref<128xi32, #tpu.memory_space<vmem>>
    %swap3A_779 = arith.constant 0 : index
    %swap3A_780 = tpu.vector_load %swap3A_778[%swap3A_779] {strides = array<i32>} : memref<128xi32, #tpu.memory_space<vmem>>, vector<16xi32>,
    %swap3A_781 = vector.shape_cast %swap3A_780 : vector<16xi32> to vector<16xi32>
    %swap3A_782 = vector.shape_cast %select_n3A_774 : vector<16xi32> to vector<16xi32>
    tpu.vector_store %swap3A_778[%swap3A_779], %swap3A_782 {strides = array<i32>} : memref<128xi32, #tpu.memory_space<vmem>>, vector<16xi32>,
    %get3A_783 = arith.constant 256 : index
    %get3A_784 = tpu.vector_load %arg9[%get3A_783] {strides = array<i32>} : memref<512xi32, #tpu.memory_space<vmem>>, vector<16xi32>,
    %get3A_785 = vector.shape_cast %get3A_784 : vector<16xi32> to vector<16xi32>
    %broadcast_in_dim3A_786 = arith.constant 0 : i32
    %broadcast_in_dim3A_787 = vector.broadcast %broadcast_in_dim3A_786 : i32 to vector<16xi32>
    %broadcast_in_dim3A_788 = arith.constant 26624 : i32
    %broadcast_in_dim3A_789 = vector.broadcast %broadcast_in_dim3A_788 : i32 to vector<16xi32>
    %ge3A_790 = arith.constant 26624 : i32
    %ge3A_791 = vector.broadcast %ge3A_790 : i32 to vector<16xi32>
    %ge3A_792 = arith.cmpi sge, %get3A_785, %ge3A_791 : vector<16xi32>
    %select_n3A_793 = arith.select %ge3A_792, %broadcast_in_dim3A_789, %broadcast_in_dim3A_787 : vector<16xi1>, vector<16xi32>
    %ge3A_794 = arith.constant 53248 : i32
    %ge3A_795 = vector.broadcast %ge3A_794 : i32 to vector<16xi32>
    %ge3A_796 = arith.cmpi sge, %get3A_785, %ge3A_795 : vector<16xi32>
    %select_n3A_797 = arith.select %ge3A_796, %broadcast_in_dim3A_789, %broadcast_in_dim3A_787 : vector<16xi1>, vector<16xi32>
    %add3A_798 = arith.addi %select_n3A_793, %select_n3A_797 : vector<16xi32>
    %ge3A_799 = arith.constant 79872 : i32
    %ge3A_800 = vector.broadcast %ge3A_799 : i32 to vector<16xi32>
    %ge3A_801 = arith.cmpi sge, %get3A_785, %ge3A_800 : vector<16xi32>
    %select_n3A_802 = arith.select %ge3A_801, %broadcast_in_dim3A_789, %broadcast_in_dim3A_787 : vector<16xi1>, vector<16xi32>
    %add3A_803 = arith.addi %add3A_798, %select_n3A_802 : vector<16xi32>
    %sub3A_804 = arith.subi %get3A_785, %add3A_803 : vector<16xi32>
    %swap3A_805 = arith.constant 2 : i32
    %swap3A_806 = arith.constant 0 : i32
    %swap3A_807 = tpu.memref_slice %arg11[%swap3A_805, %swap3A_806] : memref<4x128xi32, #tpu.memory_space<vmem>> -> memref<1x128xi32, #tpu.memory_space<vmem>>
    %swap3A_808 = tpu.memref_squeeze %swap3A_807 : memref<1x128xi32, #tpu.memory_space<vmem>> -> memref<128xi32, #tpu.memory_space<vmem>>
    %swap3A_809 = arith.constant 0 : index
    %swap3A_810 = tpu.vector_load %swap3A_808[%swap3A_809] {strides = array<i32>} : memref<128xi32, #tpu.memory_space<vmem>>, vector<16xi32>,
    %swap3A_811 = vector.shape_cast %swap3A_810 : vector<16xi32> to vector<16xi32>
    %swap3A_812 = vector.shape_cast %sub3A_804 : vector<16xi32> to vector<16xi32>
    tpu.vector_store %swap3A_808[%swap3A_809], %swap3A_812 {strides = array<i32>} : memref<128xi32, #tpu.memory_space<vmem>>, vector<16xi32>,
    %get3A_813 = arith.constant 272 : index
    %get3A_814 = tpu.vector_load %arg8[%get3A_813] {strides = array<i32>} : memref<512xi32, #tpu.memory_space<vmem>>, vector<16xi32>,
    %get3A_815 = vector.shape_cast %get3A_814 : vector<16xi32> to vector<16xi32>
    %ge3A_816 = arith.constant 100000 : i32
    %ge3A_817 = vector.broadcast %ge3A_816 : i32 to vector<16xi32>
    %ge3A_818 = arith.cmpi sge, %get3A_815, %ge3A_817 : vector<16xi32>
    %sub3A_819 = arith.constant 100000 : i32
    %sub3A_820 = vector.broadcast %sub3A_819 : i32 to vector<16xi32>
    %sub3A_821 = arith.subi %get3A_815, %sub3A_820 : vector<16xi32>
    %select_n3A_822 = arith.select %ge3A_818, %sub3A_821, %get3A_815 : vector<16xi1>, vector<16xi32>
    %swap3A_823 = arith.constant 2 : i32
    %swap3A_824 = arith.constant 0 : i32
    %swap3A_825 = tpu.memref_slice %arg10[%swap3A_823, %swap3A_824] : memref<4x128xi32, #tpu.memory_space<vmem>> -> memref<1x128xi32, #tpu.memory_space<vmem>>
    %swap3A_826 = tpu.memref_squeeze %swap3A_825 : memref<1x128xi32, #tpu.memory_space<vmem>> -> memref<128xi32, #tpu.memory_space<vmem>>
    %swap3A_827 = arith.constant 16 : index
    %swap3A_828 = tpu.vector_load %swap3A_826[%swap3A_827] {strides = array<i32>} : memref<128xi32, #tpu.memory_space<vmem>>, vector<16xi32>,
    %swap3A_829 = vector.shape_cast %swap3A_828 : vector<16xi32> to vector<16xi32>
    %swap3A_830 = vector.shape_cast %select_n3A_822 : vector<16xi32> to vector<16xi32>
    tpu.vector_store %swap3A_826[%swap3A_827], %swap3A_830 {strides = array<i32>} : memref<128xi32, #tpu.memory_space<vmem>>, vector<16xi32>,
    %get3A_831 = arith.constant 272 : index
    %get3A_832 = tpu.vector_load %arg9[%get3A_831] {strides = array<i32>} : memref<512xi32, #tpu.memory_space<vmem>>, vector<16xi32>,
    %get3A_833 = vector.shape_cast %get3A_832 : vector<16xi32> to vector<16xi32>
    %broadcast_in_dim3A_834 = arith.constant 0 : i32
    %broadcast_in_dim3A_835 = vector.broadcast %broadcast_in_dim3A_834 : i32 to vector<16xi32>
    %broadcast_in_dim3A_836 = arith.constant 26624 : i32
    %broadcast_in_dim3A_837 = vector.broadcast %broadcast_in_dim3A_836 : i32 to vector<16xi32>
    %ge3A_838 = arith.constant 26624 : i32
    %ge3A_839 = vector.broadcast %ge3A_838 : i32 to vector<16xi32>
    %ge3A_840 = arith.cmpi sge, %get3A_833, %ge3A_839 : vector<16xi32>
    %select_n3A_841 = arith.select %ge3A_840, %broadcast_in_dim3A_837, %broadcast_in_dim3A_835 : vector<16xi1>, vector<16xi32>
    %ge3A_842 = arith.constant 53248 : i32
    %ge3A_843 = vector.broadcast %ge3A_842 : i32 to vector<16xi32>
    %ge3A_844 = arith.cmpi sge, %get3A_833, %ge3A_843 : vector<16xi32>
    %select_n3A_845 = arith.select %ge3A_844, %broadcast_in_dim3A_837, %broadcast_in_dim3A_835 : vector<16xi1>, vector<16xi32>
    %add3A_846 = arith.addi %select_n3A_841, %select_n3A_845 : vector<16xi32>
    %ge3A_847 = arith.constant 79872 : i32
    %ge3A_848 = vector.broadcast %ge3A_847 : i32 to vector<16xi32>
    %ge3A_849 = arith.cmpi sge, %get3A_833, %ge3A_848 : vector<16xi32>
    %select_n3A_850 = arith.select %ge3A_849, %broadcast_in_dim3A_837, %broadcast_in_dim3A_835 : vector<16xi1>, vector<16xi32>
    %add3A_851 = arith.addi %add3A_846, %select_n3A_850 : vector<16xi32>
    %sub3A_852 = arith.subi %get3A_833, %add3A_851 : vector<16xi32>
    %swap3A_853 = arith.constant 2 : i32
    %swap3A_854 = arith.constant 0 : i32
    %swap3A_855 = tpu.memref_slice %arg11[%swap3A_853, %swap3A_854] : memref<4x128xi32, #tpu.memory_space<vmem>> -> memref<1x128xi32, #tpu.memory_space<vmem>>
    %swap3A_856 = tpu.memref_squeeze %swap3A_855 : memref<1x128xi32, #tpu.memory_space<vmem>> -> memref<128xi32, #tpu.memory_space<vmem>>
    %swap3A_857 = arith.constant 16 : index
    %swap3A_858 = tpu.vector_load %swap3A_856[%swap3A_857] {strides = array<i32>} : memref<128xi32, #tpu.memory_space<vmem>>, vector<16xi32>,
    %swap3A_859 = vector.shape_cast %swap3A_858 : vector<16xi32> to vector<16xi32>
    %swap3A_860 = vector.shape_cast %sub3A_852 : vector<16xi32> to vector<16xi32>
    tpu.vector_store %swap3A_856[%swap3A_857], %swap3A_860 {strides = array<i32>} : memref<128xi32, #tpu.memory_space<vmem>>, vector<16xi32>,
    %get3A_861 = arith.constant 288 : index
    %get3A_862 = tpu.vector_load %arg8[%get3A_861] {strides = array<i32>} : memref<512xi32, #tpu.memory_space<vmem>>, vector<16xi32>,
    %get3A_863 = vector.shape_cast %get3A_862 : vector<16xi32> to vector<16xi32>
    %ge3A_864 = arith.constant 100000 : i32
    %ge3A_865 = vector.broadcast %ge3A_864 : i32 to vector<16xi32>
    %ge3A_866 = arith.cmpi sge, %get3A_863, %ge3A_865 : vector<16xi32>
    %sub3A_867 = arith.constant 100000 : i32
    %sub3A_868 = vector.broadcast %sub3A_867 : i32 to vector<16xi32>
    %sub3A_869 = arith.subi %get3A_863, %sub3A_868 : vector<16xi32>
    %select_n3A_870 = arith.select %ge3A_866, %sub3A_869, %get3A_863 : vector<16xi1>, vector<16xi32>
    %swap3A_871 = arith.constant 2 : i32
    %swap3A_872 = arith.constant 0 : i32
    %swap3A_873 = tpu.memref_slice %arg10[%swap3A_871, %swap3A_872] : memref<4x128xi32, #tpu.memory_space<vmem>> -> memref<1x128xi32, #tpu.memory_space<vmem>>
    %swap3A_874 = tpu.memref_squeeze %swap3A_873 : memref<1x128xi32, #tpu.memory_space<vmem>> -> memref<128xi32, #tpu.memory_space<vmem>>
    %swap3A_875 = arith.constant 32 : index
    %swap3A_876 = tpu.vector_load %swap3A_874[%swap3A_875] {strides = array<i32>} : memref<128xi32, #tpu.memory_space<vmem>>, vector<16xi32>,
    %swap3A_877 = vector.shape_cast %swap3A_876 : vector<16xi32> to vector<16xi32>
    %swap3A_878 = vector.shape_cast %select_n3A_870 : vector<16xi32> to vector<16xi32>
    tpu.vector_store %swap3A_874[%swap3A_875], %swap3A_878 {strides = array<i32>} : memref<128xi32, #tpu.memory_space<vmem>>, vector<16xi32>,
    %get3A_879 = arith.constant 288 : index
    %get3A_880 = tpu.vector_load %arg9[%get3A_879] {strides = array<i32>} : memref<512xi32, #tpu.memory_space<vmem>>, vector<16xi32>,
    %get3A_881 = vector.shape_cast %get3A_880 : vector<16xi32> to vector<16xi32>
    %broadcast_in_dim3A_882 = arith.constant 0 : i32
    %broadcast_in_dim3A_883 = vector.broadcast %broadcast_in_dim3A_882 : i32 to vector<16xi32>
    %broadcast_in_dim3A_884 = arith.constant 26624 : i32
    %broadcast_in_dim3A_885 = vector.broadcast %broadcast_in_dim3A_884 : i32 to vector<16xi32>
    %ge3A_886 = arith.constant 26624 : i32
    %ge3A_887 = vector.broadcast %ge3A_886 : i32 to vector<16xi32>
    %ge3A_888 = arith.cmpi sge, %get3A_881, %ge3A_887 : vector<16xi32>
    %select_n3A_889 = arith.select %ge3A_888, %broadcast_in_dim3A_885, %broadcast_in_dim3A_883 : vector<16xi1>, vector<16xi32>
    %ge3A_890 = arith.constant 53248 : i32
    %ge3A_891 = vector.broadcast %ge3A_890 : i32 to vector<16xi32>
    %ge3A_892 = arith.cmpi sge, %get3A_881, %ge3A_891 : vector<16xi32>
    %select_n3A_893 = arith.select %ge3A_892, %broadcast_in_dim3A_885, %broadcast_in_dim3A_883 : vector<16xi1>, vector<16xi32>
    %add3A_894 = arith.addi %select_n3A_889, %select_n3A_893 : vector<16xi32>
    %ge3A_895 = arith.constant 79872 : i32
    %ge3A_896 = vector.broadcast %ge3A_895 : i32 to vector<16xi32>
    %ge3A_897 = arith.cmpi sge, %get3A_881, %ge3A_896 : vector<16xi32>
    %select_n3A_898 = arith.select %ge3A_897, %broadcast_in_dim3A_885, %broadcast_in_dim3A_883 : vector<16xi1>, vector<16xi32>
    %add3A_899 = arith.addi %add3A_894, %select_n3A_898 : vector<16xi32>
    %sub3A_900 = arith.subi %get3A_881, %add3A_899 : vector<16xi32>
    %swap3A_901 = arith.constant 2 : i32
    %swap3A_902 = arith.constant 0 : i32
    %swap3A_903 = tpu.memref_slice %arg11[%swap3A_901, %swap3A_902] : memref<4x128xi32, #tpu.memory_space<vmem>> -> memref<1x128xi32, #tpu.memory_space<vmem>>
    %swap3A_904 = tpu.memref_squeeze %swap3A_903 : memref<1x128xi32, #tpu.memory_space<vmem>> -> memref<128xi32, #tpu.memory_space<vmem>>
    %swap3A_905 = arith.constant 32 : index
    %swap3A_906 = tpu.vector_load %swap3A_904[%swap3A_905] {strides = array<i32>} : memref<128xi32, #tpu.memory_space<vmem>>, vector<16xi32>,
    %swap3A_907 = vector.shape_cast %swap3A_906 : vector<16xi32> to vector<16xi32>
    %swap3A_908 = vector.shape_cast %sub3A_900 : vector<16xi32> to vector<16xi32>
    tpu.vector_store %swap3A_904[%swap3A_905], %swap3A_908 {strides = array<i32>} : memref<128xi32, #tpu.memory_space<vmem>>, vector<16xi32>,
    %get3A_909 = arith.constant 304 : index
    %get3A_910 = tpu.vector_load %arg8[%get3A_909] {strides = array<i32>} : memref<512xi32, #tpu.memory_space<vmem>>, vector<16xi32>,
    %get3A_911 = vector.shape_cast %get3A_910 : vector<16xi32> to vector<16xi32>
    %ge3A_912 = arith.constant 100000 : i32
    %ge3A_913 = vector.broadcast %ge3A_912 : i32 to vector<16xi32>
    %ge3A_914 = arith.cmpi sge, %get3A_911, %ge3A_913 : vector<16xi32>
    %sub3A_915 = arith.constant 100000 : i32
    %sub3A_916 = vector.broadcast %sub3A_915 : i32 to vector<16xi32>
    %sub3A_917 = arith.subi %get3A_911, %sub3A_916 : vector<16xi32>
    %select_n3A_918 = arith.select %ge3A_914, %sub3A_917, %get3A_911 : vector<16xi1>, vector<16xi32>
    %swap3A_919 = arith.constant 2 : i32
    %swap3A_920 = arith.constant 0 : i32
    %swap3A_921 = tpu.memref_slice %arg10[%swap3A_919, %swap3A_920] : memref<4x128xi32, #tpu.memory_space<vmem>> -> memref<1x128xi32, #tpu.memory_space<vmem>>
    %swap3A_922 = tpu.memref_squeeze %swap3A_921 : memref<1x128xi32, #tpu.memory_space<vmem>> -> memref<128xi32, #tpu.memory_space<vmem>>
    %swap3A_923 = arith.constant 48 : index
    %swap3A_924 = tpu.vector_load %swap3A_922[%swap3A_923] {strides = array<i32>} : memref<128xi32, #tpu.memory_space<vmem>>, vector<16xi32>,
    %swap3A_925 = vector.shape_cast %swap3A_924 : vector<16xi32> to vector<16xi32>
    %swap3A_926 = vector.shape_cast %select_n3A_918 : vector<16xi32> to vector<16xi32>
    tpu.vector_store %swap3A_922[%swap3A_923], %swap3A_926 {strides = array<i32>} : memref<128xi32, #tpu.memory_space<vmem>>, vector<16xi32>,
    %get3A_927 = arith.constant 304 : index
    %get3A_928 = tpu.vector_load %arg9[%get3A_927] {strides = array<i32>} : memref<512xi32, #tpu.memory_space<vmem>>, vector<16xi32>,
    %get3A_929 = vector.shape_cast %get3A_928 : vector<16xi32> to vector<16xi32>
    %broadcast_in_dim3A_930 = arith.constant 0 : i32
    %broadcast_in_dim3A_931 = vector.broadcast %broadcast_in_dim3A_930 : i32 to vector<16xi32>
    %broadcast_in_dim3A_932 = arith.constant 26624 : i32
    %broadcast_in_dim3A_933 = vector.broadcast %broadcast_in_dim3A_932 : i32 to vector<16xi32>
    %ge3A_934 = arith.constant 26624 : i32
    %ge3A_935 = vector.broadcast %ge3A_934 : i32 to vector<16xi32>
    %ge3A_936 = arith.cmpi sge, %get3A_929, %ge3A_935 : vector<16xi32>
    %select_n3A_937 = arith.select %ge3A_936, %broadcast_in_dim3A_933, %broadcast_in_dim3A_931 : vector<16xi1>, vector<16xi32>
    %ge3A_938 = arith.constant 53248 : i32
    %ge3A_939 = vector.broadcast %ge3A_938 : i32 to vector<16xi32>
    %ge3A_940 = arith.cmpi sge, %get3A_929, %ge3A_939 : vector<16xi32>
    %select_n3A_941 = arith.select %ge3A_940, %broadcast_in_dim3A_933, %broadcast_in_dim3A_931 : vector<16xi1>, vector<16xi32>
    %add3A_942 = arith.addi %select_n3A_937, %select_n3A_941 : vector<16xi32>
    %ge3A_943 = arith.constant 79872 : i32
    %ge3A_944 = vector.broadcast %ge3A_943 : i32 to vector<16xi32>
    %ge3A_945 = arith.cmpi sge, %get3A_929, %ge3A_944 : vector<16xi32>
    %select_n3A_946 = arith.select %ge3A_945, %broadcast_in_dim3A_933, %broadcast_in_dim3A_931 : vector<16xi1>, vector<16xi32>
    %add3A_947 = arith.addi %add3A_942, %select_n3A_946 : vector<16xi32>
    %sub3A_948 = arith.subi %get3A_929, %add3A_947 : vector<16xi32>
    %swap3A_949 = arith.constant 2 : i32
    %swap3A_950 = arith.constant 0 : i32
    %swap3A_951 = tpu.memref_slice %arg11[%swap3A_949, %swap3A_950] : memref<4x128xi32, #tpu.memory_space<vmem>> -> memref<1x128xi32, #tpu.memory_space<vmem>>
    %swap3A_952 = tpu.memref_squeeze %swap3A_951 : memref<1x128xi32, #tpu.memory_space<vmem>> -> memref<128xi32, #tpu.memory_space<vmem>>
    %swap3A_953 = arith.constant 48 : index
    %swap3A_954 = tpu.vector_load %swap3A_952[%swap3A_953] {strides = array<i32>} : memref<128xi32, #tpu.memory_space<vmem>>, vector<16xi32>,
    %swap3A_955 = vector.shape_cast %swap3A_954 : vector<16xi32> to vector<16xi32>
    %swap3A_956 = vector.shape_cast %sub3A_948 : vector<16xi32> to vector<16xi32>
    tpu.vector_store %swap3A_952[%swap3A_953], %swap3A_956 {strides = array<i32>} : memref<128xi32, #tpu.memory_space<vmem>>, vector<16xi32>,
    %get3A_957 = arith.constant 320 : index
    %get3A_958 = tpu.vector_load %arg8[%get3A_957] {strides = array<i32>} : memref<512xi32, #tpu.memory_space<vmem>>, vector<16xi32>,
    %get3A_959 = vector.shape_cast %get3A_958 : vector<16xi32> to vector<16xi32>
    %ge3A_960 = arith.constant 100000 : i32
    %ge3A_961 = vector.broadcast %ge3A_960 : i32 to vector<16xi32>
    %ge3A_962 = arith.cmpi sge, %get3A_959, %ge3A_961 : vector<16xi32>
    %sub3A_963 = arith.constant 100000 : i32
    %sub3A_964 = vector.broadcast %sub3A_963 : i32 to vector<16xi32>
    %sub3A_965 = arith.subi %get3A_959, %sub3A_964 : vector<16xi32>
    %select_n3A_966 = arith.select %ge3A_962, %sub3A_965, %get3A_959 : vector<16xi1>, vector<16xi32>
    %swap3A_967 = arith.constant 2 : i32
    %swap3A_968 = arith.constant 0 : i32
    %swap3A_969 = tpu.memref_slice %arg10[%swap3A_967, %swap3A_968] : memref<4x128xi32, #tpu.memory_space<vmem>> -> memref<1x128xi32, #tpu.memory_space<vmem>>
    %swap3A_970 = tpu.memref_squeeze %swap3A_969 : memref<1x128xi32, #tpu.memory_space<vmem>> -> memref<128xi32, #tpu.memory_space<vmem>>
    %swap3A_971 = arith.constant 64 : index
    %swap3A_972 = tpu.vector_load %swap3A_970[%swap3A_971] {strides = array<i32>} : memref<128xi32, #tpu.memory_space<vmem>>, vector<16xi32>,
    %swap3A_973 = vector.shape_cast %swap3A_972 : vector<16xi32> to vector<16xi32>
    %swap3A_974 = vector.shape_cast %select_n3A_966 : vector<16xi32> to vector<16xi32>
    tpu.vector_store %swap3A_970[%swap3A_971], %swap3A_974 {strides = array<i32>} : memref<128xi32, #tpu.memory_space<vmem>>, vector<16xi32>,
    %get3A_975 = arith.constant 320 : index
    %get3A_976 = tpu.vector_load %arg9[%get3A_975] {strides = array<i32>} : memref<512xi32, #tpu.memory_space<vmem>>, vector<16xi32>,
    %get3A_977 = vector.shape_cast %get3A_976 : vector<16xi32> to vector<16xi32>
    %broadcast_in_dim3A_978 = arith.constant 0 : i32
    %broadcast_in_dim3A_979 = vector.broadcast %broadcast_in_dim3A_978 : i32 to vector<16xi32>
    %broadcast_in_dim3A_980 = arith.constant 26624 : i32
    %broadcast_in_dim3A_981 = vector.broadcast %broadcast_in_dim3A_980 : i32 to vector<16xi32>
    %ge3A_982 = arith.constant 26624 : i32
    %ge3A_983 = vector.broadcast %ge3A_982 : i32 to vector<16xi32>
    %ge3A_984 = arith.cmpi sge, %get3A_977, %ge3A_983 : vector<16xi32>
    %select_n3A_985 = arith.select %ge3A_984, %broadcast_in_dim3A_981, %broadcast_in_dim3A_979 : vector<16xi1>, vector<16xi32>
    %ge3A_986 = arith.constant 53248 : i32
    %ge3A_987 = vector.broadcast %ge3A_986 : i32 to vector<16xi32>
    %ge3A_988 = arith.cmpi sge, %get3A_977, %ge3A_987 : vector<16xi32>
    %select_n3A_989 = arith.select %ge3A_988, %broadcast_in_dim3A_981, %broadcast_in_dim3A_979 : vector<16xi1>, vector<16xi32>
    %add3A_990 = arith.addi %select_n3A_985, %select_n3A_989 : vector<16xi32>
    %ge3A_991 = arith.constant 79872 : i32
    %ge3A_992 = vector.broadcast %ge3A_991 : i32 to vector<16xi32>
    %ge3A_993 = arith.cmpi sge, %get3A_977, %ge3A_992 : vector<16xi32>
    %select_n3A_994 = arith.select %ge3A_993, %broadcast_in_dim3A_981, %broadcast_in_dim3A_979 : vector<16xi1>, vector<16xi32>
    %add3A_995 = arith.addi %add3A_990, %select_n3A_994 : vector<16xi32>
    %sub3A_996 = arith.subi %get3A_977, %add3A_995 : vector<16xi32>
    %swap3A_997 = arith.constant 2 : i32
    %swap3A_998 = arith.constant 0 : i32
    %swap3A_999 = tpu.memref_slice %arg11[%swap3A_997, %swap3A_998] : memref<4x128xi32, #tpu.memory_space<vmem>> -> memref<1x128xi32, #tpu.memory_space<vmem>>
    %swap3A_1000 = tpu.memref_squeeze %swap3A_999 : memref<1x128xi32, #tpu.memory_space<vmem>> -> memref<128xi32, #tpu.memory_space<vmem>>
    %swap3A_1001 = arith.constant 64 : index
    %swap3A_1002 = tpu.vector_load %swap3A_1000[%swap3A_1001] {strides = array<i32>} : memref<128xi32, #tpu.memory_space<vmem>>, vector<16xi32>,
    %swap3A_1003 = vector.shape_cast %swap3A_1002 : vector<16xi32> to vector<16xi32>
    %swap3A_1004 = vector.shape_cast %sub3A_996 : vector<16xi32> to vector<16xi32>
    tpu.vector_store %swap3A_1000[%swap3A_1001], %swap3A_1004 {strides = array<i32>} : memref<128xi32, #tpu.memory_space<vmem>>, vector<16xi32>,
    %get3A_1005 = arith.constant 336 : index
    %get3A_1006 = tpu.vector_load %arg8[%get3A_1005] {strides = array<i32>} : memref<512xi32, #tpu.memory_space<vmem>>, vector<16xi32>,
    %get3A_1007 = vector.shape_cast %get3A_1006 : vector<16xi32> to vector<16xi32>
    %ge3A_1008 = arith.constant 100000 : i32
    %ge3A_1009 = vector.broadcast %ge3A_1008 : i32 to vector<16xi32>
    %ge3A_1010 = arith.cmpi sge, %get3A_1007, %ge3A_1009 : vector<16xi32>
    %sub3A_1011 = arith.constant 100000 : i32
    %sub3A_1012 = vector.broadcast %sub3A_1011 : i32 to vector<16xi32>
    %sub3A_1013 = arith.subi %get3A_1007, %sub3A_1012 : vector<16xi32>
    %select_n3A_1014 = arith.select %ge3A_1010, %sub3A_1013, %get3A_1007 : vector<16xi1>, vector<16xi32>
    %swap3A_1015 = arith.constant 2 : i32
    %swap3A_1016 = arith.constant 0 : i32
    %swap3A_1017 = tpu.memref_slice %arg10[%swap3A_1015, %swap3A_1016] : memref<4x128xi32, #tpu.memory_space<vmem>> -> memref<1x128xi32, #tpu.memory_space<vmem>>
    %swap3A_1018 = tpu.memref_squeeze %swap3A_1017 : memref<1x128xi32, #tpu.memory_space<vmem>> -> memref<128xi32, #tpu.memory_space<vmem>>
    %swap3A_1019 = arith.constant 80 : index
    %swap3A_1020 = tpu.vector_load %swap3A_1018[%swap3A_1019] {strides = array<i32>} : memref<128xi32, #tpu.memory_space<vmem>>, vector<16xi32>,
    %swap3A_1021 = vector.shape_cast %swap3A_1020 : vector<16xi32> to vector<16xi32>
    %swap3A_1022 = vector.shape_cast %select_n3A_1014 : vector<16xi32> to vector<16xi32>
    tpu.vector_store %swap3A_1018[%swap3A_1019], %swap3A_1022 {strides = array<i32>} : memref<128xi32, #tpu.memory_space<vmem>>, vector<16xi32>,
    %get3A_1023 = arith.constant 336 : index
    %get3A_1024 = tpu.vector_load %arg9[%get3A_1023] {strides = array<i32>} : memref<512xi32, #tpu.memory_space<vmem>>, vector<16xi32>,
    %get3A_1025 = vector.shape_cast %get3A_1024 : vector<16xi32> to vector<16xi32>
    %broadcast_in_dim3A_1026 = arith.constant 0 : i32
    %broadcast_in_dim3A_1027 = vector.broadcast %broadcast_in_dim3A_1026 : i32 to vector<16xi32>
    %broadcast_in_dim3A_1028 = arith.constant 26624 : i32
    %broadcast_in_dim3A_1029 = vector.broadcast %broadcast_in_dim3A_1028 : i32 to vector<16xi32>
    %ge3A_1030 = arith.constant 26624 : i32
    %ge3A_1031 = vector.broadcast %ge3A_1030 : i32 to vector<16xi32>
    %ge3A_1032 = arith.cmpi sge, %get3A_1025, %ge3A_1031 : vector<16xi32>
    %select_n3A_1033 = arith.select %ge3A_1032, %broadcast_in_dim3A_1029, %broadcast_in_dim3A_1027 : vector<16xi1>, vector<16xi32>
    %ge3A_1034 = arith.constant 53248 : i32
    %ge3A_1035 = vector.broadcast %ge3A_1034 : i32 to vector<16xi32>
    %ge3A_1036 = arith.cmpi sge, %get3A_1025, %ge3A_1035 : vector<16xi32>
    %select_n3A_1037 = arith.select %ge3A_1036, %broadcast_in_dim3A_1029, %broadcast_in_dim3A_1027 : vector<16xi1>, vector<16xi32>
    %add3A_1038 = arith.addi %select_n3A_1033, %select_n3A_1037 : vector<16xi32>
    %ge3A_1039 = arith.constant 79872 : i32
    %ge3A_1040 = vector.broadcast %ge3A_1039 : i32 to vector<16xi32>
    %ge3A_1041 = arith.cmpi sge, %get3A_1025, %ge3A_1040 : vector<16xi32>
    %select_n3A_1042 = arith.select %ge3A_1041, %broadcast_in_dim3A_1029, %broadcast_in_dim3A_1027 : vector<16xi1>, vector<16xi32>
    %add3A_1043 = arith.addi %add3A_1038, %select_n3A_1042 : vector<16xi32>
    %sub3A_1044 = arith.subi %get3A_1025, %add3A_1043 : vector<16xi32>
    %swap3A_1045 = arith.constant 2 : i32
    %swap3A_1046 = arith.constant 0 : i32
    %swap3A_1047 = tpu.memref_slice %arg11[%swap3A_1045, %swap3A_1046] : memref<4x128xi32, #tpu.memory_space<vmem>> -> memref<1x128xi32, #tpu.memory_space<vmem>>
    %swap3A_1048 = tpu.memref_squeeze %swap3A_1047 : memref<1x128xi32, #tpu.memory_space<vmem>> -> memref<128xi32, #tpu.memory_space<vmem>>
    %swap3A_1049 = arith.constant 80 : index
    %swap3A_1050 = tpu.vector_load %swap3A_1048[%swap3A_1049] {strides = array<i32>} : memref<128xi32, #tpu.memory_space<vmem>>, vector<16xi32>,
    %swap3A_1051 = vector.shape_cast %swap3A_1050 : vector<16xi32> to vector<16xi32>
    %swap3A_1052 = vector.shape_cast %sub3A_1044 : vector<16xi32> to vector<16xi32>
    tpu.vector_store %swap3A_1048[%swap3A_1049], %swap3A_1052 {strides = array<i32>} : memref<128xi32, #tpu.memory_space<vmem>>, vector<16xi32>,
    %get3A_1053 = arith.constant 352 : index
    %get3A_1054 = tpu.vector_load %arg8[%get3A_1053] {strides = array<i32>} : memref<512xi32, #tpu.memory_space<vmem>>, vector<16xi32>,
    %get3A_1055 = vector.shape_cast %get3A_1054 : vector<16xi32> to vector<16xi32>
    %ge3A_1056 = arith.constant 100000 : i32
    %ge3A_1057 = vector.broadcast %ge3A_1056 : i32 to vector<16xi32>
    %ge3A_1058 = arith.cmpi sge, %get3A_1055, %ge3A_1057 : vector<16xi32>
    %sub3A_1059 = arith.constant 100000 : i32
    %sub3A_1060 = vector.broadcast %sub3A_1059 : i32 to vector<16xi32>
    %sub3A_1061 = arith.subi %get3A_1055, %sub3A_1060 : vector<16xi32>
    %select_n3A_1062 = arith.select %ge3A_1058, %sub3A_1061, %get3A_1055 : vector<16xi1>, vector<16xi32>
    %swap3A_1063 = arith.constant 2 : i32
    %swap3A_1064 = arith.constant 0 : i32
    %swap3A_1065 = tpu.memref_slice %arg10[%swap3A_1063, %swap3A_1064] : memref<4x128xi32, #tpu.memory_space<vmem>> -> memref<1x128xi32, #tpu.memory_space<vmem>>
    %swap3A_1066 = tpu.memref_squeeze %swap3A_1065 : memref<1x128xi32, #tpu.memory_space<vmem>> -> memref<128xi32, #tpu.memory_space<vmem>>
    %swap3A_1067 = arith.constant 96 : index
    %swap3A_1068 = tpu.vector_load %swap3A_1066[%swap3A_1067] {strides = array<i32>} : memref<128xi32, #tpu.memory_space<vmem>>, vector<16xi32>,
    %swap3A_1069 = vector.shape_cast %swap3A_1068 : vector<16xi32> to vector<16xi32>
    %swap3A_1070 = vector.shape_cast %select_n3A_1062 : vector<16xi32> to vector<16xi32>
    tpu.vector_store %swap3A_1066[%swap3A_1067], %swap3A_1070 {strides = array<i32>} : memref<128xi32, #tpu.memory_space<vmem>>, vector<16xi32>,
    %get3A_1071 = arith.constant 352 : index
    %get3A_1072 = tpu.vector_load %arg9[%get3A_1071] {strides = array<i32>} : memref<512xi32, #tpu.memory_space<vmem>>, vector<16xi32>,
    %get3A_1073 = vector.shape_cast %get3A_1072 : vector<16xi32> to vector<16xi32>
    %broadcast_in_dim3A_1074 = arith.constant 0 : i32
    %broadcast_in_dim3A_1075 = vector.broadcast %broadcast_in_dim3A_1074 : i32 to vector<16xi32>
    %broadcast_in_dim3A_1076 = arith.constant 26624 : i32
    %broadcast_in_dim3A_1077 = vector.broadcast %broadcast_in_dim3A_1076 : i32 to vector<16xi32>
    %ge3A_1078 = arith.constant 26624 : i32
    %ge3A_1079 = vector.broadcast %ge3A_1078 : i32 to vector<16xi32>
    %ge3A_1080 = arith.cmpi sge, %get3A_1073, %ge3A_1079 : vector<16xi32>
    %select_n3A_1081 = arith.select %ge3A_1080, %broadcast_in_dim3A_1077, %broadcast_in_dim3A_1075 : vector<16xi1>, vector<16xi32>
    %ge3A_1082 = arith.constant 53248 : i32
    %ge3A_1083 = vector.broadcast %ge3A_1082 : i32 to vector<16xi32>
    %ge3A_1084 = arith.cmpi sge, %get3A_1073, %ge3A_1083 : vector<16xi32>
    %select_n3A_1085 = arith.select %ge3A_1084, %broadcast_in_dim3A_1077, %broadcast_in_dim3A_1075 : vector<16xi1>, vector<16xi32>
    %add3A_1086 = arith.addi %select_n3A_1081, %select_n3A_1085 : vector<16xi32>
    %ge3A_1087 = arith.constant 79872 : i32
    %ge3A_1088 = vector.broadcast %ge3A_1087 : i32 to vector<16xi32>
    %ge3A_1089 = arith.cmpi sge, %get3A_1073, %ge3A_1088 : vector<16xi32>
    %select_n3A_1090 = arith.select %ge3A_1089, %broadcast_in_dim3A_1077, %broadcast_in_dim3A_1075 : vector<16xi1>, vector<16xi32>
    %add3A_1091 = arith.addi %add3A_1086, %select_n3A_1090 : vector<16xi32>
    %sub3A_1092 = arith.subi %get3A_1073, %add3A_1091 : vector<16xi32>
    %swap3A_1093 = arith.constant 2 : i32
    %swap3A_1094 = arith.constant 0 : i32
    %swap3A_1095 = tpu.memref_slice %arg11[%swap3A_1093, %swap3A_1094] : memref<4x128xi32, #tpu.memory_space<vmem>> -> memref<1x128xi32, #tpu.memory_space<vmem>>
    %swap3A_1096 = tpu.memref_squeeze %swap3A_1095 : memref<1x128xi32, #tpu.memory_space<vmem>> -> memref<128xi32, #tpu.memory_space<vmem>>
    %swap3A_1097 = arith.constant 96 : index
    %swap3A_1098 = tpu.vector_load %swap3A_1096[%swap3A_1097] {strides = array<i32>} : memref<128xi32, #tpu.memory_space<vmem>>, vector<16xi32>,
    %swap3A_1099 = vector.shape_cast %swap3A_1098 : vector<16xi32> to vector<16xi32>
    %swap3A_1100 = vector.shape_cast %sub3A_1092 : vector<16xi32> to vector<16xi32>
    tpu.vector_store %swap3A_1096[%swap3A_1097], %swap3A_1100 {strides = array<i32>} : memref<128xi32, #tpu.memory_space<vmem>>, vector<16xi32>,
    %get3A_1101 = arith.constant 368 : index
    %get3A_1102 = tpu.vector_load %arg8[%get3A_1101] {strides = array<i32>} : memref<512xi32, #tpu.memory_space<vmem>>, vector<16xi32>,
    %get3A_1103 = vector.shape_cast %get3A_1102 : vector<16xi32> to vector<16xi32>
    %ge3A_1104 = arith.constant 100000 : i32
    %ge3A_1105 = vector.broadcast %ge3A_1104 : i32 to vector<16xi32>
    %ge3A_1106 = arith.cmpi sge, %get3A_1103, %ge3A_1105 : vector<16xi32>
    %sub3A_1107 = arith.constant 100000 : i32
    %sub3A_1108 = vector.broadcast %sub3A_1107 : i32 to vector<16xi32>
    %sub3A_1109 = arith.subi %get3A_1103, %sub3A_1108 : vector<16xi32>
    %select_n3A_1110 = arith.select %ge3A_1106, %sub3A_1109, %get3A_1103 : vector<16xi1>, vector<16xi32>
    %swap3A_1111 = arith.constant 2 : i32
    %swap3A_1112 = arith.constant 0 : i32
    %swap3A_1113 = tpu.memref_slice %arg10[%swap3A_1111, %swap3A_1112] : memref<4x128xi32, #tpu.memory_space<vmem>> -> memref<1x128xi32, #tpu.memory_space<vmem>>
    %swap3A_1114 = tpu.memref_squeeze %swap3A_1113 : memref<1x128xi32, #tpu.memory_space<vmem>> -> memref<128xi32, #tpu.memory_space<vmem>>
    %swap3A_1115 = arith.constant 112 : index
    %swap3A_1116 = tpu.vector_load %swap3A_1114[%swap3A_1115] {strides = array<i32>} : memref<128xi32, #tpu.memory_space<vmem>>, vector<16xi32>,
    %swap3A_1117 = vector.shape_cast %swap3A_1116 : vector<16xi32> to vector<16xi32>
    %swap3A_1118 = vector.shape_cast %select_n3A_1110 : vector<16xi32> to vector<16xi32>
    tpu.vector_store %swap3A_1114[%swap3A_1115], %swap3A_1118 {strides = array<i32>} : memref<128xi32, #tpu.memory_space<vmem>>, vector<16xi32>,
    %get3A_1119 = arith.constant 368 : index
    %get3A_1120 = tpu.vector_load %arg9[%get3A_1119] {strides = array<i32>} : memref<512xi32, #tpu.memory_space<vmem>>, vector<16xi32>,
    %get3A_1121 = vector.shape_cast %get3A_1120 : vector<16xi32> to vector<16xi32>
    %broadcast_in_dim3A_1122 = arith.constant 0 : i32
    %broadcast_in_dim3A_1123 = vector.broadcast %broadcast_in_dim3A_1122 : i32 to vector<16xi32>
    %broadcast_in_dim3A_1124 = arith.constant 26624 : i32
    %broadcast_in_dim3A_1125 = vector.broadcast %broadcast_in_dim3A_1124 : i32 to vector<16xi32>
    %ge3A_1126 = arith.constant 26624 : i32
    %ge3A_1127 = vector.broadcast %ge3A_1126 : i32 to vector<16xi32>
    %ge3A_1128 = arith.cmpi sge, %get3A_1121, %ge3A_1127 : vector<16xi32>
    %select_n3A_1129 = arith.select %ge3A_1128, %broadcast_in_dim3A_1125, %broadcast_in_dim3A_1123 : vector<16xi1>, vector<16xi32>
    %ge3A_1130 = arith.constant 53248 : i32
    %ge3A_1131 = vector.broadcast %ge3A_1130 : i32 to vector<16xi32>
    %ge3A_1132 = arith.cmpi sge, %get3A_1121, %ge3A_1131 : vector<16xi32>
    %select_n3A_1133 = arith.select %ge3A_1132, %broadcast_in_dim3A_1125, %broadcast_in_dim3A_1123 : vector<16xi1>, vector<16xi32>
    %add3A_1134 = arith.addi %select_n3A_1129, %select_n3A_1133 : vector<16xi32>
    %ge3A_1135 = arith.constant 79872 : i32
    %ge3A_1136 = vector.broadcast %ge3A_1135 : i32 to vector<16xi32>
    %ge3A_1137 = arith.cmpi sge, %get3A_1121, %ge3A_1136 : vector<16xi32>
    %select_n3A_1138 = arith.select %ge3A_1137, %broadcast_in_dim3A_1125, %broadcast_in_dim3A_1123 : vector<16xi1>, vector<16xi32>
    %add3A_1139 = arith.addi %add3A_1134, %select_n3A_1138 : vector<16xi32>
    %sub3A_1140 = arith.subi %get3A_1121, %add3A_1139 : vector<16xi32>
    %swap3A_1141 = arith.constant 2 : i32
    %swap3A_1142 = arith.constant 0 : i32
    %swap3A_1143 = tpu.memref_slice %arg11[%swap3A_1141, %swap3A_1142] : memref<4x128xi32, #tpu.memory_space<vmem>> -> memref<1x128xi32, #tpu.memory_space<vmem>>
    %swap3A_1144 = tpu.memref_squeeze %swap3A_1143 : memref<1x128xi32, #tpu.memory_space<vmem>> -> memref<128xi32, #tpu.memory_space<vmem>>
    %swap3A_1145 = arith.constant 112 : index
    %swap3A_1146 = tpu.vector_load %swap3A_1144[%swap3A_1145] {strides = array<i32>} : memref<128xi32, #tpu.memory_space<vmem>>, vector<16xi32>,
    %swap3A_1147 = vector.shape_cast %swap3A_1146 : vector<16xi32> to vector<16xi32>
    %swap3A_1148 = vector.shape_cast %sub3A_1140 : vector<16xi32> to vector<16xi32>
    tpu.vector_store %swap3A_1144[%swap3A_1145], %swap3A_1148 {strides = array<i32>} : memref<128xi32, #tpu.memory_space<vmem>>, vector<16xi32>,
    %get3A_1149 = arith.constant 384 : index
    %get3A_1150 = tpu.vector_load %arg8[%get3A_1149] {strides = array<i32>} : memref<512xi32, #tpu.memory_space<vmem>>, vector<16xi32>,
    %get3A_1151 = vector.shape_cast %get3A_1150 : vector<16xi32> to vector<16xi32>
    %ge3A_1152 = arith.constant 100000 : i32
    %ge3A_1153 = vector.broadcast %ge3A_1152 : i32 to vector<16xi32>
    %ge3A_1154 = arith.cmpi sge, %get3A_1151, %ge3A_1153 : vector<16xi32>
    %sub3A_1155 = arith.constant 100000 : i32
    %sub3A_1156 = vector.broadcast %sub3A_1155 : i32 to vector<16xi32>
    %sub3A_1157 = arith.subi %get3A_1151, %sub3A_1156 : vector<16xi32>
    %select_n3A_1158 = arith.select %ge3A_1154, %sub3A_1157, %get3A_1151 : vector<16xi1>, vector<16xi32>
    %swap3A_1159 = arith.constant 3 : i32
    %swap3A_1160 = arith.constant 0 : i32
    %swap3A_1161 = tpu.memref_slice %arg10[%swap3A_1159, %swap3A_1160] : memref<4x128xi32, #tpu.memory_space<vmem>> -> memref<1x128xi32, #tpu.memory_space<vmem>>
    %swap3A_1162 = tpu.memref_squeeze %swap3A_1161 : memref<1x128xi32, #tpu.memory_space<vmem>> -> memref<128xi32, #tpu.memory_space<vmem>>
    %swap3A_1163 = arith.constant 0 : index
    %swap3A_1164 = tpu.vector_load %swap3A_1162[%swap3A_1163] {strides = array<i32>} : memref<128xi32, #tpu.memory_space<vmem>>, vector<16xi32>,
    %swap3A_1165 = vector.shape_cast %swap3A_1164 : vector<16xi32> to vector<16xi32>
    %swap3A_1166 = vector.shape_cast %select_n3A_1158 : vector<16xi32> to vector<16xi32>
    tpu.vector_store %swap3A_1162[%swap3A_1163], %swap3A_1166 {strides = array<i32>} : memref<128xi32, #tpu.memory_space<vmem>>, vector<16xi32>,
    %get3A_1167 = arith.constant 384 : index
    %get3A_1168 = tpu.vector_load %arg9[%get3A_1167] {strides = array<i32>} : memref<512xi32, #tpu.memory_space<vmem>>, vector<16xi32>,
    %get3A_1169 = vector.shape_cast %get3A_1168 : vector<16xi32> to vector<16xi32>
    %broadcast_in_dim3A_1170 = arith.constant 0 : i32
    %broadcast_in_dim3A_1171 = vector.broadcast %broadcast_in_dim3A_1170 : i32 to vector<16xi32>
    %broadcast_in_dim3A_1172 = arith.constant 26624 : i32
    %broadcast_in_dim3A_1173 = vector.broadcast %broadcast_in_dim3A_1172 : i32 to vector<16xi32>
    %ge3A_1174 = arith.constant 26624 : i32
    %ge3A_1175 = vector.broadcast %ge3A_1174 : i32 to vector<16xi32>
    %ge3A_1176 = arith.cmpi sge, %get3A_1169, %ge3A_1175 : vector<16xi32>
    %select_n3A_1177 = arith.select %ge3A_1176, %broadcast_in_dim3A_1173, %broadcast_in_dim3A_1171 : vector<16xi1>, vector<16xi32>
    %ge3A_1178 = arith.constant 53248 : i32
    %ge3A_1179 = vector.broadcast %ge3A_1178 : i32 to vector<16xi32>
    %ge3A_1180 = arith.cmpi sge, %get3A_1169, %ge3A_1179 : vector<16xi32>
    %select_n3A_1181 = arith.select %ge3A_1180, %broadcast_in_dim3A_1173, %broadcast_in_dim3A_1171 : vector<16xi1>, vector<16xi32>
    %add3A_1182 = arith.addi %select_n3A_1177, %select_n3A_1181 : vector<16xi32>
    %ge3A_1183 = arith.constant 79872 : i32
    %ge3A_1184 = vector.broadcast %ge3A_1183 : i32 to vector<16xi32>
    %ge3A_1185 = arith.cmpi sge, %get3A_1169, %ge3A_1184 : vector<16xi32>
    %select_n3A_1186 = arith.select %ge3A_1185, %broadcast_in_dim3A_1173, %broadcast_in_dim3A_1171 : vector<16xi1>, vector<16xi32>
    %add3A_1187 = arith.addi %add3A_1182, %select_n3A_1186 : vector<16xi32>
    %sub3A_1188 = arith.subi %get3A_1169, %add3A_1187 : vector<16xi32>
    %swap3A_1189 = arith.constant 3 : i32
    %swap3A_1190 = arith.constant 0 : i32
    %swap3A_1191 = tpu.memref_slice %arg11[%swap3A_1189, %swap3A_1190] : memref<4x128xi32, #tpu.memory_space<vmem>> -> memref<1x128xi32, #tpu.memory_space<vmem>>
    %swap3A_1192 = tpu.memref_squeeze %swap3A_1191 : memref<1x128xi32, #tpu.memory_space<vmem>> -> memref<128xi32, #tpu.memory_space<vmem>>
    %swap3A_1193 = arith.constant 0 : index
    %swap3A_1194 = tpu.vector_load %swap3A_1192[%swap3A_1193] {strides = array<i32>} : memref<128xi32, #tpu.memory_space<vmem>>, vector<16xi32>,
    %swap3A_1195 = vector.shape_cast %swap3A_1194 : vector<16xi32> to vector<16xi32>
    %swap3A_1196 = vector.shape_cast %sub3A_1188 : vector<16xi32> to vector<16xi32>
    tpu.vector_store %swap3A_1192[%swap3A_1193], %swap3A_1196 {strides = array<i32>} : memref<128xi32, #tpu.memory_space<vmem>>, vector<16xi32>,
    %get3A_1197 = arith.constant 400 : index
    %get3A_1198 = tpu.vector_load %arg8[%get3A_1197] {strides = array<i32>} : memref<512xi32, #tpu.memory_space<vmem>>, vector<16xi32>,
    %get3A_1199 = vector.shape_cast %get3A_1198 : vector<16xi32> to vector<16xi32>
    %ge3A_1200 = arith.constant 100000 : i32
    %ge3A_1201 = vector.broadcast %ge3A_1200 : i32 to vector<16xi32>
    %ge3A_1202 = arith.cmpi sge, %get3A_1199, %ge3A_1201 : vector<16xi32>
    %sub3A_1203 = arith.constant 100000 : i32
    %sub3A_1204 = vector.broadcast %sub3A_1203 : i32 to vector<16xi32>
    %sub3A_1205 = arith.subi %get3A_1199, %sub3A_1204 : vector<16xi32>
    %select_n3A_1206 = arith.select %ge3A_1202, %sub3A_1205, %get3A_1199 : vector<16xi1>, vector<16xi32>
    %swap3A_1207 = arith.constant 3 : i32
    %swap3A_1208 = arith.constant 0 : i32
    %swap3A_1209 = tpu.memref_slice %arg10[%swap3A_1207, %swap3A_1208] : memref<4x128xi32, #tpu.memory_space<vmem>> -> memref<1x128xi32, #tpu.memory_space<vmem>>
    %swap3A_1210 = tpu.memref_squeeze %swap3A_1209 : memref<1x128xi32, #tpu.memory_space<vmem>> -> memref<128xi32, #tpu.memory_space<vmem>>
    %swap3A_1211 = arith.constant 16 : index
    %swap3A_1212 = tpu.vector_load %swap3A_1210[%swap3A_1211] {strides = array<i32>} : memref<128xi32, #tpu.memory_space<vmem>>, vector<16xi32>,
    %swap3A_1213 = vector.shape_cast %swap3A_1212 : vector<16xi32> to vector<16xi32>
    %swap3A_1214 = vector.shape_cast %select_n3A_1206 : vector<16xi32> to vector<16xi32>
    tpu.vector_store %swap3A_1210[%swap3A_1211], %swap3A_1214 {strides = array<i32>} : memref<128xi32, #tpu.memory_space<vmem>>, vector<16xi32>,
    %get3A_1215 = arith.constant 400 : index
    %get3A_1216 = tpu.vector_load %arg9[%get3A_1215] {strides = array<i32>} : memref<512xi32, #tpu.memory_space<vmem>>, vector<16xi32>,
    %get3A_1217 = vector.shape_cast %get3A_1216 : vector<16xi32> to vector<16xi32>
    %broadcast_in_dim3A_1218 = arith.constant 0 : i32
    %broadcast_in_dim3A_1219 = vector.broadcast %broadcast_in_dim3A_1218 : i32 to vector<16xi32>
    %broadcast_in_dim3A_1220 = arith.constant 26624 : i32
    %broadcast_in_dim3A_1221 = vector.broadcast %broadcast_in_dim3A_1220 : i32 to vector<16xi32>
    %ge3A_1222 = arith.constant 26624 : i32
    %ge3A_1223 = vector.broadcast %ge3A_1222 : i32 to vector<16xi32>
    %ge3A_1224 = arith.cmpi sge, %get3A_1217, %ge3A_1223 : vector<16xi32>
    %select_n3A_1225 = arith.select %ge3A_1224, %broadcast_in_dim3A_1221, %broadcast_in_dim3A_1219 : vector<16xi1>, vector<16xi32>
    %ge3A_1226 = arith.constant 53248 : i32
    %ge3A_1227 = vector.broadcast %ge3A_1226 : i32 to vector<16xi32>
    %ge3A_1228 = arith.cmpi sge, %get3A_1217, %ge3A_1227 : vector<16xi32>
    %select_n3A_1229 = arith.select %ge3A_1228, %broadcast_in_dim3A_1221, %broadcast_in_dim3A_1219 : vector<16xi1>, vector<16xi32>
    %add3A_1230 = arith.addi %select_n3A_1225, %select_n3A_1229 : vector<16xi32>
    %ge3A_1231 = arith.constant 79872 : i32
    %ge3A_1232 = vector.broadcast %ge3A_1231 : i32 to vector<16xi32>
    %ge3A_1233 = arith.cmpi sge, %get3A_1217, %ge3A_1232 : vector<16xi32>
    %select_n3A_1234 = arith.select %ge3A_1233, %broadcast_in_dim3A_1221, %broadcast_in_dim3A_1219 : vector<16xi1>, vector<16xi32>
    %add3A_1235 = arith.addi %add3A_1230, %select_n3A_1234 : vector<16xi32>
    %sub3A_1236 = arith.subi %get3A_1217, %add3A_1235 : vector<16xi32>
    %swap3A_1237 = arith.constant 3 : i32
    %swap3A_1238 = arith.constant 0 : i32
    %swap3A_1239 = tpu.memref_slice %arg11[%swap3A_1237, %swap3A_1238] : memref<4x128xi32, #tpu.memory_space<vmem>> -> memref<1x128xi32, #tpu.memory_space<vmem>>
    %swap3A_1240 = tpu.memref_squeeze %swap3A_1239 : memref<1x128xi32, #tpu.memory_space<vmem>> -> memref<128xi32, #tpu.memory_space<vmem>>
    %swap3A_1241 = arith.constant 16 : index
    %swap3A_1242 = tpu.vector_load %swap3A_1240[%swap3A_1241] {strides = array<i32>} : memref<128xi32, #tpu.memory_space<vmem>>, vector<16xi32>,
    %swap3A_1243 = vector.shape_cast %swap3A_1242 : vector<16xi32> to vector<16xi32>
    %swap3A_1244 = vector.shape_cast %sub3A_1236 : vector<16xi32> to vector<16xi32>
    tpu.vector_store %swap3A_1240[%swap3A_1241], %swap3A_1244 {strides = array<i32>} : memref<128xi32, #tpu.memory_space<vmem>>, vector<16xi32>,
    %get3A_1245 = arith.constant 416 : index
    %get3A_1246 = tpu.vector_load %arg8[%get3A_1245] {strides = array<i32>} : memref<512xi32, #tpu.memory_space<vmem>>, vector<16xi32>,
    %get3A_1247 = vector.shape_cast %get3A_1246 : vector<16xi32> to vector<16xi32>
    %ge3A_1248 = arith.constant 100000 : i32
    %ge3A_1249 = vector.broadcast %ge3A_1248 : i32 to vector<16xi32>
    %ge3A_1250 = arith.cmpi sge, %get3A_1247, %ge3A_1249 : vector<16xi32>
    %sub3A_1251 = arith.constant 100000 : i32
    %sub3A_1252 = vector.broadcast %sub3A_1251 : i32 to vector<16xi32>
    %sub3A_1253 = arith.subi %get3A_1247, %sub3A_1252 : vector<16xi32>
    %select_n3A_1254 = arith.select %ge3A_1250, %sub3A_1253, %get3A_1247 : vector<16xi1>, vector<16xi32>
    %swap3A_1255 = arith.constant 3 : i32
    %swap3A_1256 = arith.constant 0 : i32
    %swap3A_1257 = tpu.memref_slice %arg10[%swap3A_1255, %swap3A_1256] : memref<4x128xi32, #tpu.memory_space<vmem>> -> memref<1x128xi32, #tpu.memory_space<vmem>>
    %swap3A_1258 = tpu.memref_squeeze %swap3A_1257 : memref<1x128xi32, #tpu.memory_space<vmem>> -> memref<128xi32, #tpu.memory_space<vmem>>
    %swap3A_1259 = arith.constant 32 : index
    %swap3A_1260 = tpu.vector_load %swap3A_1258[%swap3A_1259] {strides = array<i32>} : memref<128xi32, #tpu.memory_space<vmem>>, vector<16xi32>,
    %swap3A_1261 = vector.shape_cast %swap3A_1260 : vector<16xi32> to vector<16xi32>
    %swap3A_1262 = vector.shape_cast %select_n3A_1254 : vector<16xi32> to vector<16xi32>
    tpu.vector_store %swap3A_1258[%swap3A_1259], %swap3A_1262 {strides = array<i32>} : memref<128xi32, #tpu.memory_space<vmem>>, vector<16xi32>,
    %get3A_1263 = arith.constant 416 : index
    %get3A_1264 = tpu.vector_load %arg9[%get3A_1263] {strides = array<i32>} : memref<512xi32, #tpu.memory_space<vmem>>, vector<16xi32>,
    %get3A_1265 = vector.shape_cast %get3A_1264 : vector<16xi32> to vector<16xi32>
    %broadcast_in_dim3A_1266 = arith.constant 0 : i32
    %broadcast_in_dim3A_1267 = vector.broadcast %broadcast_in_dim3A_1266 : i32 to vector<16xi32>
    %broadcast_in_dim3A_1268 = arith.constant 26624 : i32
    %broadcast_in_dim3A_1269 = vector.broadcast %broadcast_in_dim3A_1268 : i32 to vector<16xi32>
    %ge3A_1270 = arith.constant 26624 : i32
    %ge3A_1271 = vector.broadcast %ge3A_1270 : i32 to vector<16xi32>
    %ge3A_1272 = arith.cmpi sge, %get3A_1265, %ge3A_1271 : vector<16xi32>
    %select_n3A_1273 = arith.select %ge3A_1272, %broadcast_in_dim3A_1269, %broadcast_in_dim3A_1267 : vector<16xi1>, vector<16xi32>
    %ge3A_1274 = arith.constant 53248 : i32
    %ge3A_1275 = vector.broadcast %ge3A_1274 : i32 to vector<16xi32>
    %ge3A_1276 = arith.cmpi sge, %get3A_1265, %ge3A_1275 : vector<16xi32>
    %select_n3A_1277 = arith.select %ge3A_1276, %broadcast_in_dim3A_1269, %broadcast_in_dim3A_1267 : vector<16xi1>, vector<16xi32>
    %add3A_1278 = arith.addi %select_n3A_1273, %select_n3A_1277 : vector<16xi32>
    %ge3A_1279 = arith.constant 79872 : i32
    %ge3A_1280 = vector.broadcast %ge3A_1279 : i32 to vector<16xi32>
    %ge3A_1281 = arith.cmpi sge, %get3A_1265, %ge3A_1280 : vector<16xi32>
    %select_n3A_1282 = arith.select %ge3A_1281, %broadcast_in_dim3A_1269, %broadcast_in_dim3A_1267 : vector<16xi1>, vector<16xi32>
    %add3A_1283 = arith.addi %add3A_1278, %select_n3A_1282 : vector<16xi32>
    %sub3A_1284 = arith.subi %get3A_1265, %add3A_1283 : vector<16xi32>
    %swap3A_1285 = arith.constant 3 : i32
    %swap3A_1286 = arith.constant 0 : i32
    %swap3A_1287 = tpu.memref_slice %arg11[%swap3A_1285, %swap3A_1286] : memref<4x128xi32, #tpu.memory_space<vmem>> -> memref<1x128xi32, #tpu.memory_space<vmem>>
    %swap3A_1288 = tpu.memref_squeeze %swap3A_1287 : memref<1x128xi32, #tpu.memory_space<vmem>> -> memref<128xi32, #tpu.memory_space<vmem>>
    %swap3A_1289 = arith.constant 32 : index
    %swap3A_1290 = tpu.vector_load %swap3A_1288[%swap3A_1289] {strides = array<i32>} : memref<128xi32, #tpu.memory_space<vmem>>, vector<16xi32>,
    %swap3A_1291 = vector.shape_cast %swap3A_1290 : vector<16xi32> to vector<16xi32>
    %swap3A_1292 = vector.shape_cast %sub3A_1284 : vector<16xi32> to vector<16xi32>
    tpu.vector_store %swap3A_1288[%swap3A_1289], %swap3A_1292 {strides = array<i32>} : memref<128xi32, #tpu.memory_space<vmem>>, vector<16xi32>,
    %get3A_1293 = arith.constant 432 : index
    %get3A_1294 = tpu.vector_load %arg8[%get3A_1293] {strides = array<i32>} : memref<512xi32, #tpu.memory_space<vmem>>, vector<16xi32>,
    %get3A_1295 = vector.shape_cast %get3A_1294 : vector<16xi32> to vector<16xi32>
    %ge3A_1296 = arith.constant 100000 : i32
    %ge3A_1297 = vector.broadcast %ge3A_1296 : i32 to vector<16xi32>
    %ge3A_1298 = arith.cmpi sge, %get3A_1295, %ge3A_1297 : vector<16xi32>
    %sub3A_1299 = arith.constant 100000 : i32
    %sub3A_1300 = vector.broadcast %sub3A_1299 : i32 to vector<16xi32>
    %sub3A_1301 = arith.subi %get3A_1295, %sub3A_1300 : vector<16xi32>
    %select_n3A_1302 = arith.select %ge3A_1298, %sub3A_1301, %get3A_1295 : vector<16xi1>, vector<16xi32>
    %swap3A_1303 = arith.constant 3 : i32
    %swap3A_1304 = arith.constant 0 : i32
    %swap3A_1305 = tpu.memref_slice %arg10[%swap3A_1303, %swap3A_1304] : memref<4x128xi32, #tpu.memory_space<vmem>> -> memref<1x128xi32, #tpu.memory_space<vmem>>
    %swap3A_1306 = tpu.memref_squeeze %swap3A_1305 : memref<1x128xi32, #tpu.memory_space<vmem>> -> memref<128xi32, #tpu.memory_space<vmem>>
    %swap3A_1307 = arith.constant 48 : index
    %swap3A_1308 = tpu.vector_load %swap3A_1306[%swap3A_1307] {strides = array<i32>} : memref<128xi32, #tpu.memory_space<vmem>>, vector<16xi32>,
    %swap3A_1309 = vector.shape_cast %swap3A_1308 : vector<16xi32> to vector<16xi32>
    %swap3A_1310 = vector.shape_cast %select_n3A_1302 : vector<16xi32> to vector<16xi32>
    tpu.vector_store %swap3A_1306[%swap3A_1307], %swap3A_1310 {strides = array<i32>} : memref<128xi32, #tpu.memory_space<vmem>>, vector<16xi32>,
    %get3A_1311 = arith.constant 432 : index
    %get3A_1312 = tpu.vector_load %arg9[%get3A_1311] {strides = array<i32>} : memref<512xi32, #tpu.memory_space<vmem>>, vector<16xi32>,
    %get3A_1313 = vector.shape_cast %get3A_1312 : vector<16xi32> to vector<16xi32>
    %broadcast_in_dim3A_1314 = arith.constant 0 : i32
    %broadcast_in_dim3A_1315 = vector.broadcast %broadcast_in_dim3A_1314 : i32 to vector<16xi32>
    %broadcast_in_dim3A_1316 = arith.constant 26624 : i32
    %broadcast_in_dim3A_1317 = vector.broadcast %broadcast_in_dim3A_1316 : i32 to vector<16xi32>
    %ge3A_1318 = arith.constant 26624 : i32
    %ge3A_1319 = vector.broadcast %ge3A_1318 : i32 to vector<16xi32>
    %ge3A_1320 = arith.cmpi sge, %get3A_1313, %ge3A_1319 : vector<16xi32>
    %select_n3A_1321 = arith.select %ge3A_1320, %broadcast_in_dim3A_1317, %broadcast_in_dim3A_1315 : vector<16xi1>, vector<16xi32>
    %ge3A_1322 = arith.constant 53248 : i32
    %ge3A_1323 = vector.broadcast %ge3A_1322 : i32 to vector<16xi32>
    %ge3A_1324 = arith.cmpi sge, %get3A_1313, %ge3A_1323 : vector<16xi32>
    %select_n3A_1325 = arith.select %ge3A_1324, %broadcast_in_dim3A_1317, %broadcast_in_dim3A_1315 : vector<16xi1>, vector<16xi32>
    %add3A_1326 = arith.addi %select_n3A_1321, %select_n3A_1325 : vector<16xi32>
    %ge3A_1327 = arith.constant 79872 : i32
    %ge3A_1328 = vector.broadcast %ge3A_1327 : i32 to vector<16xi32>
    %ge3A_1329 = arith.cmpi sge, %get3A_1313, %ge3A_1328 : vector<16xi32>
    %select_n3A_1330 = arith.select %ge3A_1329, %broadcast_in_dim3A_1317, %broadcast_in_dim3A_1315 : vector<16xi1>, vector<16xi32>
    %add3A_1331 = arith.addi %add3A_1326, %select_n3A_1330 : vector<16xi32>
    %sub3A_1332 = arith.subi %get3A_1313, %add3A_1331 : vector<16xi32>
    %swap3A_1333 = arith.constant 3 : i32
    %swap3A_1334 = arith.constant 0 : i32
    %swap3A_1335 = tpu.memref_slice %arg11[%swap3A_1333, %swap3A_1334] : memref<4x128xi32, #tpu.memory_space<vmem>> -> memref<1x128xi32, #tpu.memory_space<vmem>>
    %swap3A_1336 = tpu.memref_squeeze %swap3A_1335 : memref<1x128xi32, #tpu.memory_space<vmem>> -> memref<128xi32, #tpu.memory_space<vmem>>
    %swap3A_1337 = arith.constant 48 : index
    %swap3A_1338 = tpu.vector_load %swap3A_1336[%swap3A_1337] {strides = array<i32>} : memref<128xi32, #tpu.memory_space<vmem>>, vector<16xi32>,
    %swap3A_1339 = vector.shape_cast %swap3A_1338 : vector<16xi32> to vector<16xi32>
    %swap3A_1340 = vector.shape_cast %sub3A_1332 : vector<16xi32> to vector<16xi32>
    tpu.vector_store %swap3A_1336[%swap3A_1337], %swap3A_1340 {strides = array<i32>} : memref<128xi32, #tpu.memory_space<vmem>>, vector<16xi32>,
    %get3A_1341 = arith.constant 448 : index
    %get3A_1342 = tpu.vector_load %arg8[%get3A_1341] {strides = array<i32>} : memref<512xi32, #tpu.memory_space<vmem>>, vector<16xi32>,
    %get3A_1343 = vector.shape_cast %get3A_1342 : vector<16xi32> to vector<16xi32>
    %ge3A_1344 = arith.constant 100000 : i32
    %ge3A_1345 = vector.broadcast %ge3A_1344 : i32 to vector<16xi32>
    %ge3A_1346 = arith.cmpi sge, %get3A_1343, %ge3A_1345 : vector<16xi32>
    %sub3A_1347 = arith.constant 100000 : i32
    %sub3A_1348 = vector.broadcast %sub3A_1347 : i32 to vector<16xi32>
    %sub3A_1349 = arith.subi %get3A_1343, %sub3A_1348 : vector<16xi32>
    %select_n3A_1350 = arith.select %ge3A_1346, %sub3A_1349, %get3A_1343 : vector<16xi1>, vector<16xi32>
    %swap3A_1351 = arith.constant 3 : i32
    %swap3A_1352 = arith.constant 0 : i32
    %swap3A_1353 = tpu.memref_slice %arg10[%swap3A_1351, %swap3A_1352] : memref<4x128xi32, #tpu.memory_space<vmem>> -> memref<1x128xi32, #tpu.memory_space<vmem>>
    %swap3A_1354 = tpu.memref_squeeze %swap3A_1353 : memref<1x128xi32, #tpu.memory_space<vmem>> -> memref<128xi32, #tpu.memory_space<vmem>>
    %swap3A_1355 = arith.constant 64 : index
    %swap3A_1356 = tpu.vector_load %swap3A_1354[%swap3A_1355] {strides = array<i32>} : memref<128xi32, #tpu.memory_space<vmem>>, vector<16xi32>,
    %swap3A_1357 = vector.shape_cast %swap3A_1356 : vector<16xi32> to vector<16xi32>
    %swap3A_1358 = vector.shape_cast %select_n3A_1350 : vector<16xi32> to vector<16xi32>
    tpu.vector_store %swap3A_1354[%swap3A_1355], %swap3A_1358 {strides = array<i32>} : memref<128xi32, #tpu.memory_space<vmem>>, vector<16xi32>,
    %get3A_1359 = arith.constant 448 : index
    %get3A_1360 = tpu.vector_load %arg9[%get3A_1359] {strides = array<i32>} : memref<512xi32, #tpu.memory_space<vmem>>, vector<16xi32>,
    %get3A_1361 = vector.shape_cast %get3A_1360 : vector<16xi32> to vector<16xi32>
    %broadcast_in_dim3A_1362 = arith.constant 0 : i32
    %broadcast_in_dim3A_1363 = vector.broadcast %broadcast_in_dim3A_1362 : i32 to vector<16xi32>
    %broadcast_in_dim3A_1364 = arith.constant 26624 : i32
    %broadcast_in_dim3A_1365 = vector.broadcast %broadcast_in_dim3A_1364 : i32 to vector<16xi32>
    %ge3A_1366 = arith.constant 26624 : i32
    %ge3A_1367 = vector.broadcast %ge3A_1366 : i32 to vector<16xi32>
    %ge3A_1368 = arith.cmpi sge, %get3A_1361, %ge3A_1367 : vector<16xi32>
    %select_n3A_1369 = arith.select %ge3A_1368, %broadcast_in_dim3A_1365, %broadcast_in_dim3A_1363 : vector<16xi1>, vector<16xi32>
    %ge3A_1370 = arith.constant 53248 : i32
    %ge3A_1371 = vector.broadcast %ge3A_1370 : i32 to vector<16xi32>
    %ge3A_1372 = arith.cmpi sge, %get3A_1361, %ge3A_1371 : vector<16xi32>
    %select_n3A_1373 = arith.select %ge3A_1372, %broadcast_in_dim3A_1365, %broadcast_in_dim3A_1363 : vector<16xi1>, vector<16xi32>
    %add3A_1374 = arith.addi %select_n3A_1369, %select_n3A_1373 : vector<16xi32>
    %ge3A_1375 = arith.constant 79872 : i32
    %ge3A_1376 = vector.broadcast %ge3A_1375 : i32 to vector<16xi32>
    %ge3A_1377 = arith.cmpi sge, %get3A_1361, %ge3A_1376 : vector<16xi32>
    %select_n3A_1378 = arith.select %ge3A_1377, %broadcast_in_dim3A_1365, %broadcast_in_dim3A_1363 : vector<16xi1>, vector<16xi32>
    %add3A_1379 = arith.addi %add3A_1374, %select_n3A_1378 : vector<16xi32>
    %sub3A_1380 = arith.subi %get3A_1361, %add3A_1379 : vector<16xi32>
    %swap3A_1381 = arith.constant 3 : i32
    %swap3A_1382 = arith.constant 0 : i32
    %swap3A_1383 = tpu.memref_slice %arg11[%swap3A_1381, %swap3A_1382] : memref<4x128xi32, #tpu.memory_space<vmem>> -> memref<1x128xi32, #tpu.memory_space<vmem>>
    %swap3A_1384 = tpu.memref_squeeze %swap3A_1383 : memref<1x128xi32, #tpu.memory_space<vmem>> -> memref<128xi32, #tpu.memory_space<vmem>>
    %swap3A_1385 = arith.constant 64 : index
    %swap3A_1386 = tpu.vector_load %swap3A_1384[%swap3A_1385] {strides = array<i32>} : memref<128xi32, #tpu.memory_space<vmem>>, vector<16xi32>,
    %swap3A_1387 = vector.shape_cast %swap3A_1386 : vector<16xi32> to vector<16xi32>
    %swap3A_1388 = vector.shape_cast %sub3A_1380 : vector<16xi32> to vector<16xi32>
    tpu.vector_store %swap3A_1384[%swap3A_1385], %swap3A_1388 {strides = array<i32>} : memref<128xi32, #tpu.memory_space<vmem>>, vector<16xi32>,
    %get3A_1389 = arith.constant 464 : index
    %get3A_1390 = tpu.vector_load %arg8[%get3A_1389] {strides = array<i32>} : memref<512xi32, #tpu.memory_space<vmem>>, vector<16xi32>,
    %get3A_1391 = vector.shape_cast %get3A_1390 : vector<16xi32> to vector<16xi32>
    %ge3A_1392 = arith.constant 100000 : i32
    %ge3A_1393 = vector.broadcast %ge3A_1392 : i32 to vector<16xi32>
    %ge3A_1394 = arith.cmpi sge, %get3A_1391, %ge3A_1393 : vector<16xi32>
    %sub3A_1395 = arith.constant 100000 : i32
    %sub3A_1396 = vector.broadcast %sub3A_1395 : i32 to vector<16xi32>
    %sub3A_1397 = arith.subi %get3A_1391, %sub3A_1396 : vector<16xi32>
    %select_n3A_1398 = arith.select %ge3A_1394, %sub3A_1397, %get3A_1391 : vector<16xi1>, vector<16xi32>
    %swap3A_1399 = arith.constant 3 : i32
    %swap3A_1400 = arith.constant 0 : i32
    %swap3A_1401 = tpu.memref_slice %arg10[%swap3A_1399, %swap3A_1400] : memref<4x128xi32, #tpu.memory_space<vmem>> -> memref<1x128xi32, #tpu.memory_space<vmem>>
    %swap3A_1402 = tpu.memref_squeeze %swap3A_1401 : memref<1x128xi32, #tpu.memory_space<vmem>> -> memref<128xi32, #tpu.memory_space<vmem>>
    %swap3A_1403 = arith.constant 80 : index
    %swap3A_1404 = tpu.vector_load %swap3A_1402[%swap3A_1403] {strides = array<i32>} : memref<128xi32, #tpu.memory_space<vmem>>, vector<16xi32>,
    %swap3A_1405 = vector.shape_cast %swap3A_1404 : vector<16xi32> to vector<16xi32>
    %swap3A_1406 = vector.shape_cast %select_n3A_1398 : vector<16xi32> to vector<16xi32>
    tpu.vector_store %swap3A_1402[%swap3A_1403], %swap3A_1406 {strides = array<i32>} : memref<128xi32, #tpu.memory_space<vmem>>, vector<16xi32>,
    %get3A_1407 = arith.constant 464 : index
    %get3A_1408 = tpu.vector_load %arg9[%get3A_1407] {strides = array<i32>} : memref<512xi32, #tpu.memory_space<vmem>>, vector<16xi32>,
    %get3A_1409 = vector.shape_cast %get3A_1408 : vector<16xi32> to vector<16xi32>
    %broadcast_in_dim3A_1410 = arith.constant 0 : i32
    %broadcast_in_dim3A_1411 = vector.broadcast %broadcast_in_dim3A_1410 : i32 to vector<16xi32>
    %broadcast_in_dim3A_1412 = arith.constant 26624 : i32
    %broadcast_in_dim3A_1413 = vector.broadcast %broadcast_in_dim3A_1412 : i32 to vector<16xi32>
    %ge3A_1414 = arith.constant 26624 : i32
    %ge3A_1415 = vector.broadcast %ge3A_1414 : i32 to vector<16xi32>
    %ge3A_1416 = arith.cmpi sge, %get3A_1409, %ge3A_1415 : vector<16xi32>
    %select_n3A_1417 = arith.select %ge3A_1416, %broadcast_in_dim3A_1413, %broadcast_in_dim3A_1411 : vector<16xi1>, vector<16xi32>
    %ge3A_1418 = arith.constant 53248 : i32
    %ge3A_1419 = vector.broadcast %ge3A_1418 : i32 to vector<16xi32>
    %ge3A_1420 = arith.cmpi sge, %get3A_1409, %ge3A_1419 : vector<16xi32>
    %select_n3A_1421 = arith.select %ge3A_1420, %broadcast_in_dim3A_1413, %broadcast_in_dim3A_1411 : vector<16xi1>, vector<16xi32>
    %add3A_1422 = arith.addi %select_n3A_1417, %select_n3A_1421 : vector<16xi32>
    %ge3A_1423 = arith.constant 79872 : i32
    %ge3A_1424 = vector.broadcast %ge3A_1423 : i32 to vector<16xi32>
    %ge3A_1425 = arith.cmpi sge, %get3A_1409, %ge3A_1424 : vector<16xi32>
    %select_n3A_1426 = arith.select %ge3A_1425, %broadcast_in_dim3A_1413, %broadcast_in_dim3A_1411 : vector<16xi1>, vector<16xi32>
    %add3A_1427 = arith.addi %add3A_1422, %select_n3A_1426 : vector<16xi32>
    %sub3A_1428 = arith.subi %get3A_1409, %add3A_1427 : vector<16xi32>
    %swap3A_1429 = arith.constant 3 : i32
    %swap3A_1430 = arith.constant 0 : i32
    %swap3A_1431 = tpu.memref_slice %arg11[%swap3A_1429, %swap3A_1430] : memref<4x128xi32, #tpu.memory_space<vmem>> -> memref<1x128xi32, #tpu.memory_space<vmem>>
    %swap3A_1432 = tpu.memref_squeeze %swap3A_1431 : memref<1x128xi32, #tpu.memory_space<vmem>> -> memref<128xi32, #tpu.memory_space<vmem>>
    %swap3A_1433 = arith.constant 80 : index
    %swap3A_1434 = tpu.vector_load %swap3A_1432[%swap3A_1433] {strides = array<i32>} : memref<128xi32, #tpu.memory_space<vmem>>, vector<16xi32>,
    %swap3A_1435 = vector.shape_cast %swap3A_1434 : vector<16xi32> to vector<16xi32>
    %swap3A_1436 = vector.shape_cast %sub3A_1428 : vector<16xi32> to vector<16xi32>
    tpu.vector_store %swap3A_1432[%swap3A_1433], %swap3A_1436 {strides = array<i32>} : memref<128xi32, #tpu.memory_space<vmem>>, vector<16xi32>,
    %get3A_1437 = arith.constant 480 : index
    %get3A_1438 = tpu.vector_load %arg8[%get3A_1437] {strides = array<i32>} : memref<512xi32, #tpu.memory_space<vmem>>, vector<16xi32>,
    %get3A_1439 = vector.shape_cast %get3A_1438 : vector<16xi32> to vector<16xi32>
    %ge3A_1440 = arith.constant 100000 : i32
    %ge3A_1441 = vector.broadcast %ge3A_1440 : i32 to vector<16xi32>
    %ge3A_1442 = arith.cmpi sge, %get3A_1439, %ge3A_1441 : vector<16xi32>
    %sub3A_1443 = arith.constant 100000 : i32
    %sub3A_1444 = vector.broadcast %sub3A_1443 : i32 to vector<16xi32>
    %sub3A_1445 = arith.subi %get3A_1439, %sub3A_1444 : vector<16xi32>
    %select_n3A_1446 = arith.select %ge3A_1442, %sub3A_1445, %get3A_1439 : vector<16xi1>, vector<16xi32>
    %swap3A_1447 = arith.constant 3 : i32
    %swap3A_1448 = arith.constant 0 : i32
    %swap3A_1449 = tpu.memref_slice %arg10[%swap3A_1447, %swap3A_1448] : memref<4x128xi32, #tpu.memory_space<vmem>> -> memref<1x128xi32, #tpu.memory_space<vmem>>
    %swap3A_1450 = tpu.memref_squeeze %swap3A_1449 : memref<1x128xi32, #tpu.memory_space<vmem>> -> memref<128xi32, #tpu.memory_space<vmem>>
    %swap3A_1451 = arith.constant 96 : index
    %swap3A_1452 = tpu.vector_load %swap3A_1450[%swap3A_1451] {strides = array<i32>} : memref<128xi32, #tpu.memory_space<vmem>>, vector<16xi32>,
    %swap3A_1453 = vector.shape_cast %swap3A_1452 : vector<16xi32> to vector<16xi32>
    %swap3A_1454 = vector.shape_cast %select_n3A_1446 : vector<16xi32> to vector<16xi32>
    tpu.vector_store %swap3A_1450[%swap3A_1451], %swap3A_1454 {strides = array<i32>} : memref<128xi32, #tpu.memory_space<vmem>>, vector<16xi32>,
    %get3A_1455 = arith.constant 480 : index
    %get3A_1456 = tpu.vector_load %arg9[%get3A_1455] {strides = array<i32>} : memref<512xi32, #tpu.memory_space<vmem>>, vector<16xi32>,
    %get3A_1457 = vector.shape_cast %get3A_1456 : vector<16xi32> to vector<16xi32>
    %broadcast_in_dim3A_1458 = arith.constant 0 : i32
    %broadcast_in_dim3A_1459 = vector.broadcast %broadcast_in_dim3A_1458 : i32 to vector<16xi32>
    %broadcast_in_dim3A_1460 = arith.constant 26624 : i32
    %broadcast_in_dim3A_1461 = vector.broadcast %broadcast_in_dim3A_1460 : i32 to vector<16xi32>
    %ge3A_1462 = arith.constant 26624 : i32
    %ge3A_1463 = vector.broadcast %ge3A_1462 : i32 to vector<16xi32>
    %ge3A_1464 = arith.cmpi sge, %get3A_1457, %ge3A_1463 : vector<16xi32>
    %select_n3A_1465 = arith.select %ge3A_1464, %broadcast_in_dim3A_1461, %broadcast_in_dim3A_1459 : vector<16xi1>, vector<16xi32>
    %ge3A_1466 = arith.constant 53248 : i32
    %ge3A_1467 = vector.broadcast %ge3A_1466 : i32 to vector<16xi32>
    %ge3A_1468 = arith.cmpi sge, %get3A_1457, %ge3A_1467 : vector<16xi32>
    %select_n3A_1469 = arith.select %ge3A_1468, %broadcast_in_dim3A_1461, %broadcast_in_dim3A_1459 : vector<16xi1>, vector<16xi32>
    %add3A_1470 = arith.addi %select_n3A_1465, %select_n3A_1469 : vector<16xi32>
    %ge3A_1471 = arith.constant 79872 : i32
    %ge3A_1472 = vector.broadcast %ge3A_1471 : i32 to vector<16xi32>
    %ge3A_1473 = arith.cmpi sge, %get3A_1457, %ge3A_1472 : vector<16xi32>
    %select_n3A_1474 = arith.select %ge3A_1473, %broadcast_in_dim3A_1461, %broadcast_in_dim3A_1459 : vector<16xi1>, vector<16xi32>
    %add3A_1475 = arith.addi %add3A_1470, %select_n3A_1474 : vector<16xi32>
    %sub3A_1476 = arith.subi %get3A_1457, %add3A_1475 : vector<16xi32>
    %swap3A_1477 = arith.constant 3 : i32
    %swap3A_1478 = arith.constant 0 : i32
    %swap3A_1479 = tpu.memref_slice %arg11[%swap3A_1477, %swap3A_1478] : memref<4x128xi32, #tpu.memory_space<vmem>> -> memref<1x128xi32, #tpu.memory_space<vmem>>
    %swap3A_1480 = tpu.memref_squeeze %swap3A_1479 : memref<1x128xi32, #tpu.memory_space<vmem>> -> memref<128xi32, #tpu.memory_space<vmem>>
    %swap3A_1481 = arith.constant 96 : index
    %swap3A_1482 = tpu.vector_load %swap3A_1480[%swap3A_1481] {strides = array<i32>} : memref<128xi32, #tpu.memory_space<vmem>>, vector<16xi32>,
    %swap3A_1483 = vector.shape_cast %swap3A_1482 : vector<16xi32> to vector<16xi32>
    %swap3A_1484 = vector.shape_cast %sub3A_1476 : vector<16xi32> to vector<16xi32>
    tpu.vector_store %swap3A_1480[%swap3A_1481], %swap3A_1484 {strides = array<i32>} : memref<128xi32, #tpu.memory_space<vmem>>, vector<16xi32>,
    %get3A_1485 = arith.constant 496 : index
    %get3A_1486 = tpu.vector_load %arg8[%get3A_1485] {strides = array<i32>} : memref<512xi32, #tpu.memory_space<vmem>>, vector<16xi32>,
    %get3A_1487 = vector.shape_cast %get3A_1486 : vector<16xi32> to vector<16xi32>
    %ge3A_1488 = arith.constant 100000 : i32
    %ge3A_1489 = vector.broadcast %ge3A_1488 : i32 to vector<16xi32>
    %ge3A_1490 = arith.cmpi sge, %get3A_1487, %ge3A_1489 : vector<16xi32>
    %sub3A_1491 = arith.constant 100000 : i32
    %sub3A_1492 = vector.broadcast %sub3A_1491 : i32 to vector<16xi32>
    %sub3A_1493 = arith.subi %get3A_1487, %sub3A_1492 : vector<16xi32>
    %select_n3A_1494 = arith.select %ge3A_1490, %sub3A_1493, %get3A_1487 : vector<16xi1>, vector<16xi32>
    %swap3A_1495 = arith.constant 3 : i32
    %swap3A_1496 = arith.constant 0 : i32
    %swap3A_1497 = tpu.memref_slice %arg10[%swap3A_1495, %swap3A_1496] : memref<4x128xi32, #tpu.memory_space<vmem>> -> memref<1x128xi32, #tpu.memory_space<vmem>>
    %swap3A_1498 = tpu.memref_squeeze %swap3A_1497 : memref<1x128xi32, #tpu.memory_space<vmem>> -> memref<128xi32, #tpu.memory_space<vmem>>
    %swap3A_1499 = arith.constant 112 : index
    %swap3A_1500 = tpu.vector_load %swap3A_1498[%swap3A_1499] {strides = array<i32>} : memref<128xi32, #tpu.memory_space<vmem>>, vector<16xi32>,
    %swap3A_1501 = vector.shape_cast %swap3A_1500 : vector<16xi32> to vector<16xi32>
    %swap3A_1502 = vector.shape_cast %select_n3A_1494 : vector<16xi32> to vector<16xi32>
    tpu.vector_store %swap3A_1498[%swap3A_1499], %swap3A_1502 {strides = array<i32>} : memref<128xi32, #tpu.memory_space<vmem>>, vector<16xi32>,
    %get3A_1503 = arith.constant 496 : index
    %get3A_1504 = tpu.vector_load %arg9[%get3A_1503] {strides = array<i32>} : memref<512xi32, #tpu.memory_space<vmem>>, vector<16xi32>,
    %get3A_1505 = vector.shape_cast %get3A_1504 : vector<16xi32> to vector<16xi32>
    %broadcast_in_dim3A_1506 = arith.constant 0 : i32
    %broadcast_in_dim3A_1507 = vector.broadcast %broadcast_in_dim3A_1506 : i32 to vector<16xi32>
    %broadcast_in_dim3A_1508 = arith.constant 26624 : i32
    %broadcast_in_dim3A_1509 = vector.broadcast %broadcast_in_dim3A_1508 : i32 to vector<16xi32>
    %ge3A_1510 = arith.constant 26624 : i32
    %ge3A_1511 = vector.broadcast %ge3A_1510 : i32 to vector<16xi32>
    %ge3A_1512 = arith.cmpi sge, %get3A_1505, %ge3A_1511 : vector<16xi32>
    %select_n3A_1513 = arith.select %ge3A_1512, %broadcast_in_dim3A_1509, %broadcast_in_dim3A_1507 : vector<16xi1>, vector<16xi32>
    %ge3A_1514 = arith.constant 53248 : i32
    %ge3A_1515 = vector.broadcast %ge3A_1514 : i32 to vector<16xi32>
    %ge3A_1516 = arith.cmpi sge, %get3A_1505, %ge3A_1515 : vector<16xi32>
    %select_n3A_1517 = arith.select %ge3A_1516, %broadcast_in_dim3A_1509, %broadcast_in_dim3A_1507 : vector<16xi1>, vector<16xi32>
    %add3A_1518 = arith.addi %select_n3A_1513, %select_n3A_1517 : vector<16xi32>
    %ge3A_1519 = arith.constant 79872 : i32
    %ge3A_1520 = vector.broadcast %ge3A_1519 : i32 to vector<16xi32>
    %ge3A_1521 = arith.cmpi sge, %get3A_1505, %ge3A_1520 : vector<16xi32>
    %select_n3A_1522 = arith.select %ge3A_1521, %broadcast_in_dim3A_1509, %broadcast_in_dim3A_1507 : vector<16xi1>, vector<16xi32>
    %add3A_1523 = arith.addi %add3A_1518, %select_n3A_1522 : vector<16xi32>
    %sub3A_1524 = arith.subi %get3A_1505, %add3A_1523 : vector<16xi32>
    %swap3A_1525 = arith.constant 3 : i32
    %swap3A_1526 = arith.constant 0 : i32
    %swap3A_1527 = tpu.memref_slice %arg11[%swap3A_1525, %swap3A_1526] : memref<4x128xi32, #tpu.memory_space<vmem>> -> memref<1x128xi32, #tpu.memory_space<vmem>>
    %swap3A_1528 = tpu.memref_squeeze %swap3A_1527 : memref<1x128xi32, #tpu.memory_space<vmem>> -> memref<128xi32, #tpu.memory_space<vmem>>
    %swap3A_1529 = arith.constant 112 : index
    %swap3A_1530 = tpu.vector_load %swap3A_1528[%swap3A_1529] {strides = array<i32>} : memref<128xi32, #tpu.memory_space<vmem>>, vector<16xi32>,
    %swap3A_1531 = vector.shape_cast %swap3A_1530 : vector<16xi32> to vector<16xi32>
    %swap3A_1532 = vector.shape_cast %sub3A_1524 : vector<16xi32> to vector<16xi32>
    tpu.vector_store %swap3A_1528[%swap3A_1529], %swap3A_1532 {strides = array<i32>} : memref<128xi32, #tpu.memory_space<vmem>>, vector<16xi32>,
    %dma_start3A = arith.constant 0 : i32
    %dma_start3A_1533 = arith.constant 0 : i32
    %dma_start3A_1534 = tpu.memref_slice %arg10[%dma_start3A, %dma_start3A_1533] : memref<4x128xi32, #tpu.memory_space<vmem>> -> memref<1x128xi32, #tpu.memory_space<vmem>>
    %dma_start3A_1535 = tpu.memref_squeeze %dma_start3A_1534 : memref<1x128xi32, #tpu.memory_space<vmem>> -> memref<128xi32, #tpu.memory_space<vmem>>
    %dma_start3A_1536 = arith.constant 0 : i32
    %dma_start3A_1537 = arith.constant 0 : i32
    %dma_start3A_1538 = tpu.memref_slice %arg4[%dma_start3A_1536, %dma_start3A_1537] : memref<106496x128xi32, #tpu.memory_space<hbm>> -> memref<106496x128xi32, #tpu.memory_space<hbm>>
    tpu.enqueue_indirect_dma source(%dma_start3A_1538 : memref<106496x128xi32, #tpu.memory_space<hbm>>) target(%arg12 : memref<128x128xi32, #tpu.memory_space<vmem>>) offsets(%dma_start3A_1535 : memref<128xi32, #tpu.memory_space<vmem>>) semaphore(%arg14 : memref<!tpu.dma_semaphore, #tpu.memory_space<semaphore_mem>>)
    %dma_start3A_1539 = arith.constant 0 : i32
    %dma_start3A_1540 = arith.constant 0 : i32
    %dma_start3A_1541 = tpu.memref_slice %arg11[%dma_start3A_1539, %dma_start3A_1540] : memref<4x128xi32, #tpu.memory_space<vmem>> -> memref<1x128xi32, #tpu.memory_space<vmem>>
    %dma_start3A_1542 = tpu.memref_squeeze %dma_start3A_1541 : memref<1x128xi32, #tpu.memory_space<vmem>> -> memref<128xi32, #tpu.memory_space<vmem>>
    %dma_start3A_1543 = arith.constant 0 : i32
    %dma_start3A_1544 = arith.constant 0 : i32
    %dma_start3A_1545 = tpu.memref_slice %arg5[%dma_start3A_1543, %dma_start3A_1544] : memref<26624x128xf32, #tpu.memory_space<hbm>> -> memref<26624x128xf32, #tpu.memory_space<hbm>>
    tpu.enqueue_indirect_dma source(%dma_start3A_1545 : memref<26624x128xf32, #tpu.memory_space<hbm>>) target(%arg13 : memref<128x128xf32, #tpu.memory_space<vmem>>) offsets(%dma_start3A_1542 : memref<128xi32, #tpu.memory_space<vmem>>) semaphore(%arg14 : memref<!tpu.dma_semaphore, #tpu.memory_space<semaphore_mem>>)
    %dma_wait3A = arith.constant 0 : i32
    %dma_wait3A_1546 = arith.constant 0 : i32
    %dma_wait3A_1547 = tpu.memref_slice %arg10[%dma_wait3A, %dma_wait3A_1546] : memref<4x128xi32, #tpu.memory_space<vmem>> -> memref<1x128xi32, #tpu.memory_space<vmem>>
    %dma_wait3A_1548 = tpu.memref_squeeze %dma_wait3A_1547 : memref<1x128xi32, #tpu.memory_space<vmem>> -> memref<128xi32, #tpu.memory_space<vmem>>
    %dma_wait3A_1549 = arith.constant 0 : i32
    %dma_wait3A_1550 = arith.constant 0 : i32
    %dma_wait3A_1551 = tpu.memref_slice %arg4[%dma_wait3A_1549, %dma_wait3A_1550] : memref<106496x128xi32, #tpu.memory_space<hbm>> -> memref<106496x128xi32, #tpu.memory_space<hbm>>
    tpu.wait_indirect_dma semaphore(%arg14 : memref<!tpu.dma_semaphore, #tpu.memory_space<semaphore_mem>>) src(%dma_wait3A_1551 : memref<106496x128xi32, #tpu.memory_space<hbm>>) dst(%arg12 : memref<128x128xi32, #tpu.memory_space<vmem>>)
    %dma_wait3A_1552 = arith.constant 0 : i32
    %dma_wait3A_1553 = arith.constant 0 : i32
    %dma_wait3A_1554 = tpu.memref_slice %arg11[%dma_wait3A_1552, %dma_wait3A_1553] : memref<4x128xi32, #tpu.memory_space<vmem>> -> memref<1x128xi32, #tpu.memory_space<vmem>>
    %dma_wait3A_1555 = tpu.memref_squeeze %dma_wait3A_1554 : memref<1x128xi32, #tpu.memory_space<vmem>> -> memref<128xi32, #tpu.memory_space<vmem>>
    %dma_wait3A_1556 = arith.constant 0 : i32
    %dma_wait3A_1557 = arith.constant 0 : i32
    %dma_wait3A_1558 = tpu.memref_slice %arg5[%dma_wait3A_1556, %dma_wait3A_1557] : memref<26624x128xf32, #tpu.memory_space<hbm>> -> memref<26624x128xf32, #tpu.memory_space<hbm>>
    tpu.wait_indirect_dma semaphore(%arg14 : memref<!tpu.dma_semaphore, #tpu.memory_space<semaphore_mem>>) src(%dma_wait3A_1558 : memref<26624x128xf32, #tpu.memory_space<hbm>>) dst(%arg13 : memref<128x128xf32, #tpu.memory_space<vmem>>)
    %add3A_1559 = arith.constant 0 : i32
    %add3A_1560 = arith.addi %multiple_of3A, %add3A_1559 : i32
    %dma_start3A_1561 = arith.constant 0 : i32
    %dma_start3A_1562 = tpu.memref_slice %arg6[%add3A_1560, %dma_start3A_1561] : memref<16384x128xi32, #tpu.memory_space<hbm>> -> memref<128x128xi32, #tpu.memory_space<hbm>>
    %dma_start3A_1563 = arith.constant 0 : i32
    %dma_start3A_1564 = tpu.memref_slice %arg6[%add3A_1560, %dma_start3A_1563] : memref<16384x128xi32, #tpu.memory_space<hbm>> -> memref<128x128xi32, #tpu.memory_space<hbm>>
    tpu.enqueue_dma source(%arg12 : memref<128x128xi32, #tpu.memory_space<vmem>>) target(%dma_start3A_1564 : memref<128x128xi32, #tpu.memory_space<hbm>>) target_semaphore(%arg15 : memref<!tpu.dma_semaphore, #tpu.memory_space<semaphore_mem>>)
    %dma_start3A_1565 = arith.constant 0 : i32
    %dma_start3A_1566 = tpu.memref_slice %arg7[%add3A_1560, %dma_start3A_1565] : memref<16384x128xf32, #tpu.memory_space<hbm>> -> memref<128x128xf32, #tpu.memory_space<hbm>>
    %dma_start3A_1567 = arith.constant 0 : i32
    %dma_start3A_1568 = tpu.memref_slice %arg7[%add3A_1560, %dma_start3A_1567] : memref<16384x128xf32, #tpu.memory_space<hbm>> -> memref<128x128xf32, #tpu.memory_space<hbm>>
    tpu.enqueue_dma source(%arg13 : memref<128x128xf32, #tpu.memory_space<vmem>>) target(%dma_start3A_1568 : memref<128x128xf32, #tpu.memory_space<hbm>>) target_semaphore(%arg15 : memref<!tpu.dma_semaphore, #tpu.memory_space<semaphore_mem>>)
    %dma_wait3A_1569 = arith.constant 0 : i32
    %dma_wait3A_1570 = tpu.memref_slice %arg6[%add3A_1560, %dma_wait3A_1569] : memref<16384x128xi32, #tpu.memory_space<hbm>> -> memref<128x128xi32, #tpu.memory_space<hbm>>
    %dma_wait3A_1571 = arith.constant 0 : i32
    %dma_wait3A_1572 = tpu.memref_slice %arg6[%add3A_1560, %dma_wait3A_1571] : memref<16384x128xi32, #tpu.memory_space<hbm>> -> memref<128x128xi32, #tpu.memory_space<hbm>>
    tpu.wait_dma2 semaphore(%arg15 : memref<!tpu.dma_semaphore, #tpu.memory_space<semaphore_mem>>) src(%arg12 : memref<128x128xi32, #tpu.memory_space<vmem>>) dst(%dma_wait3A_1572 : memref<128x128xi32, #tpu.memory_space<hbm>>)
    %dma_wait3A_1573 = arith.constant 0 : i32
    %dma_wait3A_1574 = tpu.memref_slice %arg7[%add3A_1560, %dma_wait3A_1573] : memref<16384x128xf32, #tpu.memory_space<hbm>> -> memref<128x128xf32, #tpu.memory_space<hbm>>
    %dma_wait3A_1575 = arith.constant 0 : i32
    %dma_wait3A_1576 = tpu.memref_slice %arg7[%add3A_1560, %dma_wait3A_1575] : memref<16384x128xf32, #tpu.memory_space<hbm>> -> memref<128x128xf32, #tpu.memory_space<hbm>>
    tpu.wait_dma2 semaphore(%arg15 : memref<!tpu.dma_semaphore, #tpu.memory_space<semaphore_mem>>) src(%arg13 : memref<128x128xf32, #tpu.memory_space<vmem>>) dst(%dma_wait3A_1576 : memref<128x128xf32, #tpu.memory_space<hbm>>)
    %dma_start3A_1577 = arith.constant 1 : i32
    %dma_start3A_1578 = arith.constant 0 : i32
    %dma_start3A_1579 = tpu.memref_slice %arg10[%dma_start3A_1577, %dma_start3A_1578] : memref<4x128xi32, #tpu.memory_space<vmem>> -> memref<1x128xi32, #tpu.memory_space<vmem>>
    %dma_start3A_1580 = tpu.memref_squeeze %dma_start3A_1579 : memref<1x128xi32, #tpu.memory_space<vmem>> -> memref<128xi32, #tpu.memory_space<vmem>>
    %dma_start3A_1581 = arith.constant 0 : i32
    %dma_start3A_1582 = arith.constant 0 : i32
    %dma_start3A_1583 = tpu.memref_slice %arg4[%dma_start3A_1581, %dma_start3A_1582] : memref<106496x128xi32, #tpu.memory_space<hbm>> -> memref<106496x128xi32, #tpu.memory_space<hbm>>
    tpu.enqueue_indirect_dma source(%dma_start3A_1583 : memref<106496x128xi32, #tpu.memory_space<hbm>>) target(%arg12 : memref<128x128xi32, #tpu.memory_space<vmem>>) offsets(%dma_start3A_1580 : memref<128xi32, #tpu.memory_space<vmem>>) semaphore(%arg14 : memref<!tpu.dma_semaphore, #tpu.memory_space<semaphore_mem>>)
    %dma_start3A_1584 = arith.constant 1 : i32
    %dma_start3A_1585 = arith.constant 0 : i32
    %dma_start3A_1586 = tpu.memref_slice %arg11[%dma_start3A_1584, %dma_start3A_1585] : memref<4x128xi32, #tpu.memory_space<vmem>> -> memref<1x128xi32, #tpu.memory_space<vmem>>
    %dma_start3A_1587 = tpu.memref_squeeze %dma_start3A_1586 : memref<1x128xi32, #tpu.memory_space<vmem>> -> memref<128xi32, #tpu.memory_space<vmem>>
    %dma_start3A_1588 = arith.constant 0 : i32
    %dma_start3A_1589 = arith.constant 0 : i32
    %dma_start3A_1590 = tpu.memref_slice %arg5[%dma_start3A_1588, %dma_start3A_1589] : memref<26624x128xf32, #tpu.memory_space<hbm>> -> memref<26624x128xf32, #tpu.memory_space<hbm>>
    tpu.enqueue_indirect_dma source(%dma_start3A_1590 : memref<26624x128xf32, #tpu.memory_space<hbm>>) target(%arg13 : memref<128x128xf32, #tpu.memory_space<vmem>>) offsets(%dma_start3A_1587 : memref<128xi32, #tpu.memory_space<vmem>>) semaphore(%arg14 : memref<!tpu.dma_semaphore, #tpu.memory_space<semaphore_mem>>)
    %dma_wait3A_1591 = arith.constant 1 : i32
    %dma_wait3A_1592 = arith.constant 0 : i32
    %dma_wait3A_1593 = tpu.memref_slice %arg10[%dma_wait3A_1591, %dma_wait3A_1592] : memref<4x128xi32, #tpu.memory_space<vmem>> -> memref<1x128xi32, #tpu.memory_space<vmem>>
    %dma_wait3A_1594 = tpu.memref_squeeze %dma_wait3A_1593 : memref<1x128xi32, #tpu.memory_space<vmem>> -> memref<128xi32, #tpu.memory_space<vmem>>
    %dma_wait3A_1595 = arith.constant 0 : i32
    %dma_wait3A_1596 = arith.constant 0 : i32
    %dma_wait3A_1597 = tpu.memref_slice %arg4[%dma_wait3A_1595, %dma_wait3A_1596] : memref<106496x128xi32, #tpu.memory_space<hbm>> -> memref<106496x128xi32, #tpu.memory_space<hbm>>
    tpu.wait_indirect_dma semaphore(%arg14 : memref<!tpu.dma_semaphore, #tpu.memory_space<semaphore_mem>>) src(%dma_wait3A_1597 : memref<106496x128xi32, #tpu.memory_space<hbm>>) dst(%arg12 : memref<128x128xi32, #tpu.memory_space<vmem>>)
    %dma_wait3A_1598 = arith.constant 1 : i32
    %dma_wait3A_1599 = arith.constant 0 : i32
    %dma_wait3A_1600 = tpu.memref_slice %arg11[%dma_wait3A_1598, %dma_wait3A_1599] : memref<4x128xi32, #tpu.memory_space<vmem>> -> memref<1x128xi32, #tpu.memory_space<vmem>>
    %dma_wait3A_1601 = tpu.memref_squeeze %dma_wait3A_1600 : memref<1x128xi32, #tpu.memory_space<vmem>> -> memref<128xi32, #tpu.memory_space<vmem>>
    %dma_wait3A_1602 = arith.constant 0 : i32
    %dma_wait3A_1603 = arith.constant 0 : i32
    %dma_wait3A_1604 = tpu.memref_slice %arg5[%dma_wait3A_1602, %dma_wait3A_1603] : memref<26624x128xf32, #tpu.memory_space<hbm>> -> memref<26624x128xf32, #tpu.memory_space<hbm>>
    tpu.wait_indirect_dma semaphore(%arg14 : memref<!tpu.dma_semaphore, #tpu.memory_space<semaphore_mem>>) src(%dma_wait3A_1604 : memref<26624x128xf32, #tpu.memory_space<hbm>>) dst(%arg13 : memref<128x128xf32, #tpu.memory_space<vmem>>)
    %add3A_1605 = arith.constant 128 : i32
    %add3A_1606 = arith.addi %multiple_of3A, %add3A_1605 : i32
    %dma_start3A_1607 = arith.constant 0 : i32
    %dma_start3A_1608 = tpu.memref_slice %arg6[%add3A_1606, %dma_start3A_1607] : memref<16384x128xi32, #tpu.memory_space<hbm>> -> memref<128x128xi32, #tpu.memory_space<hbm>>
    %dma_start3A_1609 = arith.constant 0 : i32
    %dma_start3A_1610 = tpu.memref_slice %arg6[%add3A_1606, %dma_start3A_1609] : memref<16384x128xi32, #tpu.memory_space<hbm>> -> memref<128x128xi32, #tpu.memory_space<hbm>>
    tpu.enqueue_dma source(%arg12 : memref<128x128xi32, #tpu.memory_space<vmem>>) target(%dma_start3A_1610 : memref<128x128xi32, #tpu.memory_space<hbm>>) target_semaphore(%arg15 : memref<!tpu.dma_semaphore, #tpu.memory_space<semaphore_mem>>)
    %dma_start3A_1611 = arith.constant 0 : i32
    %dma_start3A_1612 = tpu.memref_slice %arg7[%add3A_1606, %dma_start3A_1611] : memref<16384x128xf32, #tpu.memory_space<hbm>> -> memref<128x128xf32, #tpu.memory_space<hbm>>
    %dma_start3A_1613 = arith.constant 0 : i32
    %dma_start3A_1614 = tpu.memref_slice %arg7[%add3A_1606, %dma_start3A_1613] : memref<16384x128xf32, #tpu.memory_space<hbm>> -> memref<128x128xf32, #tpu.memory_space<hbm>>
    tpu.enqueue_dma source(%arg13 : memref<128x128xf32, #tpu.memory_space<vmem>>) target(%dma_start3A_1614 : memref<128x128xf32, #tpu.memory_space<hbm>>) target_semaphore(%arg15 : memref<!tpu.dma_semaphore, #tpu.memory_space<semaphore_mem>>)
    %dma_wait3A_1615 = arith.constant 0 : i32
    %dma_wait3A_1616 = tpu.memref_slice %arg6[%add3A_1606, %dma_wait3A_1615] : memref<16384x128xi32, #tpu.memory_space<hbm>> -> memref<128x128xi32, #tpu.memory_space<hbm>>
    %dma_wait3A_1617 = arith.constant 0 : i32
    %dma_wait3A_1618 = tpu.memref_slice %arg6[%add3A_1606, %dma_wait3A_1617] : memref<16384x128xi32, #tpu.memory_space<hbm>> -> memref<128x128xi32, #tpu.memory_space<hbm>>
    tpu.wait_dma2 semaphore(%arg15 : memref<!tpu.dma_semaphore, #tpu.memory_space<semaphore_mem>>) src(%arg12 : memref<128x128xi32, #tpu.memory_space<vmem>>) dst(%dma_wait3A_1618 : memref<128x128xi32, #tpu.memory_space<hbm>>)
    %dma_wait3A_1619 = arith.constant 0 : i32
    %dma_wait3A_1620 = tpu.memref_slice %arg7[%add3A_1606, %dma_wait3A_1619] : memref<16384x128xf32, #tpu.memory_space<hbm>> -> memref<128x128xf32, #tpu.memory_space<hbm>>
    %dma_wait3A_1621 = arith.constant 0 : i32
    %dma_wait3A_1622 = tpu.memref_slice %arg7[%add3A_1606, %dma_wait3A_1621] : memref<16384x128xf32, #tpu.memory_space<hbm>> -> memref<128x128xf32, #tpu.memory_space<hbm>>
    tpu.wait_dma2 semaphore(%arg15 : memref<!tpu.dma_semaphore, #tpu.memory_space<semaphore_mem>>) src(%arg13 : memref<128x128xf32, #tpu.memory_space<vmem>>) dst(%dma_wait3A_1622 : memref<128x128xf32, #tpu.memory_space<hbm>>)
    %dma_start3A_1623 = arith.constant 2 : i32
    %dma_start3A_1624 = arith.constant 0 : i32
    %dma_start3A_1625 = tpu.memref_slice %arg10[%dma_start3A_1623, %dma_start3A_1624] : memref<4x128xi32, #tpu.memory_space<vmem>> -> memref<1x128xi32, #tpu.memory_space<vmem>>
    %dma_start3A_1626 = tpu.memref_squeeze %dma_start3A_1625 : memref<1x128xi32, #tpu.memory_space<vmem>> -> memref<128xi32, #tpu.memory_space<vmem>>
    %dma_start3A_1627 = arith.constant 0 : i32
    %dma_start3A_1628 = arith.constant 0 : i32
    %dma_start3A_1629 = tpu.memref_slice %arg4[%dma_start3A_1627, %dma_start3A_1628] : memref<106496x128xi32, #tpu.memory_space<hbm>> -> memref<106496x128xi32, #tpu.memory_space<hbm>>
    tpu.enqueue_indirect_dma source(%dma_start3A_1629 : memref<106496x128xi32, #tpu.memory_space<hbm>>) target(%arg12 : memref<128x128xi32, #tpu.memory_space<vmem>>) offsets(%dma_start3A_1626 : memref<128xi32, #tpu.memory_space<vmem>>) semaphore(%arg14 : memref<!tpu.dma_semaphore, #tpu.memory_space<semaphore_mem>>)
    %dma_start3A_1630 = arith.constant 2 : i32
    %dma_start3A_1631 = arith.constant 0 : i32
    %dma_start3A_1632 = tpu.memref_slice %arg11[%dma_start3A_1630, %dma_start3A_1631] : memref<4x128xi32, #tpu.memory_space<vmem>> -> memref<1x128xi32, #tpu.memory_space<vmem>>
    %dma_start3A_1633 = tpu.memref_squeeze %dma_start3A_1632 : memref<1x128xi32, #tpu.memory_space<vmem>> -> memref<128xi32, #tpu.memory_space<vmem>>
    %dma_start3A_1634 = arith.constant 0 : i32
    %dma_start3A_1635 = arith.constant 0 : i32
    %dma_start3A_1636 = tpu.memref_slice %arg5[%dma_start3A_1634, %dma_start3A_1635] : memref<26624x128xf32, #tpu.memory_space<hbm>> -> memref<26624x128xf32, #tpu.memory_space<hbm>>
    tpu.enqueue_indirect_dma source(%dma_start3A_1636 : memref<26624x128xf32, #tpu.memory_space<hbm>>) target(%arg13 : memref<128x128xf32, #tpu.memory_space<vmem>>) offsets(%dma_start3A_1633 : memref<128xi32, #tpu.memory_space<vmem>>) semaphore(%arg14 : memref<!tpu.dma_semaphore, #tpu.memory_space<semaphore_mem>>)
    %dma_wait3A_1637 = arith.constant 2 : i32
    %dma_wait3A_1638 = arith.constant 0 : i32
    %dma_wait3A_1639 = tpu.memref_slice %arg10[%dma_wait3A_1637, %dma_wait3A_1638] : memref<4x128xi32, #tpu.memory_space<vmem>> -> memref<1x128xi32, #tpu.memory_space<vmem>>
    %dma_wait3A_1640 = tpu.memref_squeeze %dma_wait3A_1639 : memref<1x128xi32, #tpu.memory_space<vmem>> -> memref<128xi32, #tpu.memory_space<vmem>>
    %dma_wait3A_1641 = arith.constant 0 : i32
    %dma_wait3A_1642 = arith.constant 0 : i32
    %dma_wait3A_1643 = tpu.memref_slice %arg4[%dma_wait3A_1641, %dma_wait3A_1642] : memref<106496x128xi32, #tpu.memory_space<hbm>> -> memref<106496x128xi32, #tpu.memory_space<hbm>>
    tpu.wait_indirect_dma semaphore(%arg14 : memref<!tpu.dma_semaphore, #tpu.memory_space<semaphore_mem>>) src(%dma_wait3A_1643 : memref<106496x128xi32, #tpu.memory_space<hbm>>) dst(%arg12 : memref<128x128xi32, #tpu.memory_space<vmem>>)
    %dma_wait3A_1644 = arith.constant 2 : i32
    %dma_wait3A_1645 = arith.constant 0 : i32
    %dma_wait3A_1646 = tpu.memref_slice %arg11[%dma_wait3A_1644, %dma_wait3A_1645] : memref<4x128xi32, #tpu.memory_space<vmem>> -> memref<1x128xi32, #tpu.memory_space<vmem>>
    %dma_wait3A_1647 = tpu.memref_squeeze %dma_wait3A_1646 : memref<1x128xi32, #tpu.memory_space<vmem>> -> memref<128xi32, #tpu.memory_space<vmem>>
    %dma_wait3A_1648 = arith.constant 0 : i32
    %dma_wait3A_1649 = arith.constant 0 : i32
    %dma_wait3A_1650 = tpu.memref_slice %arg5[%dma_wait3A_1648, %dma_wait3A_1649] : memref<26624x128xf32, #tpu.memory_space<hbm>> -> memref<26624x128xf32, #tpu.memory_space<hbm>>
    tpu.wait_indirect_dma semaphore(%arg14 : memref<!tpu.dma_semaphore, #tpu.memory_space<semaphore_mem>>) src(%dma_wait3A_1650 : memref<26624x128xf32, #tpu.memory_space<hbm>>) dst(%arg13 : memref<128x128xf32, #tpu.memory_space<vmem>>)
    %add3A_1651 = arith.constant 256 : i32
    %add3A_1652 = arith.addi %multiple_of3A, %add3A_1651 : i32
    %dma_start3A_1653 = arith.constant 0 : i32
    %dma_start3A_1654 = tpu.memref_slice %arg6[%add3A_1652, %dma_start3A_1653] : memref<16384x128xi32, #tpu.memory_space<hbm>> -> memref<128x128xi32, #tpu.memory_space<hbm>>
    %dma_start3A_1655 = arith.constant 0 : i32
    %dma_start3A_1656 = tpu.memref_slice %arg6[%add3A_1652, %dma_start3A_1655] : memref<16384x128xi32, #tpu.memory_space<hbm>> -> memref<128x128xi32, #tpu.memory_space<hbm>>
    tpu.enqueue_dma source(%arg12 : memref<128x128xi32, #tpu.memory_space<vmem>>) target(%dma_start3A_1656 : memref<128x128xi32, #tpu.memory_space<hbm>>) target_semaphore(%arg15 : memref<!tpu.dma_semaphore, #tpu.memory_space<semaphore_mem>>)
    %dma_start3A_1657 = arith.constant 0 : i32
    %dma_start3A_1658 = tpu.memref_slice %arg7[%add3A_1652, %dma_start3A_1657] : memref<16384x128xf32, #tpu.memory_space<hbm>> -> memref<128x128xf32, #tpu.memory_space<hbm>>
    %dma_start3A_1659 = arith.constant 0 : i32
    %dma_start3A_1660 = tpu.memref_slice %arg7[%add3A_1652, %dma_start3A_1659] : memref<16384x128xf32, #tpu.memory_space<hbm>> -> memref<128x128xf32, #tpu.memory_space<hbm>>
    tpu.enqueue_dma source(%arg13 : memref<128x128xf32, #tpu.memory_space<vmem>>) target(%dma_start3A_1660 : memref<128x128xf32, #tpu.memory_space<hbm>>) target_semaphore(%arg15 : memref<!tpu.dma_semaphore, #tpu.memory_space<semaphore_mem>>)
    %dma_wait3A_1661 = arith.constant 0 : i32
    %dma_wait3A_1662 = tpu.memref_slice %arg6[%add3A_1652, %dma_wait3A_1661] : memref<16384x128xi32, #tpu.memory_space<hbm>> -> memref<128x128xi32, #tpu.memory_space<hbm>>
    %dma_wait3A_1663 = arith.constant 0 : i32
    %dma_wait3A_1664 = tpu.memref_slice %arg6[%add3A_1652, %dma_wait3A_1663] : memref<16384x128xi32, #tpu.memory_space<hbm>> -> memref<128x128xi32, #tpu.memory_space<hbm>>
    tpu.wait_dma2 semaphore(%arg15 : memref<!tpu.dma_semaphore, #tpu.memory_space<semaphore_mem>>) src(%arg12 : memref<128x128xi32, #tpu.memory_space<vmem>>) dst(%dma_wait3A_1664 : memref<128x128xi32, #tpu.memory_space<hbm>>)
    %dma_wait3A_1665 = arith.constant 0 : i32
    %dma_wait3A_1666 = tpu.memref_slice %arg7[%add3A_1652, %dma_wait3A_1665] : memref<16384x128xf32, #tpu.memory_space<hbm>> -> memref<128x128xf32, #tpu.memory_space<hbm>>
    %dma_wait3A_1667 = arith.constant 0 : i32
    %dma_wait3A_1668 = tpu.memref_slice %arg7[%add3A_1652, %dma_wait3A_1667] : memref<16384x128xf32, #tpu.memory_space<hbm>> -> memref<128x128xf32, #tpu.memory_space<hbm>>
    tpu.wait_dma2 semaphore(%arg15 : memref<!tpu.dma_semaphore, #tpu.memory_space<semaphore_mem>>) src(%arg13 : memref<128x128xf32, #tpu.memory_space<vmem>>) dst(%dma_wait3A_1668 : memref<128x128xf32, #tpu.memory_space<hbm>>)
    %dma_start3A_1669 = arith.constant 3 : i32
    %dma_start3A_1670 = arith.constant 0 : i32
    %dma_start3A_1671 = tpu.memref_slice %arg10[%dma_start3A_1669, %dma_start3A_1670] : memref<4x128xi32, #tpu.memory_space<vmem>> -> memref<1x128xi32, #tpu.memory_space<vmem>>
    %dma_start3A_1672 = tpu.memref_squeeze %dma_start3A_1671 : memref<1x128xi32, #tpu.memory_space<vmem>> -> memref<128xi32, #tpu.memory_space<vmem>>
    %dma_start3A_1673 = arith.constant 0 : i32
    %dma_start3A_1674 = arith.constant 0 : i32
    %dma_start3A_1675 = tpu.memref_slice %arg4[%dma_start3A_1673, %dma_start3A_1674] : memref<106496x128xi32, #tpu.memory_space<hbm>> -> memref<106496x128xi32, #tpu.memory_space<hbm>>
    tpu.enqueue_indirect_dma source(%dma_start3A_1675 : memref<106496x128xi32, #tpu.memory_space<hbm>>) target(%arg12 : memref<128x128xi32, #tpu.memory_space<vmem>>) offsets(%dma_start3A_1672 : memref<128xi32, #tpu.memory_space<vmem>>) semaphore(%arg14 : memref<!tpu.dma_semaphore, #tpu.memory_space<semaphore_mem>>)
    %dma_start3A_1676 = arith.constant 3 : i32
    %dma_start3A_1677 = arith.constant 0 : i32
    %dma_start3A_1678 = tpu.memref_slice %arg11[%dma_start3A_1676, %dma_start3A_1677] : memref<4x128xi32, #tpu.memory_space<vmem>> -> memref<1x128xi32, #tpu.memory_space<vmem>>
    %dma_start3A_1679 = tpu.memref_squeeze %dma_start3A_1678 : memref<1x128xi32, #tpu.memory_space<vmem>> -> memref<128xi32, #tpu.memory_space<vmem>>
    %dma_start3A_1680 = arith.constant 0 : i32
    %dma_start3A_1681 = arith.constant 0 : i32
    %dma_start3A_1682 = tpu.memref_slice %arg5[%dma_start3A_1680, %dma_start3A_1681] : memref<26624x128xf32, #tpu.memory_space<hbm>> -> memref<26624x128xf32, #tpu.memory_space<hbm>>
    tpu.enqueue_indirect_dma source(%dma_start3A_1682 : memref<26624x128xf32, #tpu.memory_space<hbm>>) target(%arg13 : memref<128x128xf32, #tpu.memory_space<vmem>>) offsets(%dma_start3A_1679 : memref<128xi32, #tpu.memory_space<vmem>>) semaphore(%arg14 : memref<!tpu.dma_semaphore, #tpu.memory_space<semaphore_mem>>)
    %dma_wait3A_1683 = arith.constant 3 : i32
    %dma_wait3A_1684 = arith.constant 0 : i32
    %dma_wait3A_1685 = tpu.memref_slice %arg10[%dma_wait3A_1683, %dma_wait3A_1684] : memref<4x128xi32, #tpu.memory_space<vmem>> -> memref<1x128xi32, #tpu.memory_space<vmem>>
    %dma_wait3A_1686 = tpu.memref_squeeze %dma_wait3A_1685 : memref<1x128xi32, #tpu.memory_space<vmem>> -> memref<128xi32, #tpu.memory_space<vmem>>
    %dma_wait3A_1687 = arith.constant 0 : i32
    %dma_wait3A_1688 = arith.constant 0 : i32
    %dma_wait3A_1689 = tpu.memref_slice %arg4[%dma_wait3A_1687, %dma_wait3A_1688] : memref<106496x128xi32, #tpu.memory_space<hbm>> -> memref<106496x128xi32, #tpu.memory_space<hbm>>
    tpu.wait_indirect_dma semaphore(%arg14 : memref<!tpu.dma_semaphore, #tpu.memory_space<semaphore_mem>>) src(%dma_wait3A_1689 : memref<106496x128xi32, #tpu.memory_space<hbm>>) dst(%arg12 : memref<128x128xi32, #tpu.memory_space<vmem>>)
    %dma_wait3A_1690 = arith.constant 3 : i32
    %dma_wait3A_1691 = arith.constant 0 : i32
    %dma_wait3A_1692 = tpu.memref_slice %arg11[%dma_wait3A_1690, %dma_wait3A_1691] : memref<4x128xi32, #tpu.memory_space<vmem>> -> memref<1x128xi32, #tpu.memory_space<vmem>>
    %dma_wait3A_1693 = tpu.memref_squeeze %dma_wait3A_1692 : memref<1x128xi32, #tpu.memory_space<vmem>> -> memref<128xi32, #tpu.memory_space<vmem>>
    %dma_wait3A_1694 = arith.constant 0 : i32
    %dma_wait3A_1695 = arith.constant 0 : i32
    %dma_wait3A_1696 = tpu.memref_slice %arg5[%dma_wait3A_1694, %dma_wait3A_1695] : memref<26624x128xf32, #tpu.memory_space<hbm>> -> memref<26624x128xf32, #tpu.memory_space<hbm>>
    tpu.wait_indirect_dma semaphore(%arg14 : memref<!tpu.dma_semaphore, #tpu.memory_space<semaphore_mem>>) src(%dma_wait3A_1696 : memref<26624x128xf32, #tpu.memory_space<hbm>>) dst(%arg13 : memref<128x128xf32, #tpu.memory_space<vmem>>)
    %add3A_1697 = arith.constant 384 : i32
    %add3A_1698 = arith.addi %multiple_of3A, %add3A_1697 : i32
    %dma_start3A_1699 = arith.constant 0 : i32
    %dma_start3A_1700 = tpu.memref_slice %arg6[%add3A_1698, %dma_start3A_1699] : memref<16384x128xi32, #tpu.memory_space<hbm>> -> memref<128x128xi32, #tpu.memory_space<hbm>>
    %dma_start3A_1701 = arith.constant 0 : i32
    %dma_start3A_1702 = tpu.memref_slice %arg6[%add3A_1698, %dma_start3A_1701] : memref<16384x128xi32, #tpu.memory_space<hbm>> -> memref<128x128xi32, #tpu.memory_space<hbm>>
    tpu.enqueue_dma source(%arg12 : memref<128x128xi32, #tpu.memory_space<vmem>>) target(%dma_start3A_1702 : memref<128x128xi32, #tpu.memory_space<hbm>>) target_semaphore(%arg15 : memref<!tpu.dma_semaphore, #tpu.memory_space<semaphore_mem>>)
    %dma_start3A_1703 = arith.constant 0 : i32
    %dma_start3A_1704 = tpu.memref_slice %arg7[%add3A_1698, %dma_start3A_1703] : memref<16384x128xf32, #tpu.memory_space<hbm>> -> memref<128x128xf32, #tpu.memory_space<hbm>>
    %dma_start3A_1705 = arith.constant 0 : i32
    %dma_start3A_1706 = tpu.memref_slice %arg7[%add3A_1698, %dma_start3A_1705] : memref<16384x128xf32, #tpu.memory_space<hbm>> -> memref<128x128xf32, #tpu.memory_space<hbm>>
    tpu.enqueue_dma source(%arg13 : memref<128x128xf32, #tpu.memory_space<vmem>>) target(%dma_start3A_1706 : memref<128x128xf32, #tpu.memory_space<hbm>>) target_semaphore(%arg15 : memref<!tpu.dma_semaphore, #tpu.memory_space<semaphore_mem>>)
    %dma_wait3A_1707 = arith.constant 0 : i32
    %dma_wait3A_1708 = tpu.memref_slice %arg6[%add3A_1698, %dma_wait3A_1707] : memref<16384x128xi32, #tpu.memory_space<hbm>> -> memref<128x128xi32, #tpu.memory_space<hbm>>
    %dma_wait3A_1709 = arith.constant 0 : i32
    %dma_wait3A_1710 = tpu.memref_slice %arg6[%add3A_1698, %dma_wait3A_1709] : memref<16384x128xi32, #tpu.memory_space<hbm>> -> memref<128x128xi32, #tpu.memory_space<hbm>>
    tpu.wait_dma2 semaphore(%arg15 : memref<!tpu.dma_semaphore, #tpu.memory_space<semaphore_mem>>) src(%arg12 : memref<128x128xi32, #tpu.memory_space<vmem>>) dst(%dma_wait3A_1710 : memref<128x128xi32, #tpu.memory_space<hbm>>)
    %dma_wait3A_1711 = arith.constant 0 : i32
    %dma_wait3A_1712 = tpu.memref_slice %arg7[%add3A_1698, %dma_wait3A_1711] : memref<16384x128xf32, #tpu.memory_space<hbm>> -> memref<128x128xf32, #tpu.memory_space<hbm>>
    %dma_wait3A_1713 = arith.constant 0 : i32
    %dma_wait3A_1714 = tpu.memref_slice %arg7[%add3A_1698, %dma_wait3A_1713] : memref<16384x128xf32, #tpu.memory_space<hbm>> -> memref<128x128xf32, #tpu.memory_space<hbm>>
    tpu.wait_dma2 semaphore(%arg15 : memref<!tpu.dma_semaphore, #tpu.memory_space<semaphore_mem>>) src(%arg13 : memref<128x128xf32, #tpu.memory_space<vmem>>) dst(%dma_wait3A_1714 : memref<128x128xf32, #tpu.memory_space<hbm>>)
    return
  }
}

module attributes {stable_mosaic.version = 14 : i64} {
  func.func @_combine_body(%arg0: i32, %arg1: memref<2048x1xi32, #tpu.memory_space<vmem>>, %arg2: memref<2048x1xi32, #tpu.memory_space<vmem>>, %arg3: memref<2048x128xi32, #tpu.memory_space<vmem>>, %arg4: memref<2048x128xf32, #tpu.memory_space<vmem>>, %arg5: memref<1x16xf32, #tpu.memory_space<vmem>>, %arg6: memref<1x16xf32, #tpu.memory_space<vmem>>, %arg7: memref<48x32xf32, #tpu.memory_space<vmem>>, %arg8: memref<1x32xf32, #tpu.memory_space<vmem>>, %arg9: memref<48x32xf32, #tpu.memory_space<vmem>>, %arg10: memref<1x32xf32, #tpu.memory_space<vmem>>, %arg11: memref<48x32xf32, #tpu.memory_space<vmem>>, %arg12: memref<1x32xf32, #tpu.memory_space<vmem>>, %arg13: memref<48x32xf32, #tpu.memory_space<vmem>>, %arg14: memref<1x32xf32, #tpu.memory_space<vmem>>, %arg15: memref<2048x32xf32, #tpu.memory_space<vmem>>) attributes {dimension_semantics = [#tpu.dimension_semantics<arbitrary>], iteration_bounds = array<i64: 8>, scalar_prefetch = 0 : i64, scratch_operands = 0 : i64, tpu.core_type = #tpu.core_type<tc>, window_params = [{transform_indices = @transform_0, window_bounds = array<i64: 2048, 1>}, {transform_indices = @transform_1, window_bounds = array<i64: 2048, 1>}, {transform_indices = @transform_2, window_bounds = array<i64: 2048, 128>}, {transform_indices = @transform_3, window_bounds = array<i64: 2048, 128>}, {pipeline_mode = #tpu.pipeline_mode<synchronous>, transform_indices = @transform_4, window_bounds = array<i64: 1, 16>}, {pipeline_mode = #tpu.pipeline_mode<synchronous>, transform_indices = @transform_5, window_bounds = array<i64: 1, 16>}, {pipeline_mode = #tpu.pipeline_mode<synchronous>, transform_indices = @transform_6, window_bounds = array<i64: 48, 32>}, {pipeline_mode = #tpu.pipeline_mode<synchronous>, transform_indices = @transform_7, window_bounds = array<i64: 1, 32>}, {pipeline_mode = #tpu.pipeline_mode<synchronous>, transform_indices = @transform_8, window_bounds = array<i64: 48, 32>}, {pipeline_mode = #tpu.pipeline_mode<synchronous>, transform_indices = @transform_9, window_bounds = array<i64: 1, 32>}, {pipeline_mode = #tpu.pipeline_mode<synchronous>, transform_indices = @transform_10, window_bounds = array<i64: 48, 32>}, {pipeline_mode = #tpu.pipeline_mode<synchronous>, transform_indices = @transform_11, window_bounds = array<i64: 1, 32>}, {pipeline_mode = #tpu.pipeline_mode<synchronous>, transform_indices = @transform_12, window_bounds = array<i64: 48, 32>}, {pipeline_mode = #tpu.pipeline_mode<synchronous>, transform_indices = @transform_13, window_bounds = array<i64: 1, 32>}, {transform_indices = @transform_14, window_bounds = array<i64: 2048, 32>}]} {
    %get3A = arith.constant 0 : index
    %get3A_0 = arith.constant 0 : index
    %get3A_1 = vector.load %arg3[%get3A, %get3A_0] : memref<2048x128xi32, #tpu.memory_space<vmem>>, vector<2048x128xi32>
    %shift_left3A = arith.constant 16 : i32
    %shift_left3A_2 = vector.broadcast %shift_left3A : i32 to vector<2048x128xi32>
    %shift_left3A_3 = arith.shli %get3A_1, %shift_left3A_2 : vector<2048x128xi32>
    %bitcast_convert_type3A = tpu.bitcast %shift_left3A_3 : vector<2048x128xi32> -> vector<2048x128xf32>
    %and3A = arith.constant -65536 : i32
    %and3A_4 = vector.broadcast %and3A : i32 to vector<2048x128xi32>
    %and3A_5 = arith.andi %get3A_1, %and3A_4 : vector<2048x128xi32>
    %bitcast_convert_type3A_6 = tpu.bitcast %and3A_5 : vector<2048x128xi32> -> vector<2048x128xf32>
    %get3A_7 = arith.constant 0 : index
    %get3A_8 = arith.constant 0 : index
    %get3A_9 = vector.load %arg4[%get3A_7, %get3A_8] : memref<2048x128xf32, #tpu.memory_space<vmem>>, vector<2048x128xf32>
    %get3A_10 = arith.constant 0 : index
    %get3A_11 = arith.constant 0 : index
    %get3A_12 = vector.load %arg1[%get3A_10, %get3A_11] : memref<2048x1xi32, #tpu.memory_space<vmem>>, vector<2048x1xi32>
    %ge3A = arith.constant 100000 : i32
    %ge3A_13 = vector.broadcast %ge3A : i32 to vector<2048x1xi32>
    %ge3A_14 = arith.cmpi sge, %get3A_12, %ge3A_13 : vector<2048x1xi32>
    %slice3A = vector.extract_strided_slice %bitcast_convert_type3A_6 {offsets = [0, 0], sizes = [2048, 32], strides = [1, 1]} : vector<2048x128xf32> to vector<2048x32xf32>
    %slice3A_15 = vector.extract_strided_slice %bitcast_convert_type3A {offsets = [0, 0], sizes = [2048, 32], strides = [1, 1]} : vector<2048x128xf32> to vector<2048x32xf32>
    %broadcast_in_dim3A = vector.shape_cast %ge3A_14 : vector<2048x1xi1> to vector<2048x1xi1>
    %broadcast_in_dim3A_16 = vector.broadcast %broadcast_in_dim3A : vector<2048x1xi1> to vector<2048x32xi1>
    %select_n3A = arith.select %broadcast_in_dim3A_16, %slice3A, %slice3A_15 : vector<2048x32xi1>, vector<2048x32xf32>
    %slice3A_17 = vector.extract_strided_slice %bitcast_convert_type3A_6 {offsets = [0, 32], sizes = [2048, 32], strides = [1, 1]} : vector<2048x128xf32> to vector<2048x32xf32>
    %slice3A_18 = vector.extract_strided_slice %bitcast_convert_type3A {offsets = [0, 32], sizes = [2048, 32], strides = [1, 1]} : vector<2048x128xf32> to vector<2048x32xf32>
    %broadcast_in_dim3A_19 = vector.shape_cast %ge3A_14 : vector<2048x1xi1> to vector<2048x1xi1>
    %broadcast_in_dim3A_20 = vector.broadcast %broadcast_in_dim3A_19 : vector<2048x1xi1> to vector<2048x32xi1>
    %select_n3A_21 = arith.select %broadcast_in_dim3A_20, %slice3A_17, %slice3A_18 : vector<2048x32xi1>, vector<2048x32xf32>
    %slice3A_22 = vector.extract_strided_slice %bitcast_convert_type3A_6 {offsets = [0, 64], sizes = [2048, 32], strides = [1, 1]} : vector<2048x128xf32> to vector<2048x32xf32>
    %slice3A_23 = vector.extract_strided_slice %bitcast_convert_type3A {offsets = [0, 64], sizes = [2048, 32], strides = [1, 1]} : vector<2048x128xf32> to vector<2048x32xf32>
    %broadcast_in_dim3A_24 = vector.shape_cast %ge3A_14 : vector<2048x1xi1> to vector<2048x1xi1>
    %broadcast_in_dim3A_25 = vector.broadcast %broadcast_in_dim3A_24 : vector<2048x1xi1> to vector<2048x32xi1>
    %select_n3A_26 = arith.select %broadcast_in_dim3A_25, %slice3A_22, %slice3A_23 : vector<2048x32xi1>, vector<2048x32xf32>
    %slice3A_27 = vector.extract_strided_slice %bitcast_convert_type3A {offsets = [0, 96], sizes = [2048, 16], strides = [1, 1]} : vector<2048x128xf32> to vector<2048x16xf32>
    %slice3A_28 = vector.extract_strided_slice %bitcast_convert_type3A {offsets = [0, 112], sizes = [2048, 16], strides = [1, 1]} : vector<2048x128xf32> to vector<2048x16xf32>
    %slice3A_29 = vector.extract_strided_slice %bitcast_convert_type3A_6 {offsets = [0, 96], sizes = [2048, 16], strides = [1, 1]} : vector<2048x128xf32> to vector<2048x16xf32>
    %get3A_30 = arith.constant 0 : index
    %get3A_31 = arith.constant 0 : index
    %get3A_32 = vector.load %arg7[%get3A_30, %get3A_31] : memref<48x32xf32, #tpu.memory_space<vmem>>, vector<48x32xf32>
    %get3A_33 = arith.constant 0 : index
    %get3A_34 = arith.constant 0 : index
    %get3A_35 = vector.load %arg8[%get3A_33, %get3A_34] : memref<1x32xf32, #tpu.memory_space<vmem>>, vector<1x32xf32>
    %slice3A_36 = vector.extract_strided_slice %get3A_32 {offsets = [0, 0], sizes = [16, 32], strides = [1, 1]} : vector<48x32xf32> to vector<16x32xf32>
    %dot_general3A = arith.constant dense<0.000000e+00> : vector<2048x32xf32>
    %dot_general3A_37 = tpu.matmul %slice3A_27, %slice3A_36, %dot_general3A {dimension_numbers = #tpu.dot_dimension_numbers<[1], [0], [0], [1], [0, 0, 1, 1], [], []>, transpose_lhs_hint = false} : vector<2048x16xf32>, vector<16x32xf32>, vector<2048x32xf32> -> vector<2048x32xf32>
    %slice3A_38 = vector.extract_strided_slice %get3A_32 {offsets = [16, 0], sizes = [32, 32], strides = [1, 1]} : vector<48x32xf32> to vector<32x32xf32>
    %dot_general3A_39 = arith.constant dense<0.000000e+00> : vector<2048x32xf32>
    %dot_general3A_40 = tpu.matmul %select_n3A, %slice3A_38, %dot_general3A_39 {dimension_numbers = #tpu.dot_dimension_numbers<[1], [0], [0], [1], [0, 0, 1, 1], [], []>, transpose_lhs_hint = false} : vector<2048x32xf32>, vector<32x32xf32>, vector<2048x32xf32> -> vector<2048x32xf32>
    %add3A = arith.addf %dot_general3A_37, %dot_general3A_40 : vector<2048x32xf32>
    %add3A_41 = vector.broadcast %get3A_35 : vector<1x32xf32> to vector<2048x32xf32>
    %add3A_42 = arith.addf %add3A, %add3A_41 : vector<2048x32xf32>
    %get3A_43 = arith.constant 0 : index
    %get3A_44 = arith.constant 0 : index
    %get3A_45 = vector.load %arg9[%get3A_43, %get3A_44] : memref<48x32xf32, #tpu.memory_space<vmem>>, vector<48x32xf32>
    %get3A_46 = arith.constant 0 : index
    %get3A_47 = arith.constant 0 : index
    %get3A_48 = vector.load %arg10[%get3A_46, %get3A_47] : memref<1x32xf32, #tpu.memory_space<vmem>>, vector<1x32xf32>
    %slice3A_49 = vector.extract_strided_slice %get3A_45 {offsets = [0, 0], sizes = [16, 32], strides = [1, 1]} : vector<48x32xf32> to vector<16x32xf32>
    %dot_general3A_50 = arith.constant dense<0.000000e+00> : vector<2048x32xf32>
    %dot_general3A_51 = tpu.matmul %slice3A_28, %slice3A_49, %dot_general3A_50 {dimension_numbers = #tpu.dot_dimension_numbers<[1], [0], [0], [1], [0, 0, 1, 1], [], []>, transpose_lhs_hint = false} : vector<2048x16xf32>, vector<16x32xf32>, vector<2048x32xf32> -> vector<2048x32xf32>
    %slice3A_52 = vector.extract_strided_slice %get3A_45 {offsets = [16, 0], sizes = [32, 32], strides = [1, 1]} : vector<48x32xf32> to vector<32x32xf32>
    %dot_general3A_53 = arith.constant dense<0.000000e+00> : vector<2048x32xf32>
    %dot_general3A_54 = tpu.matmul %select_n3A_21, %slice3A_52, %dot_general3A_53 {dimension_numbers = #tpu.dot_dimension_numbers<[1], [0], [0], [1], [0, 0, 1, 1], [], []>, transpose_lhs_hint = false} : vector<2048x32xf32>, vector<32x32xf32>, vector<2048x32xf32> -> vector<2048x32xf32>
    %add3A_55 = arith.addf %dot_general3A_51, %dot_general3A_54 : vector<2048x32xf32>
    %add3A_56 = vector.broadcast %get3A_48 : vector<1x32xf32> to vector<2048x32xf32>
    %add3A_57 = arith.addf %add3A_55, %add3A_56 : vector<2048x32xf32>
    %get3A_58 = arith.constant 0 : index
    %get3A_59 = arith.constant 0 : index
    %get3A_60 = vector.load %arg11[%get3A_58, %get3A_59] : memref<48x32xf32, #tpu.memory_space<vmem>>, vector<48x32xf32>
    %get3A_61 = arith.constant 0 : index
    %get3A_62 = arith.constant 0 : index
    %get3A_63 = vector.load %arg12[%get3A_61, %get3A_62] : memref<1x32xf32, #tpu.memory_space<vmem>>, vector<1x32xf32>
    %slice3A_64 = vector.extract_strided_slice %get3A_60 {offsets = [0, 0], sizes = [16, 32], strides = [1, 1]} : vector<48x32xf32> to vector<16x32xf32>
    %dot_general3A_65 = arith.constant dense<0.000000e+00> : vector<2048x32xf32>
    %dot_general3A_66 = tpu.matmul %slice3A_29, %slice3A_64, %dot_general3A_65 {dimension_numbers = #tpu.dot_dimension_numbers<[1], [0], [0], [1], [0, 0, 1, 1], [], []>, transpose_lhs_hint = false} : vector<2048x16xf32>, vector<16x32xf32>, vector<2048x32xf32> -> vector<2048x32xf32>
    %slice3A_67 = vector.extract_strided_slice %get3A_60 {offsets = [16, 0], sizes = [32, 32], strides = [1, 1]} : vector<48x32xf32> to vector<32x32xf32>
    %dot_general3A_68 = arith.constant dense<0.000000e+00> : vector<2048x32xf32>
    %dot_general3A_69 = tpu.matmul %select_n3A_26, %slice3A_67, %dot_general3A_68 {dimension_numbers = #tpu.dot_dimension_numbers<[1], [0], [0], [1], [0, 0, 1, 1], [], []>, transpose_lhs_hint = false} : vector<2048x32xf32>, vector<32x32xf32>, vector<2048x32xf32> -> vector<2048x32xf32>
    %add3A_70 = arith.addf %dot_general3A_66, %dot_general3A_69 : vector<2048x32xf32>
    %add3A_71 = vector.broadcast %get3A_63 : vector<1x32xf32> to vector<2048x32xf32>
    %add3A_72 = arith.addf %add3A_70, %add3A_71 : vector<2048x32xf32>
    %get3A_73 = arith.constant 0 : index
    %get3A_74 = arith.constant 0 : index
    %get3A_75 = vector.load %arg2[%get3A_73, %get3A_74] : memref<2048x1xi32, #tpu.memory_space<vmem>>, vector<2048x1xi32>
    %lt3A = arith.constant 26624 : i32
    %lt3A_76 = vector.broadcast %lt3A : i32 to vector<2048x1xi32>
    %lt3A_77 = arith.cmpi slt, %get3A_75, %lt3A_76 : vector<2048x1xi32>
    %slice3A_78 = vector.extract_strided_slice %get3A_9 {offsets = [0, 0], sizes = [2048, 32], strides = [1, 1]} : vector<2048x128xf32> to vector<2048x32xf32>
    %lt3A_79 = arith.constant 53248 : i32
    %lt3A_80 = vector.broadcast %lt3A_79 : i32 to vector<2048x1xi32>
    %lt3A_81 = arith.cmpi slt, %get3A_75, %lt3A_80 : vector<2048x1xi32>
    %slice3A_82 = vector.extract_strided_slice %get3A_9 {offsets = [0, 32], sizes = [2048, 32], strides = [1, 1]} : vector<2048x128xf32> to vector<2048x32xf32>
    %lt3A_83 = arith.constant 79872 : i32
    %lt3A_84 = vector.broadcast %lt3A_83 : i32 to vector<2048x1xi32>
    %lt3A_85 = arith.cmpi slt, %get3A_75, %lt3A_84 : vector<2048x1xi32>
    %slice3A_86 = vector.extract_strided_slice %get3A_9 {offsets = [0, 64], sizes = [2048, 32], strides = [1, 1]} : vector<2048x128xf32> to vector<2048x32xf32>
    %slice3A_87 = vector.extract_strided_slice %get3A_9 {offsets = [0, 96], sizes = [2048, 32], strides = [1, 1]} : vector<2048x128xf32> to vector<2048x32xf32>
    %broadcast_in_dim3A_88 = vector.shape_cast %lt3A_85 : vector<2048x1xi1> to vector<2048x1xi1>
    %broadcast_in_dim3A_89 = vector.broadcast %broadcast_in_dim3A_88 : vector<2048x1xi1> to vector<2048x32xi1>
    %select_n3A_90 = arith.select %broadcast_in_dim3A_89, %slice3A_86, %slice3A_87 : vector<2048x32xi1>, vector<2048x32xf32>
    %broadcast_in_dim3A_91 = vector.shape_cast %lt3A_81 : vector<2048x1xi1> to vector<2048x1xi1>
    %broadcast_in_dim3A_92 = vector.broadcast %broadcast_in_dim3A_91 : vector<2048x1xi1> to vector<2048x32xi1>
    %select_n3A_93 = arith.select %broadcast_in_dim3A_92, %slice3A_82, %select_n3A_90 : vector<2048x32xi1>, vector<2048x32xf32>
    %broadcast_in_dim3A_94 = vector.shape_cast %lt3A_77 : vector<2048x1xi1> to vector<2048x1xi1>
    %broadcast_in_dim3A_95 = vector.broadcast %broadcast_in_dim3A_94 : vector<2048x1xi1> to vector<2048x32xi1>
    %select_n3A_96 = arith.select %broadcast_in_dim3A_95, %slice3A_78, %select_n3A_93 : vector<2048x32xi1>, vector<2048x32xf32>
    %get3A_97 = arith.constant 0 : index
    %get3A_98 = arith.constant 0 : index
    %get3A_99 = vector.load %arg13[%get3A_97, %get3A_98] : memref<48x32xf32, #tpu.memory_space<vmem>>, vector<48x32xf32>
    %lt3A_100 = arith.constant 50000 : i32
    %lt3A_101 = vector.broadcast %lt3A_100 : i32 to vector<2048x1xi32>
    %lt3A_102 = arith.cmpi slt, %get3A_75, %lt3A_101 : vector<2048x1xi32>
    %get3A_103 = arith.constant 0 : index
    %get3A_104 = arith.constant 0 : index
    %get3A_105 = vector.load %arg5[%get3A_103, %get3A_104] : memref<1x16xf32, #tpu.memory_space<vmem>>, vector<1x16xf32>
    %slice3A_106 = vector.extract_strided_slice %get3A_99 {offsets = [0, 0], sizes = [16, 32], strides = [1, 1]} : vector<48x32xf32> to vector<16x32xf32>
    %dot_general3A_107 = arith.constant dense<0.000000e+00> : vector<1x32xf32>
    %dot_general3A_108 = tpu.matmul %get3A_105, %slice3A_106, %dot_general3A_107 {dimension_numbers = #tpu.dot_dimension_numbers<[1], [0], [0], [1], [0, 0, 1, 1], [], []>, transpose_lhs_hint = false} : vector<1x16xf32>, vector<16x32xf32>, vector<1x32xf32> -> vector<1x32xf32>
    %get3A_109 = arith.constant 0 : index
    %get3A_110 = arith.constant 0 : index
    %get3A_111 = vector.load %arg6[%get3A_109, %get3A_110] : memref<1x16xf32, #tpu.memory_space<vmem>>, vector<1x16xf32>
    %slice3A_112 = vector.extract_strided_slice %get3A_99 {offsets = [0, 0], sizes = [16, 32], strides = [1, 1]} : vector<48x32xf32> to vector<16x32xf32>
    %dot_general3A_113 = arith.constant dense<0.000000e+00> : vector<1x32xf32>
    %dot_general3A_114 = tpu.matmul %get3A_111, %slice3A_112, %dot_general3A_113 {dimension_numbers = #tpu.dot_dimension_numbers<[1], [0], [0], [1], [0, 0, 1, 1], [], []>, transpose_lhs_hint = false} : vector<1x16xf32>, vector<16x32xf32>, vector<1x32xf32> -> vector<1x32xf32>
    %broadcast_in_dim3A_115 = vector.shape_cast %lt3A_102 : vector<2048x1xi1> to vector<2048x1xi1>
    %broadcast_in_dim3A_116 = vector.broadcast %broadcast_in_dim3A_115 : vector<2048x1xi1> to vector<2048x32xi1>
    %broadcast_in_dim3A_117 = vector.shape_cast %dot_general3A_108 : vector<1x32xf32> to vector<1x32xf32>
    %broadcast_in_dim3A_118 = vector.broadcast %broadcast_in_dim3A_117 : vector<1x32xf32> to vector<2048x32xf32>
    %broadcast_in_dim3A_119 = vector.shape_cast %dot_general3A_114 : vector<1x32xf32> to vector<1x32xf32>
    %broadcast_in_dim3A_120 = vector.broadcast %broadcast_in_dim3A_119 : vector<1x32xf32> to vector<2048x32xf32>
    %select_n3A_121 = arith.select %broadcast_in_dim3A_116, %broadcast_in_dim3A_118, %broadcast_in_dim3A_120 : vector<2048x32xi1>, vector<2048x32xf32>
    %slice3A_122 = vector.extract_strided_slice %get3A_99 {offsets = [16, 0], sizes = [32, 32], strides = [1, 1]} : vector<48x32xf32> to vector<32x32xf32>
    %dot_general3A_123 = arith.constant dense<0.000000e+00> : vector<2048x32xf32>
    %dot_general3A_124 = tpu.matmul %select_n3A_96, %slice3A_122, %dot_general3A_123 {dimension_numbers = #tpu.dot_dimension_numbers<[1], [0], [0], [1], [0, 0, 1, 1], [], []>, transpose_lhs_hint = false} : vector<2048x32xf32>, vector<32x32xf32>, vector<2048x32xf32> -> vector<2048x32xf32>
    %add3A_125 = arith.addf %select_n3A_121, %dot_general3A_124 : vector<2048x32xf32>
    %get3A_126 = arith.constant 0 : index
    %get3A_127 = arith.constant 0 : index
    %get3A_128 = vector.load %arg14[%get3A_126, %get3A_127] : memref<1x32xf32, #tpu.memory_space<vmem>>, vector<1x32xf32>
    %add3A_129 = vector.broadcast %get3A_128 : vector<1x32xf32> to vector<2048x32xf32>
    %add3A_130 = arith.addf %add3A_125, %add3A_129 : vector<2048x32xf32>
    %logistic3A = arith.negf %add3A_72 : vector<2048x32xf32>
    %logistic3A_131 = math.exp %logistic3A : vector<2048x32xf32>
    %logistic3A_132 = arith.constant 1.000000e+00 : f32
    %logistic3A_133 = vector.broadcast %logistic3A_132 : f32 to vector<2048x32xf32>
    %logistic3A_134 = arith.addf %logistic3A_133, %logistic3A_131 : vector<2048x32xf32>
    %logistic3A_135 = arith.divf %logistic3A_133, %logistic3A_134 : vector<2048x32xf32>
    %logistic3A_136 = arith.negf %add3A_42 : vector<2048x32xf32>
    %logistic3A_137 = math.exp %logistic3A_136 : vector<2048x32xf32>
    %logistic3A_138 = arith.constant 1.000000e+00 : f32
    %logistic3A_139 = vector.broadcast %logistic3A_138 : f32 to vector<2048x32xf32>
    %logistic3A_140 = arith.addf %logistic3A_139, %logistic3A_137 : vector<2048x32xf32>
    %logistic3A_141 = arith.divf %logistic3A_139, %logistic3A_140 : vector<2048x32xf32>
    %sub3A = arith.constant 5.000000e-01 : f32
    %sub3A_142 = vector.broadcast %sub3A : f32 to vector<2048x32xf32>
    %sub3A_143 = arith.subf %logistic3A_141, %sub3A_142 : vector<2048x32xf32>
    %mul3A = arith.constant 8.000000e+00 : f32
    %mul3A_144 = vector.broadcast %mul3A : f32 to vector<2048x32xf32>
    %mul3A_145 = arith.mulf %mul3A_144, %sub3A_143 : vector<2048x32xf32>
    %logistic3A_146 = arith.negf %add3A_57 : vector<2048x32xf32>
    %logistic3A_147 = math.exp %logistic3A_146 : vector<2048x32xf32>
    %logistic3A_148 = arith.constant 1.000000e+00 : f32
    %logistic3A_149 = vector.broadcast %logistic3A_148 : f32 to vector<2048x32xf32>
    %logistic3A_150 = arith.addf %logistic3A_149, %logistic3A_147 : vector<2048x32xf32>
    %logistic3A_151 = arith.divf %logistic3A_149, %logistic3A_150 : vector<2048x32xf32>
    %logistic3A_152 = arith.negf %add3A_130 : vector<2048x32xf32>
    %logistic3A_153 = math.exp %logistic3A_152 : vector<2048x32xf32>
    %logistic3A_154 = arith.constant 1.000000e+00 : f32
    %logistic3A_155 = vector.broadcast %logistic3A_154 : f32 to vector<2048x32xf32>
    %logistic3A_156 = arith.addf %logistic3A_155, %logistic3A_153 : vector<2048x32xf32>
    %logistic3A_157 = arith.divf %logistic3A_155, %logistic3A_156 : vector<2048x32xf32>
    %sub3A_158 = arith.constant 5.000000e-01 : f32
    %sub3A_159 = vector.broadcast %sub3A_158 : f32 to vector<2048x32xf32>
    %sub3A_160 = arith.subf %logistic3A_157, %sub3A_159 : vector<2048x32xf32>
    %mul3A_161 = arith.constant 8.000000e+00 : f32
    %mul3A_162 = vector.broadcast %mul3A_161 : f32 to vector<2048x32xf32>
    %mul3A_163 = arith.mulf %mul3A_162, %sub3A_160 : vector<2048x32xf32>
    %sub3A_164 = arith.constant 1.000000e+00 : f32
    %sub3A_165 = vector.broadcast %sub3A_164 : f32 to vector<2048x32xf32>
    %sub3A_166 = arith.subf %sub3A_165, %logistic3A_135 : vector<2048x32xf32>
    %mul3A_167 = arith.constant -1.702000e+00 : f32
    %mul3A_168 = vector.broadcast %mul3A_167 : f32 to vector<2048x32xf32>
    %mul3A_169 = arith.mulf %mul3A_168, %logistic3A_151 : vector<2048x32xf32>
    %sub3A_170 = arith.subf %mul3A_163, %mul3A_145 : vector<2048x32xf32>
    %mul3A_171 = arith.mulf %mul3A_169, %sub3A_170 : vector<2048x32xf32>
    %exp3A = math.exp %mul3A_171 : vector<2048x32xf32>
    %add3A_172 = arith.constant 1.000000e+00 : f32
    %add3A_173 = vector.broadcast %add3A_172 : f32 to vector<2048x32xf32>
    %add3A_174 = arith.addf %add3A_173, %exp3A : vector<2048x32xf32>
    %div3A = arith.divf %sub3A_166, %add3A_174 : vector<2048x32xf32>
    %add3A_175 = arith.addf %logistic3A_135, %div3A : vector<2048x32xf32>
    %swap3A = arith.constant 0 : index
    %swap3A_176 = arith.constant 0 : index
    %swap3A_177 = vector.load %arg15[%swap3A, %swap3A_176] : memref<2048x32xf32, #tpu.memory_space<vmem>>, vector<2048x32xf32>
    tpu.vector_store %arg15[%swap3A, %swap3A_176], %add3A_175 {strides = array<i32>} : memref<2048x32xf32, #tpu.memory_space<vmem>>, vector<2048x32xf32>,
    return
  }
  func.func @transform_0(%arg0: i32) -> (i32, i32) {
    %c0_i32 = arith.constant 0 : i32
    %c0_i32_0 = arith.constant 0 : i32
    return %arg0, %c0_i32 : i32, i32
  }
  func.func @transform_1(%arg0: i32) -> (i32, i32) {
    %c0_i32 = arith.constant 0 : i32
    %c0_i32_0 = arith.constant 0 : i32
    return %arg0, %c0_i32 : i32, i32
  }
  func.func @transform_2(%arg0: i32) -> (i32, i32) {
    %c0_i32 = arith.constant 0 : i32
    %c0_i32_0 = arith.constant 0 : i32
    return %arg0, %c0_i32 : i32, i32
  }
  func.func @transform_3(%arg0: i32) -> (i32, i32) {
    %c0_i32 = arith.constant 0 : i32
    %c0_i32_0 = arith.constant 0 : i32
    return %arg0, %c0_i32 : i32, i32
  }
  func.func @transform_4(%arg0: i32) -> (i32, i32) {
    %c0_i32 = arith.constant 0 : i32
    %c0_i32_0 = arith.constant 0 : i32
    %c0_i32_1 = arith.constant 0 : i32
    return %c0_i32, %c0_i32_0 : i32, i32
  }
  func.func @transform_5(%arg0: i32) -> (i32, i32) {
    %c0_i32 = arith.constant 0 : i32
    %c0_i32_0 = arith.constant 0 : i32
    %c0_i32_1 = arith.constant 0 : i32
    return %c0_i32, %c0_i32_0 : i32, i32
  }
  func.func @transform_6(%arg0: i32) -> (i32, i32) {
    %c0_i32 = arith.constant 0 : i32
    %c0_i32_0 = arith.constant 0 : i32
    %c0_i32_1 = arith.constant 0 : i32
    return %c0_i32, %c0_i32_0 : i32, i32
  }
  func.func @transform_7(%arg0: i32) -> (i32, i32) {
    %c0_i32 = arith.constant 0 : i32
    %c0_i32_0 = arith.constant 0 : i32
    %c0_i32_1 = arith.constant 0 : i32
    return %c0_i32, %c0_i32_0 : i32, i32
  }
  func.func @transform_8(%arg0: i32) -> (i32, i32) {
    %c0_i32 = arith.constant 0 : i32
    %c0_i32_0 = arith.constant 0 : i32
    %c0_i32_1 = arith.constant 0 : i32
    return %c0_i32, %c0_i32_0 : i32, i32
  }
  func.func @transform_9(%arg0: i32) -> (i32, i32) {
    %c0_i32 = arith.constant 0 : i32
    %c0_i32_0 = arith.constant 0 : i32
    %c0_i32_1 = arith.constant 0 : i32
    return %c0_i32, %c0_i32_0 : i32, i32
  }
  func.func @transform_10(%arg0: i32) -> (i32, i32) {
    %c0_i32 = arith.constant 0 : i32
    %c0_i32_0 = arith.constant 0 : i32
    %c0_i32_1 = arith.constant 0 : i32
    return %c0_i32, %c0_i32_0 : i32, i32
  }
  func.func @transform_11(%arg0: i32) -> (i32, i32) {
    %c0_i32 = arith.constant 0 : i32
    %c0_i32_0 = arith.constant 0 : i32
    %c0_i32_1 = arith.constant 0 : i32
    return %c0_i32, %c0_i32_0 : i32, i32
  }
  func.func @transform_12(%arg0: i32) -> (i32, i32) {
    %c0_i32 = arith.constant 0 : i32
    %c0_i32_0 = arith.constant 0 : i32
    %c0_i32_1 = arith.constant 0 : i32
    return %c0_i32, %c0_i32_0 : i32, i32
  }
  func.func @transform_13(%arg0: i32) -> (i32, i32) {
    %c0_i32 = arith.constant 0 : i32
    %c0_i32_0 = arith.constant 0 : i32
    %c0_i32_1 = arith.constant 0 : i32
    return %c0_i32, %c0_i32_0 : i32, i32
  }
  func.func @transform_14(%arg0: i32) -> (i32, i32) {
    %c0_i32 = arith.constant 0 : i32
    %c0_i32_0 = arith.constant 0 : i32
    return %arg0, %c0_i32 : i32, i32
  }
}

module attributes {stable_mosaic.version = 14 : i64} {
  func.func @_repack_body(%arg0: i32, %arg1: memref<16x8192xf32, #tpu.memory_space<vmem>>, %arg2: memref<16x8192xf32, #tpu.memory_space<vmem>>, %arg3: memref<16x8192xf32, #tpu.memory_space<vmem>>, %arg4: memref<32x8192xf32, #tpu.memory_space<vmem>>, %arg5: memref<32x8192xf32, #tpu.memory_space<vmem>>, %arg6: memref<32x8192xf32, #tpu.memory_space<vmem>>, %arg7: memref<32x8192xf32, #tpu.memory_space<vmem>>, %arg8: memref<32x8192xf32, #tpu.memory_space<vmem>>, %arg9: memref<32x8192xf32, #tpu.memory_space<vmem>>, %arg10: memref<32x2048xf32, #tpu.memory_space<vmem>>, %arg11: memref<32x2048xf32, #tpu.memory_space<vmem>>, %arg12: memref<32x2048xf32, #tpu.memory_space<vmem>>, %arg13: memref<32x2048xf32, #tpu.memory_space<vmem>>, %arg14: memref<8192x128xi32, #tpu.memory_space<vmem>>, %arg15: memref<2048x128xf32, #tpu.memory_space<vmem>>) attributes {dimension_semantics = [#tpu.dimension_semantics<arbitrary>], iteration_bounds = array<i64: 13>, scalar_prefetch = 0 : i64, scratch_operands = 0 : i64, tpu.core_type = #tpu.core_type<tc>, window_params = [{transform_indices = @transform_0, window_bounds = array<i64: 16, 8192>}, {transform_indices = @transform_1, window_bounds = array<i64: 16, 8192>}, {transform_indices = @transform_2, window_bounds = array<i64: 16, 8192>}, {transform_indices = @transform_3, window_bounds = array<i64: 32, 8192>}, {transform_indices = @transform_4, window_bounds = array<i64: 32, 8192>}, {transform_indices = @transform_5, window_bounds = array<i64: 32, 8192>}, {transform_indices = @transform_6, window_bounds = array<i64: 32, 8192>}, {transform_indices = @transform_7, window_bounds = array<i64: 32, 8192>}, {transform_indices = @transform_8, window_bounds = array<i64: 32, 8192>}, {transform_indices = @transform_9, window_bounds = array<i64: 32, 2048>}, {transform_indices = @transform_10, window_bounds = array<i64: 32, 2048>}, {transform_indices = @transform_11, window_bounds = array<i64: 32, 2048>}, {transform_indices = @transform_12, window_bounds = array<i64: 32, 2048>}, {transform_indices = @transform_13, window_bounds = array<i64: 8192, 128>}, {transform_indices = @transform_14, window_bounds = array<i64: 2048, 128>}]} {
    %get3A = arith.constant 0 : index
    %get3A_0 = arith.constant 0 : index
    %get3A_1 = vector.load %arg2[%get3A, %get3A_0] : memref<16x8192xf32, #tpu.memory_space<vmem>>, vector<16x8192xf32>
    %bitcast_convert_type3A = tpu.bitcast %get3A_1 : vector<16x8192xf32> -> vector<16x8192xi32>
    %shift_right_logical3A = arith.constant 16 : i32
    %shift_right_logical3A_2 = vector.broadcast %shift_right_logical3A : i32 to vector<16x8192xi32>
    %shift_right_logical3A_3 = arith.shrui %bitcast_convert_type3A, %shift_right_logical3A_2 : vector<16x8192xi32>
    %get3A_4 = arith.constant 0 : index
    %get3A_5 = arith.constant 0 : index
    %get3A_6 = vector.load %arg4[%get3A_4, %get3A_5] : memref<32x8192xf32, #tpu.memory_space<vmem>>, vector<32x8192xf32>
    %bitcast_convert_type3A_7 = tpu.bitcast %get3A_6 : vector<32x8192xf32> -> vector<32x8192xi32>
    %get3A_8 = arith.constant 0 : index
    %get3A_9 = arith.constant 0 : index
    %get3A_10 = vector.load %arg5[%get3A_8, %get3A_9] : memref<32x8192xf32, #tpu.memory_space<vmem>>, vector<32x8192xf32>
    %bitcast_convert_type3A_11 = tpu.bitcast %get3A_10 : vector<32x8192xf32> -> vector<32x8192xi32>
    %shift_right_logical3A_12 = arith.constant 16 : i32
    %shift_right_logical3A_13 = vector.broadcast %shift_right_logical3A_12 : i32 to vector<32x8192xi32>
    %shift_right_logical3A_14 = arith.shrui %bitcast_convert_type3A_7, %shift_right_logical3A_13 : vector<32x8192xi32>
    %and3A = arith.constant -65536 : i32
    %and3A_15 = vector.broadcast %and3A : i32 to vector<32x8192xi32>
    %and3A_16 = arith.andi %bitcast_convert_type3A_11, %and3A_15 : vector<32x8192xi32>
    %or3A = arith.ori %shift_right_logical3A_14, %and3A_16 : vector<32x8192xi32>
    %get3A_17 = arith.constant 0 : index
    %get3A_18 = arith.constant 0 : index
    %get3A_19 = vector.load %arg6[%get3A_17, %get3A_18] : memref<32x8192xf32, #tpu.memory_space<vmem>>, vector<32x8192xf32>
    %bitcast_convert_type3A_20 = tpu.bitcast %get3A_19 : vector<32x8192xf32> -> vector<32x8192xi32>
    %get3A_21 = arith.constant 0 : index
    %get3A_22 = arith.constant 0 : index
    %get3A_23 = vector.load %arg7[%get3A_21, %get3A_22] : memref<32x8192xf32, #tpu.memory_space<vmem>>, vector<32x8192xf32>
    %bitcast_convert_type3A_24 = tpu.bitcast %get3A_23 : vector<32x8192xf32> -> vector<32x8192xi32>
    %shift_right_logical3A_25 = arith.constant 16 : i32
    %shift_right_logical3A_26 = vector.broadcast %shift_right_logical3A_25 : i32 to vector<32x8192xi32>
    %shift_right_logical3A_27 = arith.shrui %bitcast_convert_type3A_20, %shift_right_logical3A_26 : vector<32x8192xi32>
    %and3A_28 = arith.constant -65536 : i32
    %and3A_29 = vector.broadcast %and3A_28 : i32 to vector<32x8192xi32>
    %and3A_30 = arith.andi %bitcast_convert_type3A_24, %and3A_29 : vector<32x8192xi32>
    %or3A_31 = arith.ori %shift_right_logical3A_27, %and3A_30 : vector<32x8192xi32>
    %get3A_32 = arith.constant 0 : index
    %get3A_33 = arith.constant 0 : index
    %get3A_34 = vector.load %arg8[%get3A_32, %get3A_33] : memref<32x8192xf32, #tpu.memory_space<vmem>>, vector<32x8192xf32>
    %bitcast_convert_type3A_35 = tpu.bitcast %get3A_34 : vector<32x8192xf32> -> vector<32x8192xi32>
    %get3A_36 = arith.constant 0 : index
    %get3A_37 = arith.constant 0 : index
    %get3A_38 = vector.load %arg9[%get3A_36, %get3A_37] : memref<32x8192xf32, #tpu.memory_space<vmem>>, vector<32x8192xf32>
    %bitcast_convert_type3A_39 = tpu.bitcast %get3A_38 : vector<32x8192xf32> -> vector<32x8192xi32>
    %shift_right_logical3A_40 = arith.constant 16 : i32
    %shift_right_logical3A_41 = vector.broadcast %shift_right_logical3A_40 : i32 to vector<32x8192xi32>
    %shift_right_logical3A_42 = arith.shrui %bitcast_convert_type3A_35, %shift_right_logical3A_41 : vector<32x8192xi32>
    %and3A_43 = arith.constant -65536 : i32
    %and3A_44 = vector.broadcast %and3A_43 : i32 to vector<32x8192xi32>
    %and3A_45 = arith.andi %bitcast_convert_type3A_39, %and3A_44 : vector<32x8192xi32>
    %or3A_46 = arith.ori %shift_right_logical3A_42, %and3A_45 : vector<32x8192xi32>
    %get3A_47 = arith.constant 0 : index
    %get3A_48 = arith.constant 0 : index
    %get3A_49 = vector.load %arg1[%get3A_47, %get3A_48] : memref<16x8192xf32, #tpu.memory_space<vmem>>, vector<16x8192xf32>
    %bitcast_convert_type3A_50 = tpu.bitcast %get3A_49 : vector<16x8192xf32> -> vector<16x8192xi32>
    %get3A_51 = arith.constant 0 : index
    %get3A_52 = arith.constant 0 : index
    %get3A_53 = vector.load %arg3[%get3A_51, %get3A_52] : memref<16x8192xf32, #tpu.memory_space<vmem>>, vector<16x8192xf32>
    %bitcast_convert_type3A_54 = tpu.bitcast %get3A_53 : vector<16x8192xf32> -> vector<16x8192xi32>
    %shift_right_logical3A_55 = arith.constant 16 : i32
    %shift_right_logical3A_56 = vector.broadcast %shift_right_logical3A_55 : i32 to vector<16x8192xi32>
    %shift_right_logical3A_57 = arith.shrui %bitcast_convert_type3A_50, %shift_right_logical3A_56 : vector<16x8192xi32>
    %and3A_58 = arith.constant -65536 : i32
    %and3A_59 = vector.broadcast %and3A_58 : i32 to vector<16x8192xi32>
    %and3A_60 = arith.andi %bitcast_convert_type3A_54, %and3A_59 : vector<16x8192xi32>
    %or3A_61 = arith.ori %shift_right_logical3A_57, %and3A_60 : vector<16x8192xi32>
    %concatenate3A = tpu.concatenate %or3A, %or3A_31, %or3A_46, %or3A_61, %shift_right_logical3A_3 in 0 : vector<32x8192xi32>, vector<32x8192xi32>, vector<32x8192xi32>, vector<16x8192xi32>, vector<16x8192xi32> -> vector<128x8192xi32>
    %bitcast_convert_type3A_62 = tpu.bitcast %concatenate3A : vector<128x8192xi32> -> vector<128x8192xi32>
    %transpose3A = tpu.transpose %bitcast_convert_type3A_62, [1, 0] : vector<128x8192xi32> -> vector<8192x128xi32>
    %swap3A = arith.constant 0 : index
    %swap3A_63 = arith.constant 0 : index
    %swap3A_64 = vector.load %arg14[%swap3A, %swap3A_63] : memref<8192x128xi32, #tpu.memory_space<vmem>>, vector<8192x128xi32>
    tpu.vector_store %arg14[%swap3A, %swap3A_63], %transpose3A {strides = array<i32>} : memref<8192x128xi32, #tpu.memory_space<vmem>>, vector<8192x128xi32>,
    %get3A_65 = arith.constant 0 : index
    %get3A_66 = arith.constant 0 : index
    %get3A_67 = vector.load %arg10[%get3A_65, %get3A_66] : memref<32x2048xf32, #tpu.memory_space<vmem>>, vector<32x2048xf32>
    %get3A_68 = arith.constant 0 : index
    %get3A_69 = arith.constant 0 : index
    %get3A_70 = vector.load %arg11[%get3A_68, %get3A_69] : memref<32x2048xf32, #tpu.memory_space<vmem>>, vector<32x2048xf32>
    %get3A_71 = arith.constant 0 : index
    %get3A_72 = arith.constant 0 : index
    %get3A_73 = vector.load %arg12[%get3A_71, %get3A_72] : memref<32x2048xf32, #tpu.memory_space<vmem>>, vector<32x2048xf32>
    %get3A_74 = arith.constant 0 : index
    %get3A_75 = arith.constant 0 : index
    %get3A_76 = vector.load %arg13[%get3A_74, %get3A_75] : memref<32x2048xf32, #tpu.memory_space<vmem>>, vector<32x2048xf32>
    %concatenate3A_77 = tpu.concatenate %get3A_67, %get3A_70, %get3A_73, %get3A_76 in 0 : vector<32x2048xf32>, vector<32x2048xf32>, vector<32x2048xf32>, vector<32x2048xf32> -> vector<128x2048xf32>
    %transpose3A_78 = tpu.transpose %concatenate3A_77, [1, 0] : vector<128x2048xf32> -> vector<2048x128xf32>
    %swap3A_79 = arith.constant 0 : index
    %swap3A_80 = arith.constant 0 : index
    %swap3A_81 = vector.load %arg15[%swap3A_79, %swap3A_80] : memref<2048x128xf32, #tpu.memory_space<vmem>>, vector<2048x128xf32>
    tpu.vector_store %arg15[%swap3A_79, %swap3A_80], %transpose3A_78 {strides = array<i32>} : memref<2048x128xf32, #tpu.memory_space<vmem>>, vector<2048x128xf32>,
    return
  }
  func.func @transform_0(%arg0: i32) -> (i32, i32) {
    %min3A = arith.constant 12 : i32
    %min3A_0 = arith.minsi %arg0, %min3A : i32
    %c0_i32 = arith.constant 0 : i32
    %c0_i32_1 = arith.constant 0 : i32
    return %c0_i32, %min3A_0 : i32, i32
  }
  func.func @transform_1(%arg0: i32) -> (i32, i32) {
    %min3A = arith.constant 12 : i32
    %min3A_0 = arith.minsi %arg0, %min3A : i32
    %c0_i32 = arith.constant 0 : i32
    %c0_i32_1 = arith.constant 0 : i32
    return %c0_i32, %min3A_0 : i32, i32
  }
  func.func @transform_2(%arg0: i32) -> (i32, i32) {
    %min3A = arith.constant 12 : i32
    %min3A_0 = arith.minsi %arg0, %min3A : i32
    %c0_i32 = arith.constant 0 : i32
    %c0_i32_1 = arith.constant 0 : i32
    return %c0_i32, %min3A_0 : i32, i32
  }
  func.func @transform_3(%arg0: i32) -> (i32, i32) {
    %min3A = arith.constant 12 : i32
    %min3A_0 = arith.minsi %arg0, %min3A : i32
    %c0_i32 = arith.constant 0 : i32
    %c0_i32_1 = arith.constant 0 : i32
    return %c0_i32, %min3A_0 : i32, i32
  }
  func.func @transform_4(%arg0: i32) -> (i32, i32) {
    %min3A = arith.constant 12 : i32
    %min3A_0 = arith.minsi %arg0, %min3A : i32
    %c0_i32 = arith.constant 0 : i32
    %c0_i32_1 = arith.constant 0 : i32
    return %c0_i32, %min3A_0 : i32, i32
  }
  func.func @transform_5(%arg0: i32) -> (i32, i32) {
    %min3A = arith.constant 12 : i32
    %min3A_0 = arith.minsi %arg0, %min3A : i32
    %c0_i32 = arith.constant 0 : i32
    %c0_i32_1 = arith.constant 0 : i32
    return %c0_i32, %min3A_0 : i32, i32
  }
  func.func @transform_6(%arg0: i32) -> (i32, i32) {
    %min3A = arith.constant 12 : i32
    %min3A_0 = arith.minsi %arg0, %min3A : i32
    %c0_i32 = arith.constant 0 : i32
    %c0_i32_1 = arith.constant 0 : i32
    return %c0_i32, %min3A_0 : i32, i32
  }
  func.func @transform_7(%arg0: i32) -> (i32, i32) {
    %min3A = arith.constant 12 : i32
    %min3A_0 = arith.minsi %arg0, %min3A : i32
    %c0_i32 = arith.constant 0 : i32
    %c0_i32_1 = arith.constant 0 : i32
    return %c0_i32, %min3A_0 : i32, i32
  }
  func.func @transform_8(%arg0: i32) -> (i32, i32) {
    %min3A = arith.constant 12 : i32
    %min3A_0 = arith.minsi %arg0, %min3A : i32
    %c0_i32 = arith.constant 0 : i32
    %c0_i32_1 = arith.constant 0 : i32
    return %c0_i32, %min3A_0 : i32, i32
  }
  func.func @transform_9(%arg0: i32) -> (i32, i32) {
    %add3A = arith.constant 0 : i32
    %add3A_0 = arith.addi %add3A, %arg0 : i32
    %min3A = arith.constant 48 : i32
    %min3A_1 = arith.minsi %add3A_0, %min3A : i32
    %c0_i32 = arith.constant 0 : i32
    %c0_i32_2 = arith.constant 0 : i32
    return %c0_i32, %min3A_1 : i32, i32
  }
  func.func @transform_10(%arg0: i32) -> (i32, i32) {
    %add3A = arith.constant 13 : i32
    %add3A_0 = arith.addi %add3A, %arg0 : i32
    %min3A = arith.constant 48 : i32
    %min3A_1 = arith.minsi %add3A_0, %min3A : i32
    %c0_i32 = arith.constant 0 : i32
    %c0_i32_2 = arith.constant 0 : i32
    return %c0_i32, %min3A_1 : i32, i32
  }
  func.func @transform_11(%arg0: i32) -> (i32, i32) {
    %add3A = arith.constant 26 : i32
    %add3A_0 = arith.addi %add3A, %arg0 : i32
    %min3A = arith.constant 48 : i32
    %min3A_1 = arith.minsi %add3A_0, %min3A : i32
    %c0_i32 = arith.constant 0 : i32
    %c0_i32_2 = arith.constant 0 : i32
    return %c0_i32, %min3A_1 : i32, i32
  }
  func.func @transform_12(%arg0: i32) -> (i32, i32) {
    %add3A = arith.constant 39 : i32
    %add3A_0 = arith.addi %add3A, %arg0 : i32
    %min3A = arith.constant 48 : i32
    %min3A_1 = arith.minsi %add3A_0, %min3A : i32
    %c0_i32 = arith.constant 0 : i32
    %c0_i32_2 = arith.constant 0 : i32
    return %c0_i32, %min3A_1 : i32, i32
  }
  func.func @transform_13(%arg0: i32) -> (i32, i32) {
    %c0_i32 = arith.constant 0 : i32
    %c0_i32_0 = arith.constant 0 : i32
    return %arg0, %c0_i32 : i32, i32
  }
  func.func @transform_14(%arg0: i32) -> (i32, i32) {
    %c0_i32 = arith.constant 0 : i32
    %c0_i32_0 = arith.constant 0 : i32
    return %arg0, %c0_i32 : i32, i32
  }
}

</mosaic_0001>

<sc_bundles>
// kernel: kernel.5.cloned.1.call-start
scs
__scs_entry_jumppad:
0x0: {  	(pc) =	sbr.rel $0x88, $3  }
0x1: {  	(tag) =	ssettag $0x0;
	lr =	simm.s32 $0x1  }
0x2: {  	[smem:$0x3F8B] =	sst lr;
	_ =	strace $0xD0000000  }
0x3: {  	_ = 	snop  }
0x4: {  	_ = 	snop  }
0x5: {  	_ = 	snop  }
0x6: {  	_ = 	snop  }
0x7: {  	_ = 	snop  }
__scs_overlays_trampoline_lowered:
0x8: {  	[smem:$0x3F9A] =	sst s0  }
0x9: {  	[smem:$0x3F9B] =	sst s1  }
0xa: {  	[smem:$0x3F9C] =	sst s2  }
0xb: {  	[smem:$0x3F9D] =	sst s3  }
0xc: {  	[smem:$0x3F9E] =	sst s4  }
0xd: {  	[smem:$0x3F9F] =	sst s5  }
0xe: {  	[smem:$0x3FA0] =	sst s6  }
0xf: {  	[smem:$0x3FA1] =	sst s7  }
0x10: {  	[smem:$0x3FA2] =	sst s8  }
0x11: {  	[smem:$0x3FA3] =	sst s9;
	s0 =	simm.s32 @!p0 $0x0  }
0x12: {  	s1 =	sld [smem:$0x3F89];
	s0 =	simm.s32 @p0 $0x1  }
0x13: {  	[smem:$0x3FA4] =	sst s0;
	s0 =	simm.s32 @!p1 $0x0  }
0x14: {  	s2 =	sld [smem:$0x3F88];
	s0 =	simm.s32 @p1 $0x1  }
0x15: {  	[smem:$0x3FA5] =	sst s0;
	s0 =	simm.s32 @!p2 $0x0  }
0x16: {  	s3 =	sld [smem:$0x3FDB];
	s0 =	simm.s32 @p2 $0x1  }
0x17: {  	s4 =	simm.s32 $0x1BF5;
	[smem:$0x3FA7] =	sst s0  }
0x18: {  	s0 =	sld [smem:$0x3F8A];
	_ =	swait.ge [sflag:s4], $0x0  }
0x19: {  	s7 =	sld [smem:$0x3F8B]  }
0x1a: {  	s8 =	sadd.s32 $0xFFFFE003, lr  }
0x1b: {  	s9 =	sadd.s32 $0xFFFFFEF7, lr;
	s5 =	simm.s32 $0xFFFFFFFF;
	p2 =	slt.u32 s8, $0xFFFFF086  }
0x1c: {  	p1 =	slt.u32 s9, $0xF7A;
	s5 =	simm.s32 @!p2 $0x0  }
0x1d: {  	s5 =	simm.s32 @p1 $0x1;
	p0 =	seq.s32 s7, s2  }
0x1e: {  	s7 =	smul.u32 @!p0 $0xF7A, s2;
	p2 =	seq.s32 @!p0 s5, $0x0  }
0x1f: {  	s9 =	smul.u32 $0xF7A, s1;
	s8 =	simm.s32 @!p0 $0x1BF5;
	p2 =	por !p2, p0  }
0x20: {  	[sflag:s8] =	ssyncset.s32 @!p0 $0xFFFFF086;
	s6 =	sadd.s32 @!p0 s3, s7;
	s7 =	simm.s32 @!p0 $0x108  }
0x21: {  	s3 =	sadd.s32 s3, s9;
	s6 =	sadd.s32 @!p0 $0x88, s6;
	s7 =	simm.s32 @p2 $0x1082  }
0x22: {  	[simem:s7], [sflag:s8] =	dma.local @!p0 [hbm:s6], $0xF7A  }
0x23: {  	s9 =	sor.u32 $0xD0000000, s2;
	s6 =	simm.s32 $0x108;
	_ =	swait.ge @!p0 [sflag:s8], $0x0  }
0x24: {  	s3 =	sadd.s32 $0x88, s3;
	s6 =	simm.s32 @!p1 $0x1082;
	[sflag:s4] =	ssyncset.s32 $0xFFFFF086  }
0x25: {  	[simem:s6], [sflag:s4] =	dma.local [hbm:s3], $0xF7A  }
0x26: {  	[smem:$0x3F8B] =	sst s1;
	(tag) =	ssettag s2;
	_ =	strace s9  }
0x27: {  	s1 =	sld [smem:$0x3F9B]  }
0x28: {  	s2 =	sld [smem:$0x3F9C]  }
0x29: {  	s4 =	sld [smem:$0x3F9E]  }
0x2a: {  	p0 =	seq.s32 s5, $0x0;
	s5 =	sld [smem:$0x3F9F]  }
0x2b: {  	s6 =	sld [smem:$0x3FA0]  }
0x2c: {  	s7 =	sld [smem:$0x3FA1]  }
0x2d: {  	s3 =	simm.s32 $0x108;
	s8 =	sld [smem:$0x3FA2]  }
0x2e: {  	s3 =	simm.s32 @!p0 $0x1082;
	s9 =	sld [smem:$0x3FA3]  }
0x2f: {  	lr =	sadd.s32 s0, s3;
	s0 =	sld [smem:$0x3F9A]  }
0x30: {  	s3 =	sld [smem:$0x3F9D]  }
0x31: {  	[smem:$0x3FA6] =	sst s10  }
0x32: {  	s10 =	sld [smem:$0x3FA4];
	_ =	sdelay $0x3  }
0x33: {  	p0 =	seq.s32 s10, $0x1;
	s10 =	sld [smem:$0x3FA6];
	_ =	sdelay $0x3  }
0x34: {  	[smem:$0x3FA6] =	sst s10  }
0x35: {  	s10 =	sld [smem:$0x3FA5];
	_ =	sdelay $0x3  }
0x36: {  	p1 =	seq.s32 s10, $0x1;
	s10 =	sld [smem:$0x3FA6];
	_ =	sdelay $0x3  }
0x37: {  	[smem:$0x3FA6] =	sst s10  }
0x38: {  	s10 =	sld [smem:$0x3FA7]  }
0x39: {  	_ = 	snop;
	(pc) =	sbr.ind lr, $3  }
0x3a: {  	_ = 	snop  }
0x3b: {  	_ = 	snop  }
0x3c: {  	p2 =	seq.s32 s10, $0x1;
	s10 =	sld [smem:$0x3FA6]  }
0x3d: {  	_ =	shalt  }
0x3e: {  	_ =	shalt  }
0x3f: {  	_ =	shalt  }
0x40: {  	_ =	shalt  }
0x41: {  	_ =	shalt  }
0x42: {  	_ =	shalt  }
0x43: {  	_ =	shalt  }
0x44: {  	_ =	shalt  }
0x45: {  	_ =	shalt  }
0x46: {  	_ =	shalt  }
0x47: {  	_ =	shalt  }
0x48: {  	_ =	shalt  }
0x49: {  	_ =	shalt  }
0x4a: {  	_ =	shalt  }
0x4b: {  	_ =	shalt  }
0x4c: {  	_ =	shalt  }
0x4d: {  	_ =	shalt  }
0x4e: {  	_ =	shalt  }
0x4f: {  	_ =	shalt  }
0x50: {  	_ =	shalt  }
0x51: {  	_ =	shalt  }
0x52: {  	_ =	shalt  }
0x53: {  	_ =	shalt  }
0x54: {  	_ =	shalt  }
0x55: {  	_ =	shalt  }
0x56: {  	_ =	shalt  }
0x57: {  	_ =	shalt  }
0x58: {  	_ =	shalt  }
0x59: {  	_ =	shalt  }
0x5a: {  	_ =	shalt  }
0x5b: {  	_ =	shalt  }
0x5c: {  	_ =	shalt  }
0x5d: {  	_ =	shalt  }
0x5e: {  	_ =	shalt  }
0x5f: {  	_ =	shalt  }
0x60: {  	_ =	shalt  }
0x61: {  	_ =	shalt  }
0x62: {  	_ =	shalt  }
0x63: {  	_ =	shalt  }
0x64: {  	_ =	shalt  }
0x65: {  	_ =	shalt  }
0x66: {  	_ =	shalt  }
0x67: {  	_ =	shalt  }
0x68: {  	_ =	shalt  }
0x69: {  	_ =	shalt  }
0x6a: {  	_ =	shalt  }
0x6b: {  	_ =	shalt  }
0x6c: {  	_ =	shalt  }
0x6d: {  	_ =	shalt  }
0x6e: {  	_ =	shalt  }
0x6f: {  	_ =	shalt  }
0x70: {  	_ =	shalt  }
0x71: {  	_ =	shalt  }
0x72: {  	_ =	shalt  }
0x73: {  	_ =	shalt  }
0x74: {  	_ =	shalt  }
0x75: {  	_ =	shalt  }
0x76: {  	_ =	shalt  }
0x77: {  	_ =	shalt  }
0x78: {  	_ =	shalt  }
0x79: {  	_ =	shalt  }
0x7a: {  	_ =	shalt  }
0x7b: {  	_ =	shalt  }
0x7c: {  	_ =	shalt  }
0x7d: {  	_ =	shalt  }
0x7e: {  	_ =	shalt  }
0x7f: {  	_ =	shalt  }
0x80: {  	_ =	shalt  }
0x81: {  	_ =	shalt  }
0x82: {  	_ =	shalt  }
0x83: {  	_ =	shalt  }
0x84: {  	_ =	shalt  }
0x85: {  	_ =	shalt  }
0x86: {  	_ =	shalt  }
0x87: {  	_ =	shalt  }
.Lfunc_end0:
.L_simem_size_0:
called_computation_lowered:
.L_overlay_start_0:
0x88: {  	s2 =	sld [smem:$0x3FD9]  }
0x89: {  	s3 =	sld [smem:$0x3FFE];
	_ =	sdelay $0x1  }
0x8a: {  	s1 =	srdreg.scid  }
0x8b: {  	s0 =	sand.u32 $0x1, s1  }
0x8c: {  	s17 =	sshll.u32 s0, $0xA;
	s2 =	sadd.s32 s3, s2  }
0x8d: {  	s2 =	sadd.s32 s2, s17  }
0x8e: {  	[smem:$0x3FB2] =	sst s2  }
0x8f: {  	_ = 	snop  }
0x90: {  	s2 =	sld [smem:$0x3FC9]  }
0x91: {  	s18 =	sld [smem:$0x3FC8];
	(tm) =	ssettm $0x1  }
0x92: {  	s4 =	sld [smem:$0x3FFB];
	_ =	sdelay $0x3  }
0x93: {  	_ =	strace s4  }
0x94: {  	s4 =	sld [smem:$0x3FFC];
	_ =	sdelay $0x3  }
0x95: {  	_ =	strace s4  }
0x96: {  	s4 =	sld [smem:$0x3FFD];
	_ =	sdelay $0x3  }
0x97: {  	_ =	strace s4  }
0x98: {  	_ =	strace $0x8FFFFFFF  }
0x99: {  	s19 =	sld [smem:$0x3FDB];
	_ =	sdelay $0x1  }
0x9a: {  	s5 =	simm.s32 $_scs_section_size  }
0x9b: {  	s6 =	simm.s32 $_size__tile_overlayer_lowered;
	s7 =	simm.s32 $_tile_overlayer_lowered  }
0x9c: {  	s22 =	simm.s32 $0x1BFF;
	s21 =	sshll.u32 s7, $0x1;
	s4 =	sadd.s32 s5, s19  }
0x9d: {  	s8 =	simm.s32 $0x0;
	s20 =	sshll.u32 s6, $0x1;
	s6 =	sadd.s32 s21, s4  }
0x9e: {  	[timem:s8], [sflag:s22] =	dma.local [hbm:s6], s20  }
0x9f: {  	_ =	swait.ge [sflag:s22], s20  }
0xa0: {  	s5 =	ssub.s32 $0x0, s20;
	[sflag:s22] =	ssyncset.done $0x0  }
0xa1: {  	[sflag:s22] =	ssyncadd.s32 s5;
	_ =	sdelay $0x1  }
0xa2: {  	s23 =	simm.s32 $0x1B8B  }
0xa3: {  	_ =	swait.ge [sflag:s23], $0x1  }
0xa4: {  	[sflag:s23] =	ssyncset.done $0x0  }
0xa5: {  	s25 =	simm.s32 $0x1B8E;
	s24 =	sld [smem:$0x3FFE];
	[sflag:s23] =	ssyncadd.s32 $0xFFFFFFFF  }
0xa6: {  	s26 =	simm.s32 $execute0_lowered;
	[smem:$0x3FD2] =	sst s25  }
0xa7: {  	s6 =	sshll.u32 s26, $0x1;
	_ =	strace $0x80000046;
	[dreg:$0x1] =	wrdreg $0xFFFFFFFF  }
0xa8: {  	s28 =	simm.s32 $_size_execute0_lowered;
	s4 =	sadd.s32 s4, s6;
	[dreg:$0x0] =	wrdreg $0x0  }
0xa9: {  	s6 =	sshll.u32 s28, $0x1;
	[dreg:$0x2] =	wrdreg s4  }
0xaa: {  	[dreg:$0x3] =	wrdreg s6  }
0xab: {  	[dreg:$0x4] =	wrdreg $0xC0  }
0xac: {  	_ =	task [dreg:s8], $0x5FFFF  }
0xad: {  	[dreg:$0x1] =	wrdreg $0xFFFFFFFF  }
0xae: {  	[dreg:$0x0] =	wrdreg $0x60  }
0xaf: {  	[dreg:$0x2] =	wrdreg s18  }
0xb0: {  	[dreg:$0x3] =	wrdreg s2  }
0xb1: {  	[dreg:$0x4] =	wrdreg s24  }
0xb2: {  	[dreg:$0x5] =	wrdreg $0x9  }
0xb3: {  	_ =	task.clear_ibuf [dreg:s8], $0x6FFFF;
	_ =	strace $0x90000046  }
0xb4: {  	s29 =	simm.s32 $0x9;
	_ =	strace $0x80000048  }
0xb5: {  	_ =	swait.ge [sflag:s29], $0x1  }
0xb6: {  	[sflag:s29] =	ssyncadd.s32 $0xFFFFFFFF  }
0xb7: {  	_ =	strace $0x90000048  }
0xb8: {  	_ =	sfence  }
0xb9: {  	s30 =	sld [smem:$0x0];
	_ =	sdelay $0x2  }
0xba: {  	s31 =	sshll.u32 s1, $0xD;
	s1 =	sshrl.u32 s1, $0x2  }
0xbb: {  	s3 =	sand.u32 $0x4000, s31;
	s1 =	sadd.s32 s1, s30  }
0xbc: {  	s0 =	sor.u32 s3, s0;
	s1 =	sshll.u32 s1, $0x11  }
0xbd: {  	s0 =	sor.u32 s1, s0  }
0xbe: {  	s0 =	sadd.s32 $0x8F2B, s0  }
0xbf: {  	[sflag:s0] =	ssyncadd.remote.s32 $0x1  }
0xc0: {  	_ =	sfence.sel $0xFFFF  }
0xc1: {  	[dreg:$0x0] =	wrdreg $0xFFFFFFFF;
	(pc) =	sbr.abs _section_cstart, $3  }
0xc2: {  	[dreg:$0x1] =	wrdreg $0xFFFFFFFF  }
0xc3: {  	_ =	task.clear_ibuf [dreg:s8], $0x2FFFF;
	_ =	strace $0x9FFFFFFF  }
0xc4: {  	(tm) =	ssettm $0x7FFFFFFF  }
0xc5: {  	_ =	shalt  }
tec
execute0_lowered:
.L_overlay_start_1:
0x0: {  	(tag) =	ssettag $0x1  }
0x1: {  	s5 =	rddreg [dreg:$0x0]  }
0x2: {  	s6 =	rddreg [dreg:$0x1]  }
0x3: {  	s7 =	rddreg [dreg:$0x2]  }
0x4: {  	s0 =	rddreg [dreg:$0x3];
	s1 =	simm.s32 $0x0;
	s8 =	srdreg.scid  }
0x5: {  	s2 =	stileid.u32;
	s17 =	simm.s32 $0x200;
	s18 =	simm.s32 $0x80  }
0x6: {  	s19 =	simm.s32 $0x400;
	s20 =	simm.s32 $0x800;
	s21 =	simm.s32 $0x600  }
0x7: {  	s22 =	simm.s32 $0x4800;
	s23 =	simm.s32 $0x1;
	s24 =	simm.s32 $0x2  }
0x8: {  	s28 =	simm.s32 $0x500;
	s29 =	simm.s32 $0x700;
	s30 =	simm.s32 $0x580  }
0x9: {  	s31 =	simm.s32 $0x780;
	[smem:$0x7FF] =	sst s1;
	s3 =	sadd.s32 $0x2800, s7  }
0xa: {  	s4 =	sadd.s32 $0x1A2800, s7;
	s8 =	sand.u32 $0x1, s8;
	s10 =	sshll.u32 s2, $0xA  }
0xb: {  	s13 =	sadd.s32 $0x20A800, s7;
	s9 =	ssub.s32 $0x2, s8;
	s8 =	sshll.u32 s8, $0x9  }
0xc: {  	s14 =	sadd.s32 $0x24A800, s7;
	s11 =	sshrl.u32 s9, $0x1;
	s8 =	sor.u32 s8, s10  }
0xd: {  	_ =	strace $0x80000047;
	s15 =	ssub.s32 s9, s11;
	s25 =	sshrl.u32 s8, $0x3  }
0xe: {  	s16 =	sshll.u32 s8, $0x4;
	s5 =	sadd.s32 s5, s25;
	s6 =	sadd.s32 s6, s25  }
0xf: {  	s7 =	sadd.s32 s13, s16;
	s8 =	sadd.s32 s14, s16;
	s26 =	sor.u32 $0x800, s16  }
0x10: {  	s12 =	sor.u32 $0x1000, s16;
	s16 =	sor.u32 $0x1800, s16;
	s15 =	smax.u32 s15, $0x1  }
0x11: {  	s25 =	simm.s32 $0x480;
	s9 =	sadd.s32 s13, s26;
	s10 =	sadd.s32 s14, s26  }
0x12: {  	s11 =	sadd.s32 s13, s12;
	s12 =	sadd.s32 s14, s12;
	s13 =	sadd.s32 s13, s16  }
0x13: {  	v0 =	vimm.s32 $0xFFFF9800;
	v1 =	vimm.s32 $0x0;
	s14 =	sadd.s32 s14, s16;
	s16 =	simm.s32 $0x3;
	s26 =	simm.s32 $0x680  }
.LBB2_1:
0x14: {  	[tilespmem:s1], [sflag:$0x3] =	stream.linear.gather [hbm4b:s5+s1], $0x200, $0x38;
	[tilespmem:$0x8800] =	vst v63  }
0x15: {  	_ =	swait.ge [sflag:s16], $0x200  }
0x16: {  	[sflag:s16] =	ssyncset.done $0x0  }
0x17: {  	[sflag:s16] =	ssyncadd.s32 $0xFFFFFE00  }
0x18: {  	[tilespmem:s17], [sflag:$0x3] =	stream.linear.gather [hbm4b:s6+s1], $0x200, $0x38;
	[tilespmem:$0x8800] =	vst v63  }
0x19: {  	_ =	swait.ge [sflag:s16], $0x200  }
0x1a: {  	[sflag:s16] =	ssyncset.done $0x0  }
0x1b: {  	[sflag:s16] =	ssyncadd.s32 $0xFFFFFE00  }
0x1c: {  	v2 =	vld [tilespmem:$0x0]  }
0x1d: {  	v3 =	vld [tilespmem:$0x200]  }
0x1e: {  	v4 =	vld [tilespmem:$0x10]  }
0x1f: {  	v5 =	vld [tilespmem:$0x210]  }
0x20: {  	v50 =	vld [tilespmem:$0x20]  }
0x21: {  	v52 =	vld [tilespmem:$0x220]  }
0x22: {  	v11 =	vld [tilespmem:$0x30]  }
0x23: {  	v56 =	vld [tilespmem:$0x230]  }
0x24: {  	v59 =	vld [tilespmem:$0x40]  }
0x25: {  	v63 =	vld [tilespmem:$0x50]  }
0x26: {  	v24 =	vld [tilespmem:$0x60]  }
0x27: {  	v28 =	vld [tilespmem:$0x70];
	vm0 =	vgt.s32 v2, $0x1869F;
	vm1 =	vgt.s32 v3, $0xCFFF  }
0x28: {  	v32 =	vld [tilespmem:$0x80];
	v6 =	vadd.s32 $0xFFFE7960, v2;
	vm10 =	vlt.s32 v3, $0x6800;
	vm11 =	vgt.s32 v3, $0x137FF  }
0x29: {  	v36 =	vld [tilespmem:$0x90];
	vm12 =	vgt.s32 v4, $0x1869F;
	vm13 =	vgt.s32 v5, $0xCFFF;
	v53 =	vadd.s32 $0xFFFE7960, v4  }
0x2a: {  	v40 =	vld [tilespmem:$0xA0];
	vm14 =	vlt.s32 v5, $0x6800;
	vm15 =	vgt.s32 v5, $0x137FF;
	vm4 =	vgt.s32 v50, $0x1869F  }
0x2b: {  	vm5 =	vgt.s32 v52, $0xCFFF;
	v57 =	vadd.s32 $0xFFFE7960, v50;
	vm6 =	vlt.s32 v52, $0x6800  }
0x2c: {  	vm7 =	vgt.s32 v52, $0x137FF;
	vm8 =	vgt.s32 v11, $0x1869F;
	vm9 =	vgt.s32 v56, $0xCFFF  }
0x2d: {  	v62 =	vadd.s32 $0xFFFE7960, v11;
	v23 =	vadd.s32 $0xFFFE7960, v59;
	v27 =	vadd.s32 $0xFFFE7960, v63  }
0x2e: {  	v31 =	vadd.s32 $0xFFFE7960, v24;
	v35 =	vadd.s32 $0xFFFE7960, v28;
	v39 =	vadd.s32 $0xFFFE7960, v32  }
0x2f: {  	v61 =	vld [tilespmem:$0x240];
	v43 =	vadd.s32 $0xFFFE7960, v36;
	v47 =	vadd.s32 $0xFFFE7960, v40;
	v7 =	vsel vm1, $0xFFFF9800, v1  }
0x30: {  	v22 =	vld [tilespmem:$0x250];
	v8 =	vsel vm10, $0x0, v0;
	v2 =	vsel vm0, v6, v2;
	v51 =	vsel vm11, $0xFFFF9800, v1  }
0x31: {  	v26 =	vld [tilespmem:$0x260];
	v9 =	vsel vm13, $0xFFFF9800, v1;
	v10 =	vsel vm14, $0x0, v0;
	v54 =	vsel vm15, $0xFFFF9800, v1  }
0x32: {  	v58 =	vsel vm5, $0xFFFF9800, v1;
	v12 =	vsel vm6, $0x0, v0;
	v60 =	vsel vm7, $0xFFFF9800, v1  }
0x33: {  	v13 =	vsel vm9, $0xFFFF9800, v1;
	vm10 =	vlt.s32 v56, $0x6800;
	vm11 =	vgt.s32 v56, $0x137FF  }
0x34: {  	vm13 =	vgt.s32 v61, $0xCFFF;
	vm14 =	vlt.s32 v61, $0x6800;
	vm15 =	vgt.s32 v61, $0x137FF  }
0x35: {  	vm5 =	vgt.s32 v22, $0xCFFF;
	vm6 =	vlt.s32 v22, $0x6800;
	vm7 =	vgt.s32 v22, $0x137FF  }
0x36: {  	vm9 =	vgt.s32 v26, $0xCFFF;
	v3 =	vadd.s32 v3, v7;
	v9 =	vadd.s32 v5, v9  }
0x37: {  	v30 =	vld [tilespmem:$0x270];
	v5 =	vsel vm12, v53, v4;
	v7 =	vsel vm4, v57, v50;
	v14 =	vsel vm10, $0x0, v0  }
0x38: {  	v34 =	vld [tilespmem:$0x280];
	v21 =	vsel vm11, $0xFFFF9800, v1;
	vm12 =	vgt.s32 v59, $0x1869F;
	v15 =	vsel vm13, $0xFFFF9800, v1  }
0x39: {  	v38 =	vld [tilespmem:$0x290];
	v16 =	vsel vm14, $0x0, v0;
	v25 =	vsel vm15, $0xFFFF9800, v1;
	vm4 =	vgt.s32 v63, $0x1869F  }
0x3a: {  	v17 =	vsel vm5, $0xFFFF9800, v1;
	v18 =	vsel vm6, $0x0, v0;
	v29 =	vsel vm7, $0xFFFF9800, v1  }
0x3b: {  	v19 =	vsel vm9, $0xFFFF9800, v1;
	vm10 =	vlt.s32 v26, $0x6800;
	vm11 =	vgt.s32 v26, $0x137FF  }
0x3c: {  	vm13 =	vgt.s32 v30, $0xCFFF;
	vm14 =	vlt.s32 v30, $0x6800;
	vm15 =	vgt.s32 v30, $0x137FF  }
0x3d: {  	v42 =	vld [tilespmem:$0x2A0];
	vm5 =	vgt.s32 v34, $0xCFFF;
	vm6 =	vlt.s32 v34, $0x6800;
	vm7 =	vgt.s32 v34, $0x137FF  }
0x3e: {  	v46 =	vld [tilespmem:$0x2B0];
	vm9 =	vgt.s32 v38, $0xCFFF;
	v3 =	vadd.s32 v8, v3;
	v55 =	vadd.s32 v10, v9  }
0x3f: {  	v8 =	vadd.s32 v52, v58;
	v9 =	vadd.s32 v56, v13;
	v10 =	vsel vm12, v23, v59  }
0x40: {  	v13 =	vsel vm4, v27, v63;
	v20 =	vsel vm10, $0x0, v0;
	v33 =	vsel vm11, $0xFFFF9800, v1  }
0x41: {  	vm12 =	vgt.s32 v28, $0x1869F;
	v37 =	vsel vm15, $0xFFFF9800, v1;
	vm4 =	vgt.s32 v32, $0x1869F  }
0x42: {  	v44 =	vld [tilespmem:$0xB0];
	v23 =	vsel vm5, $0xFFFF9800, v1;
	v41 =	vsel vm7, $0xFFFF9800, v1;
	vm10 =	vlt.s32 v38, $0x6800  }
0x43: {  	v48 =	vld [tilespmem:$0xC0];
	vm11 =	vgt.s32 v38, $0x137FF;
	vm15 =	vgt.s32 v42, $0x137FF;
	vm5 =	vgt.s32 v46, $0xCFFF  }
0x44: {  	vm7 =	vgt.s32 v46, $0x137FF;
	v3 =	vadd.s32 v51, v3;
	v4 =	vadd.s32 v54, v55  }
0x45: {  	v8 =	vadd.s32 v12, v8;
	v9 =	vadd.s32 v14, v9;
	v12 =	vadd.s32 v61, v15  }
0x46: {  	v14 =	vadd.s32 v22, v17;
	v22 =	vsel vm14, $0x0, v0;
	v45 =	vsel vm11, $0xFFFF9800, v1  }
0x47: {  	vm14 =	vlt.s32 v42, $0x6800;
	v49 =	vsel vm15, $0xFFFF9800, v1;
	v51 =	vadd.s32 $0xFFFE7960, v44  }
0x48: {  	v53 =	vsel vm7, $0xFFFF9800, v1;
	v55 =	vadd.s32 $0xFFFE7960, v48;
	v6 =	vadd.s32 v60, v8  }
0x49: {  	v8 =	vsel vm8, v62, v11;
	v9 =	vadd.s32 v21, v9;
	v12 =	vadd.s32 v16, v12  }
0x4a: {  	v14 =	vadd.s32 v18, v14;
	vm8 =	vgt.s32 v24, $0x1869F;
	v16 =	vadd.s32 v26, v19  }
0x4b: {  	v21 =	vsel vm13, $0xFFFF9800, v1;
	v26 =	vsel vm10, $0x0, v0;
	vm13 =	vgt.s32 v42, $0xCFFF  }
0x4c: {  	v11 =	vadd.s32 v25, v12;
	v12 =	vadd.s32 v29, v14;
	v15 =	vsel vm8, v31, v24  }
0x4d: {  	v16 =	vadd.s32 v20, v16;
	v18 =	vadd.s32 v30, v21;
	v24 =	vsel vm6, $0x0, v0  }
0x4e: {  	v50 =	vld [tilespmem:$0x2C0];
	v20 =	vadd.s32 v34, v23;
	vm8 =	vgt.s32 v36, $0x1869F;
	v25 =	vsel vm9, $0xFFFF9800, v1  }
0x4f: {  	v27 =	vsel vm13, $0xFFFF9800, v1;
	v29 =	vsel vm5, $0xFFFF9800, v1;
	vm6 =	vlt.s32 v46, $0x6800  }
0x50: {  	v14 =	vadd.s32 v33, v16;
	v16 =	vsel vm12, v35, v28;
	v18 =	vadd.s32 v22, v18  }
0x51: {  	v20 =	vadd.s32 v24, v20;
	v22 =	vadd.s32 v38, v25;
	v21 =	vsel vm8, v43, v36  }
0x52: {  	v52 =	vld [tilespmem:$0xD0];
	vm12 =	vgt.s32 v40, $0x1869F;
	v28 =	vsel vm14, $0x0, v0;
	v24 =	vadd.s32 v42, v27  }
0x53: {  	v56 =	vld [tilespmem:$0xE0];
	v30 =	vsel vm6, $0x0, v0;
	vm8 =	vgt.s32 v48, $0x1869F;
	vm9 =	vgt.s32 v50, $0xCFFF  }
0x54: {  	v58 =	vld [tilespmem:$0x2E0];
	vm10 =	vlt.s32 v50, $0x6800;
	vm11 =	vgt.s32 v50, $0x137FF;
	v17 =	vadd.s32 v37, v18  }
0x55: {  	v18 =	vsel vm4, v39, v32;
	v19 =	vadd.s32 v41, v20;
	v22 =	vadd.s32 v26, v22  }
0x56: {  	v23 =	vsel vm12, v47, v40;
	v24 =	vadd.s32 v28, v24;
	vm4 =	vgt.s32 v44, $0x1869F  }
0x57: {  	v54 =	vld [tilespmem:$0x2D0];
	v26 =	vadd.s32 v46, v29;
	v31 =	vsel vm9, $0xFFFF9800, v1;
	v32 =	vsel vm10, $0x0, v0  }
0x58: {  	v57 =	vsel vm11, $0xFFFF9800, v1;
	vm12 =	vgt.s32 v52, $0x1869F;
	v59 =	vadd.s32 $0xFFFE7960, v52  }
0x59: {  	vm5 =	vgt.s32 v58, $0xCFFF;
	v63 =	vadd.s32 $0xFFFE7960, v56;
	vm6 =	vlt.s32 v58, $0x6800  }
0x5a: {  	vm7 =	vgt.s32 v58, $0x137FF;
	v20 =	vadd.s32 v45, v22;
	v22 =	vadd.s32 v49, v24  }
0x5b: {  	v60 =	vld [tilespmem:$0xF0];
	v24 =	vsel vm4, v51, v44;
	v26 =	vadd.s32 v30, v26;
	v28 =	vadd.s32 v50, v31  }
0x5c: {  	v62 =	vld [tilespmem:$0x2F0];
	vm13 =	vgt.s32 v54, $0xCFFF;
	vm14 =	vlt.s32 v54, $0x6800;
	vm15 =	vgt.s32 v54, $0x137FF  }
0x5d: {  	v29 =	vsel vm12, v59, v52;
	vm4 =	vgt.s32 v56, $0x1869F;
	v35 =	vsel vm5, $0xFFFF9800, v1  }
0x5e: {  	v36 =	vsel vm6, $0x0, v0;
	v39 =	vsel vm7, $0xFFFF9800, v1;
	v25 =	vadd.s32 v53, v26  }
0x5f: {  	v26 =	vsel vm8, v55, v48;
	v28 =	vadd.s32 v32, v28;
	v33 =	vsel vm13, $0xFFFF9800, v1  }
0x60: {  	v34 =	vsel vm14, $0x0, v0;
	v61 =	vsel vm15, $0xFFFF9800, v1;
	v32 =	vadd.s32 v58, v35  }
0x61: {  	v43 =	vld [tilespmem:$0x110];
	v31 =	vsel vm4, v63, v56;
	vm8 =	vgt.s32 v60, $0x1869F;
	vm9 =	vgt.s32 v62, $0xCFFF  }
0x62: {  	v40 =	vld [tilespmem:$0x100];
	v42 =	vadd.s32 $0xFFFE7960, v60;
	vm10 =	vlt.s32 v62, $0x6800;
	vm11 =	vgt.s32 v62, $0x137FF  }
0x63: {  	v41 =	vld [tilespmem:$0x300];
	v27 =	vadd.s32 v57, v28;
	v30 =	vadd.s32 v54, v33;
	v32 =	vadd.s32 v36, v32  }
0x64: {  	v37 =	vsel vm9, $0xFFFF9800, v1;
	v38 =	vsel vm10, $0x0, v0;
	v33 =	vsel vm8, v42, v60  }
0x65: {  	v45 =	vld [tilespmem:$0x310];
	v44 =	vsel vm11, $0xFFFF9800, v1;
	v30 =	vadd.s32 v34, v30;
	v34 =	vadd.s32 v62, v37  }
0x66: {  	v50 =	vld [tilespmem:$0x320];
	vm4 =	vgt.s32 v43, $0x1869F;
	v28 =	vadd.s32 v61, v30;
	v30 =	vadd.s32 v39, v32  }
0x67: {  	v59 =	vld [tilespmem:$0x140];
	v34 =	vadd.s32 v38, v34;
	vm12 =	vgt.s32 v40, $0x1869F;
	v46 =	vadd.s32 $0xFFFE7960, v40  }
0x68: {  	vm13 =	vlt.s32 v41, $0x6800;
	vm14 =	vgt.s32 v41, $0xCFFF;
	vm15 =	vgt.s32 v41, $0x137FF  }
0x69: {  	[tilespmem:$0x400] =	vst v2;
	v48 =	vld [tilespmem:$0x120];
	v34 =	vadd.s32 v44, v34;
	v32 =	vsel vm12, v46, v40;
	v47 =	vsel vm13, $0x0, v0  }
0x6a: {  	[tilespmem:$0x410] =	vst v5;
	v53 =	vld [tilespmem:$0x130];
	v2 =	vsel vm14, $0xFFFF9800, v1;
	v49 =	vsel vm15, $0xFFFF9800, v1;
	vm5 =	vgt.s32 v45, $0xCFFF  }
0x6b: {  	[tilespmem:$0x420] =	vst v7;
	v35 =	vld [tilespmem:$0x150];
	vm6 =	vlt.s32 v45, $0x6800;
	vm7 =	vgt.s32 v45, $0x137FF;
	vm9 =	vlt.s32 v50, $0x6800  }
0x6c: {  	[tilespmem:$0x440] =	vst v10;
	vm10 =	vgt.s32 v50, $0xCFFF;
	vm11 =	vgt.s32 v50, $0x137FF;
	v38 =	vadd.s32 $0xFFFE7960, v59  }
0x6d: {  	[tilespmem:$0x600] =	vst v3;
	v54 =	vld [tilespmem:$0x330];
	v3 =	vadd.s32 v41, v2;
	v2 =	vadd.s32 $0xFFFE7960, v43;
	v51 =	vsel vm5, $0xFFFF9800, v1  }
0x6e: {  	[tilespmem:$0x450] =	vst v13;
	v52 =	vsel vm6, $0x0, v0;
	vm8 =	vgt.s32 v48, $0x1869F;
	v55 =	vadd.s32 $0xFFFE7960, v48  }
0x6f: {  	[tilespmem:$0x610] =	vst v4;
	v42 =	vld [tilespmem:$0x160];
	v56 =	vsel vm9, $0x0, v0;
	v57 =	vsel vm10, $0xFFFF9800, v1;
	vm12 =	vgt.s32 v53, $0x1869F  }
0x70: {  	[tilespmem:$0x620] =	vst v6;
	v58 =	vadd.s32 $0xFFFE7960, v53;
	v60 =	vsel vm11, $0xFFFF9800, v1;
	v41 =	vadd.s32 $0xFFFE7960, v35  }
0x71: {  	[tilespmem:$0x430] =	vst v8;
	v2 =	vsel vm4, v2, v43;
	v3 =	vadd.s32 v47, v3;
	v4 =	vadd.s32 v45, v51  }
0x72: {  	[tilespmem:$0x630] =	vst v9;
	v37 =	vld [tilespmem:$0x350];
	v8 =	vadd.s32 v50, v57;
	v9 =	vsel vm12, v58, v53;
	vm13 =	vgt.s32 v54, $0xCFFF  }
0x73: {  	[tilespmem:$0x6C0] =	vst v27;
	v27 =	vld [tilespmem:$0x1A0];
	vm14 =	vlt.s32 v54, $0x6800;
	vm15 =	vgt.s32 v54, $0x137FF;
	vm4 =	vgt.s32 v59, $0x1869F  }
0x74: {  	[tilespmem:$0x640] =	vst v11;
	vm12 =	vgt.s32 v42, $0x1869F;
	v50 =	vadd.s32 $0xFFFE7960, v42;
	v5 =	vadd.s32 v49, v3  }
0x75: {  	[tilespmem:$0x650] =	vst v12;
	v61 =	vld [tilespmem:$0x340];
	v3 =	vsel vm7, $0xFFFF9800, v1;
	v4 =	vadd.s32 v52, v4;
	v7 =	vadd.s32 v56, v8  }
0x76: {  	[tilespmem:$0x460] =	vst v15;
	v62 =	vsel vm13, $0xFFFF9800, v1;
	v63 =	vsel vm14, $0x0, v0;
	v36 =	vsel vm15, $0xFFFF9800, v1  }
0x77: {  	[tilespmem:$0x660] =	vst v14;
	v10 =	vsel vm4, v38, v59;
	vm9 =	vgt.s32 v37, $0xCFFF;
	vm10 =	vlt.s32 v37, $0x6800  }
0x78: {  	[tilespmem:$0x4F0] =	vst v33;
	vm11 =	vgt.s32 v37, $0x137FF;
	v15 =	vsel vm12, v50, v42;
	v33 =	vadd.s32 $0xFFFE7960, v27  }
0x79: {  	[tilespmem:$0x470] =	vst v16;
	v44 =	vld [tilespmem:$0x360];
	v3 =	vadd.s32 v3, v4;
	v4 =	vsel vm8, v55, v48;
	v6 =	vadd.s32 v54, v62  }
0x7a: {  	[tilespmem:$0x490] =	vst v21;
	v7 =	vadd.s32 v60, v7;
	vm5 =	vlt.s32 v61, $0x6800;
	vm6 =	vgt.s32 v61, $0xCFFF  }
0x7b: {  	[tilespmem:$0x670] =	vst v17;
	vm7 =	vgt.s32 v61, $0x137FF;
	vm8 =	vgt.s32 v35, $0x1869F;
	v45 =	vsel vm9, $0xFFFF9800, v1  }
0x7c: {  	[tilespmem:$0x4E0] =	vst v31;
	v31 =	vld [tilespmem:$0x1B0];
	v46 =	vsel vm10, $0x0, v0;
	v48 =	vsel vm11, $0xFFFF9800, v1;
	v6 =	vadd.s32 v63, v6  }
0x7d: {  	[tilespmem:$0x480] =	vst v18;
	v39 =	vsel vm5, $0x0, v0;
	v40 =	vsel vm6, $0xFFFF9800, v1;
	v43 =	vsel vm7, $0xFFFF9800, v1  }
0x7e: {  	[tilespmem:$0x680] =	vst v19;
	v47 =	vld [tilespmem:$0x170];
	v8 =	vsel vm8, v41, v35;
	v12 =	vadd.s32 v37, v45;
	vm13 =	vlt.s32 v44, $0x6800  }
0x7f: {  	[tilespmem:$0x4A0] =	vst v23;
	v49 =	vld [tilespmem:$0x370];
	vm14 =	vgt.s32 v44, $0xCFFF;
	vm15 =	vgt.s32 v44, $0x137FF;
	v6 =	vadd.s32 v36, v6  }
0x80: {  	[tilespmem:$0x690] =	vst v20;
	v56 =	vld [tilespmem:$0x380];
	v13 =	vadd.s32 v61, v40;
	v12 =	vadd.s32 v46, v12;
	v51 =	vsel vm13, $0x0, v0  }
0x81: {  	[tilespmem:$0x6A0] =	vst v22;
	v59 =	vld [tilespmem:$0x190];
	v52 =	vsel vm14, $0xFFFF9800, v1;
	v55 =	vsel vm15, $0xFFFF9800, v1;
	v36 =	vadd.s32 $0xFFFE7960, v31  }
0x82: {  	[tilespmem:$0x4B0] =	vst v24;
	v42 =	vld [tilespmem:$0x1D0];
	v11 =	vadd.s32 v39, v13;
	v12 =	vadd.s32 v48, v12;
	v14 =	vadd.s32 v44, v52  }
0x83: {  	[tilespmem:$0x4D0] =	vst v29;
	vm4 =	vgt.s32 v47, $0x1869F;
	v53 =	vadd.s32 $0xFFFE7960, v47;
	v11 =	vadd.s32 v43, v11  }
0x84: {  	[tilespmem:$0x6B0] =	vst v25;
	v54 =	vld [tilespmem:$0x180];
	v13 =	vsel vm4, v53, v47;
	vm5 =	vgt.s32 v49, $0xCFFF;
	v14 =	vadd.s32 v51, v14  }
0x85: {  	[tilespmem:$0x4C0] =	vst v26;
	vm6 =	vlt.s32 v49, $0x6800;
	vm7 =	vgt.s32 v49, $0x137FF;
	vm9 =	vlt.s32 v56, $0x6800  }
0x86: {  	[tilespmem:$0x6D0] =	vst v28;
	v28 =	vld [tilespmem:$0x3A0];
	vm10 =	vgt.s32 v56, $0xCFFF;
	vm11 =	vgt.s32 v56, $0x137FF;
	vm12 =	vgt.s32 v59, $0x1869F  }
0x87: {  	[tilespmem:$0x500] =	vst v32;
	v32 =	vld [tilespmem:$0x3B0];
	v26 =	vadd.s32 $0xFFFE7960, v59;
	vm4 =	vgt.s32 v27, $0x1869F;
	v48 =	vadd.s32 $0xFFFE7960, v42  }
0x88: {  	[tilespmem:$0x6E0] =	vst v30;
	v57 =	vsel vm5, $0xFFFF9800, v1;
	v58 =	vsel vm6, $0x0, v0;
	v14 =	vadd.s32 v55, v14  }
0x89: {  	[tilespmem:$0x6F0] =	vst v34;
	v60 =	vsel vm7, $0xFFFF9800, v1;
	vm8 =	vgt.s32 v54, $0x1869F;
	v62 =	vadd.s32 $0xFFFE7960, v54  }
0x8a: {  	[tilespmem:$0x510] =	vst v2;
	v63 =	vsel vm9, $0x0, v0;
	v24 =	vsel vm10, $0xFFFF9800, v1;
	v2 =	vsel vm11, $0xFFFF9800, v1  }
0x8b: {  	[tilespmem:$0x530] =	vst v9;
	v37 =	vld [tilespmem:$0x1C0];
	v17 =	vsel vm12, v26, v59;
	vm5 =	vlt.s32 v28, $0x6800;
	vm6 =	vgt.s32 v28, $0xCFFF  }
0x8c: {  	[tilespmem:$0x700] =	vst v5;
	v61 =	vld [tilespmem:$0x390];
	vm7 =	vgt.s32 v28, $0x137FF;
	vm9 =	vgt.s32 v32, $0xCFFF;
	vm10 =	vlt.s32 v32, $0x6800  }
0x8d: {  	[tilespmem:$0x540] =	vst v10;
	vm11 =	vgt.s32 v32, $0x137FF;
	v16 =	vadd.s32 v49, v57;
	v19 =	vsel vm8, v62, v54  }
0x8e: {  	[tilespmem:$0x560] =	vst v15;
	v25 =	vadd.s32 v56, v24;
	v34 =	vsel vm5, $0x0, v0;
	v35 =	vsel vm6, $0xFFFF9800, v1  }
0x8f: {  	[tilespmem:$0x710] =	vst v3;
	vm8 =	vgt.s32 v31, $0x1869F;
	v38 =	vsel vm7, $0xFFFF9800, v1;
	v40 =	vsel vm9, $0xFFFF9800, v1  }
0x90: {  	[tilespmem:$0x520] =	vst v4;
	v41 =	vsel vm10, $0x0, v0;
	v43 =	vsel vm11, $0xFFFF9800, v1;
	vm12 =	vgt.s32 v37, $0x1869F  }
0x91: {  	[tilespmem:$0x720] =	vst v7;
	v39 =	vld [tilespmem:$0x3C0];
	v45 =	vadd.s32 $0xFFFE7960, v37;
	v16 =	vadd.s32 v58, v16;
	vm13 =	vgt.s32 v61, $0xCFFF  }
0x92: {  	[tilespmem:$0x550] =	vst v8;
	v44 =	vld [tilespmem:$0x3D0];
	v3 =	vadd.s32 v63, v25;
	vm14 =	vlt.s32 v61, $0x6800;
	vm15 =	vgt.s32 v61, $0x137FF  }
0x93: {  	[tilespmem:$0x730] =	vst v6;
	v7 =	vadd.s32 v28, v35;
	v9 =	vsel vm8, v36, v31;
	v8 =	vsel vm12, v45, v37  }
0x94: {  	[tilespmem:$0x750] =	vst v12;
	v16 =	vadd.s32 v60, v16;
	v29 =	vsel vm13, $0xFFFF9800, v1;
	v30 =	vsel vm14, $0x0, v0  }
0x95: {  	v51 =	vld [tilespmem:$0x1E0];
	[tilespmem:$0x740] =	vst v11;
	v2 =	vadd.s32 v2, v3;
	v3 =	vsel vm15, $0xFFFF9800, v1;
	v6 =	vadd.s32 v34, v7  }
0x96: {  	[tilespmem:$0x570] =	vst v13;
	vm13 =	vlt.s32 v39, $0x6800;
	vm14 =	vgt.s32 v39, $0xCFFF;
	vm15 =	vgt.s32 v39, $0x137FF  }
0x97: {  	v55 =	vld [tilespmem:$0x1F0];
	[tilespmem:$0x760] =	vst v14;
	vm5 =	vgt.s32 v44, $0xCFFF;
	vm6 =	vlt.s32 v44, $0x6800;
	vm7 =	vgt.s32 v44, $0x137FF  }
0x98: {  	[tilespmem:$0x590] =	vst v17;
	v5 =	vadd.s32 v61, v29;
	v6 =	vadd.s32 v38, v6;
	v46 =	vsel vm13, $0x0, v0  }
0x99: {  	v49 =	vld [tilespmem:$0x3E0];
	[tilespmem:$0x580] =	vst v19;
	v47 =	vsel vm14, $0xFFFF9800, v1;
	v50 =	vsel vm15, $0xFFFF9800, v1;
	v52 =	vsel vm6, $0x0, v0  }
0x9a: {  	v54 =	vld [tilespmem:$0x3F0];
	[tilespmem:$0x5B0] =	vst v9;
	v53 =	vsel vm7, $0xFFFF9800, v1;
	vm10 =	vgt.s32 v51, $0x1869F;
	v59 =	vadd.s32 $0xFFFE7960, v51  }
0x9b: {  	[tilespmem:$0x780] =	vst v2;
	v4 =	vadd.s32 v30, v5;
	v5 =	vadd.s32 v32, v40;
	v2 =	vadd.s32 v39, v47  }
0x9c: {  	[tilespmem:$0x5C0] =	vst v8;
	vm14 =	vgt.s32 v55, $0x1869F;
	v62 =	vadd.s32 $0xFFFE7960, v55;
	v3 =	vadd.s32 v3, v4  }
0x9d: {  	[tilespmem:$0x770] =	vst v16;
	v4 =	vsel vm4, v33, v27;
	v5 =	vadd.s32 v41, v5;
	vm4 =	vgt.s32 v42, $0x1869F  }
0x9e: {  	[tilespmem:$0x7A0] =	vst v6;
	v2 =	vadd.s32 v46, v2;
	vm8 =	vlt.s32 v49, $0x6800;
	vm9 =	vgt.s32 v49, $0xCFFF  }
0x9f: {  	vm11 =	vgt.s32 v49, $0x137FF;
	vm12 =	vlt.s32 v54, $0x6800;
	vm13 =	vgt.s32 v54, $0xCFFF;
	[tilespmem:$0x790] =	vst v3  }
0xa0: {  	vm15 =	vgt.s32 v54, $0x137FF;
	v5 =	vadd.s32 v43, v5;
	v7 =	vsel vm4, v48, v42;
	[tilespmem:$0x5A0] =	vst v4  }
0xa1: {  	v3 =	vsel vm5, $0xFFFF9800, v1;
	v2 =	vadd.s32 v50, v2;
	v56 =	vsel vm8, $0x0, v0;
	[tilespmem:$0x7B0] =	vst v5  }
0xa2: {  	v57 =	vsel vm9, $0xFFFF9800, v1;
	v60 =	vsel vm11, $0xFFFF9800, v1;
	v3 =	vadd.s32 v44, v3;
	[tilespmem:$0x7C0] =	vst v2  }
0xa3: {  	v61 =	vsel vm13, $0xFFFF9800, v1;
	v2 =	vsel vm10, v59, v51;
	[tilespmem:$0x5D0] =	vst v7;
	v3 =	vadd.s32 v52, v3  }
0xa4: {  	v4 =	vsel vm14, v62, v55;
	v58 =	vadd.s32 v49, v57;
	[tilespmem:$0x5E0] =	vst v2;
	v3 =	vadd.s32 v53, v3  }
0xa5: {  	v5 =	vadd.s32 v56, v58;
	v2 =	vadd.s32 v54, v61;
	[tilespmem:$0x7D0] =	vst v3;
	v3 =	vsel vm12, $0x0, v0  }
0xa6: {  	v63 =	vsel vm15, $0xFFFF9800, v1;
	[tilespmem:$0x5F0] =	vst v4;
	v5 =	vadd.s32 v60, v5;
	v2 =	vadd.s32 v3, v2  }
0xa7: {  	[tilespmem:$0x7E0] =	vst v5;
	v2 =	vadd.s32 v63, v2  }
0xa8: {  	[tilespmem:$0x7F0] =	vst v2  }
0xa9: {  	[tilespmem:s20], [sflag:$0x1] =	stream.indirect.gather [hbm4b:s3+s18], $0x80, s19, s18, $0xb8;
	[tilespmem:$0x8800] =	vst v63  }
0xaa: {  	_ = 	snop  }
0xab: {  	[tilespmem:s22], [sflag:$0x1] =	stream.indirect.gather [hbm4b:s4+s18], $0x80, s21, s18, $0xb8;
	[tilespmem:$0x8800] =	vst v63  }
0xac: {  	_ =	swait.ge [sflag:s23], $0x4000  }
0xad: {  	[sflag:s23] =	ssyncset.done $0x0  }
0xae: {  	[sflag:s23] =	ssyncadd.s32 $0xFFFFC000  }
0xaf: {  	_ =	swait.ge [sflag:s23], $0x4000  }
0xb0: {  	[sflag:s23] =	ssyncset.done $0x0  }
0xb1: {  	[sflag:s23] =	ssyncadd.s32 $0xFFFFC000  }
0xb2: {  	[hbm4b:s7+s1] =	stream.linear.scatter [tilespmem:s20], [sflag:$0x2], $0x4000, $0x38;
	[tilespmem:$0x8800] =	vst v63  }
0xb3: {  	_ = 	snop  }
0xb4: {  	[hbm4b:s8+s1] =	stream.linear.scatter [tilespmem:s22], [sflag:$0x2], $0x4000, $0x38;
	[tilespmem:$0x8800] =	vst v63  }
0xb5: {  	_ =	swait.ge [sflag:s24], $0x4000  }
0xb6: {  	[sflag:s24] =	ssyncset.done $0x0  }
0xb7: {  	[sflag:s24] =	ssyncadd.s32 $0xFFFFC000  }
0xb8: {  	_ =	swait.ge [sflag:s24], $0x4000  }
0xb9: {  	[sflag:s24] =	ssyncset.done $0x0  }
0xba: {  	[sflag:s24] =	ssyncadd.s32 $0xFFFFC000  }
0xbb: {  	[tilespmem:s20], [sflag:$0x1] =	stream.indirect.gather [hbm4b:s3+s18], $0x80, s25, s18, $0xb8;
	[tilespmem:$0x8800] =	vst v63  }
0xbc: {  	_ = 	snop  }
0xbd: {  	[tilespmem:s22], [sflag:$0x1] =	stream.indirect.gather [hbm4b:s4+s18], $0x80, s26, s18, $0xb8;
	[tilespmem:$0x8800] =	vst v63  }
0xbe: {  	_ =	swait.ge [sflag:s23], $0x4000  }
0xbf: {  	[sflag:s23] =	ssyncset.done $0x0  }
0xc0: {  	[sflag:s23] =	ssyncadd.s32 $0xFFFFC000  }
0xc1: {  	_ =	swait.ge [sflag:s23], $0x4000  }
0xc2: {  	[sflag:s23] =	ssyncset.done $0x0  }
0xc3: {  	[sflag:s23] =	ssyncadd.s32 $0xFFFFC000  }
0xc4: {  	[hbm4b:s9+s1] =	stream.linear.scatter [tilespmem:s20], [sflag:$0x2], $0x4000, $0x38;
	[tilespmem:$0x8800] =	vst v63  }
0xc5: {  	_ = 	snop  }
0xc6: {  	[hbm4b:s10+s1] =	stream.linear.scatter [tilespmem:s22], [sflag:$0x2], $0x4000, $0x38;
	[tilespmem:$0x8800] =	vst v63  }
0xc7: {  	_ =	swait.ge [sflag:s24], $0x4000  }
0xc8: {  	[sflag:s24] =	ssyncset.done $0x0  }
0xc9: {  	[sflag:s24] =	ssyncadd.s32 $0xFFFFC000  }
0xca: {  	_ =	swait.ge [sflag:s24], $0x4000  }
0xcb: {  	[sflag:s24] =	ssyncset.done $0x0  }
0xcc: {  	[sflag:s24] =	ssyncadd.s32 $0xFFFFC000  }
0xcd: {  	[tilespmem:s20], [sflag:$0x1] =	stream.indirect.gather [hbm4b:s3+s18], $0x80, s28, s18, $0xb8;
	[tilespmem:$0x8800] =	vst v63  }
0xce: {  	_ = 	snop  }
0xcf: {  	[tilespmem:s22], [sflag:$0x1] =	stream.indirect.gather [hbm4b:s4+s18], $0x80, s29, s18, $0xb8;
	[tilespmem:$0x8800] =	vst v63  }
0xd0: {  	_ =	swait.ge [sflag:s23], $0x4000  }
0xd1: {  	[sflag:s23] =	ssyncset.done $0x0  }
0xd2: {  	[sflag:s23] =	ssyncadd.s32 $0xFFFFC000  }
0xd3: {  	_ =	swait.ge [sflag:s23], $0x4000  }
0xd4: {  	[sflag:s23] =	ssyncset.done $0x0  }
0xd5: {  	[sflag:s23] =	ssyncadd.s32 $0xFFFFC000  }
0xd6: {  	[hbm4b:s11+s1] =	stream.linear.scatter [tilespmem:s20], [sflag:$0x2], $0x4000, $0x38;
	[tilespmem:$0x8800] =	vst v63  }
0xd7: {  	_ = 	snop  }
0xd8: {  	[hbm4b:s12+s1] =	stream.linear.scatter [tilespmem:s22], [sflag:$0x2], $0x4000, $0x38;
	[tilespmem:$0x8800] =	vst v63  }
0xd9: {  	_ =	swait.ge [sflag:s24], $0x4000  }
0xda: {  	[sflag:s24] =	ssyncset.done $0x0  }
0xdb: {  	[sflag:s24] =	ssyncadd.s32 $0xFFFFC000  }
0xdc: {  	_ =	swait.ge [sflag:s24], $0x4000  }
0xdd: {  	[sflag:s24] =	ssyncset.done $0x0  }
0xde: {  	[sflag:s24] =	ssyncadd.s32 $0xFFFFC000  }
0xdf: {  	[tilespmem:s20], [sflag:$0x1] =	stream.indirect.gather [hbm4b:s3+s18], $0x80, s30, s18, $0xb8;
	[tilespmem:$0x8800] =	vst v63  }
0xe0: {  	_ = 	snop  }
0xe1: {  	[tilespmem:s22], [sflag:$0x1] =	stream.indirect.gather [hbm4b:s4+s18], $0x80, s31, s18, $0xb8;
	[tilespmem:$0x8800] =	vst v63  }
0xe2: {  	_ =	swait.ge [sflag:s23], $0x4000  }
0xe3: {  	[sflag:s23] =	ssyncset.done $0x0  }
0xe4: {  	[sflag:s23] =	ssyncadd.s32 $0xFFFFC000  }
0xe5: {  	_ =	swait.ge [sflag:s23], $0x4000  }
0xe6: {  	[sflag:s23] =	ssyncset.done $0x0  }
0xe7: {  	[sflag:s23] =	ssyncadd.s32 $0xFFFFC000  }
0xe8: {  	[hbm4b:s13+s1] =	stream.linear.scatter [tilespmem:s20], [sflag:$0x2], $0x4000, $0x38;
	[tilespmem:$0x8800] =	vst v63  }
0xe9: {  	_ = 	snop  }
0xea: {  	[hbm4b:s14+s1] =	stream.linear.scatter [tilespmem:s22], [sflag:$0x2], $0x4000, $0x38;
	[tilespmem:$0x8800] =	vst v63  }
0xeb: {  	p0 =	sne.s32 s15, $0x1;
	_ =	swait.ge [sflag:s24], $0x4000  }
.Ltmp0:
0xec: {  	[sflag:s24] =	ssyncset.done $0x0;
	(pc) =	sbr.rel @p0 .LBB2_1-.Ltmp0, $4  }
0xed: {  	[sflag:s24] =	ssyncadd.s32 $0xFFFFC000  }
0xee: {  	_ =	swait.ge [sflag:s24], $0x4000  }
0xef: {  	[sflag:s24] =	ssyncset.done $0x0  }
0xf0: {  	s15 =	sadd.s32 $0xFFFFFFFF, s15;
	[sflag:s24] =	ssyncadd.s32 $0xFFFFC000  }
0xf1: {  	_ =	sfence.sel $0x180000  }
0xf2: {  	[bflag:$0x0] =	sbarrier.arrive $0xFFFF  }
0xf3: {  	p0 =	sne.s32 s2, $0x0;
	_ =	strace $0x90000047  }
0xf4: {  	s0 =	sadd.s32 @!p0 $0x100000, s0;
	[bflag:$0x2] =	sbarrier.arrive $0xFFFF  }
0xf5: {  	[sflag:s0] =	ssyncadd.tile.s32 @!p0 $0x1;
	_ =	shalt  }
.Lfunc_end2:
_tile_overlayer_lowered:
.L_overlay_start_2:
0xf6: {  	(tag) =	ssettag $0x2  }
0xf7: {  	s0 =	rddreg [dreg:$0x0];
	s2 =	stileid.u32  }
0xf8: {  	s1 =	rddreg [dreg:$0x1];
	p0 =	sne.s32 s2, $0x0  }
0xf9: {  	s3 =	rddreg [dreg:$0x2];
	[bflag:$0x3] =	sbarrier.arrive $0xFFFF;
	s2 =	simm.s32 @!p0 $0x1C03  }
0xfa: {  	[timem:s3], [sflag:s2] =	dma.local @!p0 [hbm:s0], s1  }
0xfb: {  	s0 =	simm.s32 @!p0 $0x3  }
0xfc: {  	_ =	swait.ge @!p0 [sflag:s0], s1  }
0xfd: {  	s1 =	ssub.s32 @!p0 $0x0, s1;
	[sflag:s0] =	ssyncset.done @!p0 $0x0  }
0xfe: {  	[sflag:s0] =	ssyncadd.s32 @!p0 s1  }
0xff: {  	[bflag:$0x3] =	sbarrier.arrive $0xFFFF  }
0x100: {  	_ =	shalt  }

</sc_bundles>
